<compile_context>
chip_gen: v7x
topology: tpu7x:2x2x1
jax: 0.10.2.dev20260603
libtpu: 0.0.44.dev20260713+nightly
codegen_flags: <defaults>
</compile_context>

<pallas_src>
import dataclasses
import functools

import jax
import jax.numpy as jnp
from jax import lax
from jax.experimental import pallas as pl
from jax.experimental.pallas import tpu as pltpu
from jax.experimental.pallas import tpu_sc as plsc


def kernel(values_nu, values_1, sel_nu, sel_1, l):
    S, M, Qnu = values_nu.shape
    Q1 = values_1.shape[2]
    P = sel_nu.shape[0]

    LANES = 16
    NW = 32
    CS = 2 * LANES
    NCHUNK = S // CS
    CPW = NCHUNK // NW
    PQ = min(P, 256)
    NPQ = P // PQ

    cg = lax.rsqrt(2.0 * l + 1.0).astype(jnp.float32)
    cg16 = jnp.full((LANES,), cg, jnp.float32)

    a_r = values_nu.reshape(NCHUNK, CS, M, Qnu)
    b_r = values_1.reshape(NCHUNK, CS, M, Q1)

    mesh = plsc.VectorSubcoreMesh(core_axis_name="c", subcore_axis_name="s")
    cp = pltpu.CompilerParams()
    for fld, val in (("needs_layout_passes", False),
                     ("use_tc_tiling_on_sc", False)):
        if fld in pltpu.CompilerParams.__dataclass_fields__:
            cp = dataclasses.replace(cp, **{fld: val})

    @functools.partial(
        pl.kernel,
        mesh=mesh,
        compiler_params=cp,
        out_type=jax.ShapeDtypeStruct((S, P), jnp.float32),
        scratch_types=[
            pltpu.VMEM((Qnu, M, CS), jnp.bfloat16),
            pltpu.VMEM((Q1, M, CS), jnp.bfloat16),
            pltpu.VMEM((CS, Qnu), jnp.float32),
            pltpu.VMEM((CS, Q1), jnp.float32),
            pltpu.VMEM((P,), jnp.int32),
            pltpu.VMEM((P,), jnp.int32),
            pltpu.VMEM((CS, PQ), jnp.float32),
            pltpu.VMEM((LANES,), jnp.float32),
        ],
    )
    def _run(a_hbm, b_hbm, snu_hbm, s1_hbm, cg_hbm, out_hbm,
             a_v, b_v, stage_a, stage_b, snu_v, s1_v, o_v, cg_v):
        nc = 2
        wid = lax.axis_index("s") * nc + lax.axis_index("c")
        pltpu.sync_copy(snu_hbm, snu_v)
        pltpu.sync_copy(s1_hbm, s1_v)
        pltpu.sync_copy(cg_hbm, cg_v)
        cgv = cg_v[...]
        row_e = lax.iota(jnp.int32, LANES)
        row_o = row_e + LANES

        for ci in range(CPW):
            chunk = wid * CPW + ci

            for src, stage, tab, q_len in ((a_hbm, stage_a, a_v, Qnu),
                                           (b_hbm, stage_b, b_v, Q1)):

                @pl.loop(0, M)
                def _(m, src=src, stage=stage, tab=tab, q_len=q_len):
                    pltpu.sync_copy(src.at[chunk, :, m, :], stage)

                    @pl.loop(0, q_len, unroll=4)
                    def _(q, stage=stage, tab=tab, m=m):
                        qv = jnp.full((LANES,), q, jnp.int32)
                        g0 = plsc.load_gather(stage, [row_e, qv])
                        g1 = plsc.load_gather(stage, [row_o, qv])
                        tab[q, m] = plsc.pack(
                            g0, g1, format=plsc.PackFormat.INTERLEAVED)

            @pl.loop(0, NPQ)
            def _(qb, chunk=chunk):

                @pl.loop(0, PQ, step=LANES)
                def _(pj, qb=qb):
                    colb = jnp.full((LANES,), pj, jnp.int32)
                    snu16 = snu_v[pl.ds(qb * PQ + pj, LANES)]
                    s116 = s1_v[pl.ds(qb * PQ + pj, LANES)]
                    for u in range(LANES):
                        qn = snu16[u]
                        q1 = s116[u]
                        accs = [None, None, None]
                        for m in range(M):
                            t = a_v[qn, m] * b_v[q1, m]
                            k = m % 3
                            accs[k] = t if accs[k] is None else accs[k] + t
                        tot = accs[0]
                        if accs[1] is not None:
                            tot = tot + accs[1]
                        if accs[2] is not None:
                            tot = tot + accs[2]
                        lo, hi = plsc.unpack(
                            tot, format=plsc.PackFormat.INTERLEAVED,
                            preferred_element_type=jnp.float32)
                        lo = lo * cgv
                        hi = hi * cgv
                        col = colb + u
                        plsc.store_scatter(o_v, [row_e, col], lo)
                        plsc.store_scatter(o_v, [row_o, col], hi)

                pltpu.sync_copy(
                    o_v,
                    out_hbm.at[pl.ds(chunk * CS, CS), pl.ds(qb * PQ, PQ)],
                )

    return _run(a_r, b_r, sel_nu, sel_1, cg16)

# --- scband reference (transcript-rebuilt; emitter-appended) ---
"""Pipeline reference for scband-leinvariant-calculator-16767552324129 (READ-ONLY COPY).

The authoritative reference and input builder live on the scoring server;
editing this copy changes nothing except your own understanding.
"""

import jax, jax.numpy as jnp
import numpy as np


def setup_inputs(seed: int = 0) -> dict:
    key = jax.random.key(seed)
    k1, k2, k3, k4 = jax.random.split(key, 4)
    S, M, Qnu, Q1, P = 1024, 9, 512, 128, 4096
    values_nu = jax.random.normal(k1, (S, M, Qnu), dtype=jnp.float32)
    values_1 = jax.random.normal(k2, (S, M, Q1), dtype=jnp.float32)
    sel_nu = jax.random.randint(k3, (P,), 0, Qnu, dtype=jnp.int32)
    sel_1 = jax.random.randint(k4, (P,), 0, Q1, dtype=jnp.int32)
    return {"values_nu": values_nu, "values_1": values_1, "sel_nu": sel_nu, "sel_1": sel_1, "l": 4}


def reference(values_nu, values_1, sel_nu, sel_1, l):
    # Core per-(a_i, l) kernel of LEInvariantCalculator.forward:
    # data[:, slice] = cg * sum_m block_nu.values[:, m, sel[:,0]] * block_1.values[:, m, sel[:,1]]
    # where sel holds the precomputed (q_nu, q_1) pairs surviving the eigenvalue/parity cuts
    # and cg = 1/sqrt(2l+1) is the l,l -> 0 Clebsch-Gordan coefficient.
    cg = 1.0 / jnp.sqrt(2.0 * l + 1.0)
    gathered_nu = jnp.take(values_nu, sel_nu, axis=2)  # [S, M, P]
    gathered_1 = jnp.take(values_1, sel_1, axis=2)    # [S, M, P]
    data = cg * jnp.sum(gathered_nu * gathered_1, axis=1)  # [S, P]
    return data

if __name__ == "__main__":
    import jax
    _d = setup_inputs()
    print(jax.jit(kernel)(*tuple(_d.values())))

</pallas_src>

<mosaic_0001>
#map = affine_map<(d0, d1) -> (0, 0, 0, 0)>
#map1 = affine_map<(d0, d1) -> (0)>
#map2 = affine_map<(d0, d1) -> (0, 0)>
module attributes {stable_mosaic.version = 14 : i64} {
  func.func @_run(%arg0: i32, %arg1: i32, %arg2: memref<32x32x9x512xf32, #tpu.memory_space<hbm>>, %arg3: memref<32x32x9x128xf32, #tpu.memory_space<hbm>>, %arg4: memref<4096xi32, #tpu.memory_space<hbm>>, %arg5: memref<4096xi32, #tpu.memory_space<hbm>>, %arg6: memref<16xf32, #tpu.memory_space<hbm>>, %arg7: memref<1024x4096xf32, #tpu.memory_space<hbm>>, %arg8: memref<512x9x32xbf16, #tpu.memory_space<vmem>>, %arg9: memref<128x9x32xbf16, #tpu.memory_space<vmem>>, %arg10: memref<32x512xf32, #tpu.memory_space<vmem>>, %arg11: memref<32x128xf32, #tpu.memory_space<vmem>>, %arg12: memref<4096xi32, #tpu.memory_space<vmem>>, %arg13: memref<4096xi32, #tpu.memory_space<vmem>>, %arg14: memref<32x256xf32, #tpu.memory_space<vmem>>, %arg15: memref<16xf32, #tpu.memory_space<vmem>>) attributes {dimension_semantics = [#tpu.dimension_semantics<core_parallel>, #tpu.dimension_semantics<subcore_parallel>], iteration_bounds = array<i64: 2, 16>, scalar_prefetch = 0 : i64, scratch_operands = 8 : i64, tpu.core_type = #tpu.core_type<sc_vector_subcore>, window_params = [{transform_indices = #map}, {transform_indices = #map}, {transform_indices = #map1}, {transform_indices = #map1}, {transform_indices = #map1}, {transform_indices = #map2}]} {
    %mul3A = arith.constant 2 : i32
    %mul3A_0 = arith.muli %arg1, %mul3A : i32
    %add3A = arith.addi %mul3A_0, %arg0 : i32
    "tpu.region"() ({
      %run_scoped3A = tpu.sem_alloc : memref<!tpu.dma_semaphore, #tpu.memory_space<semaphore_mem>>
      tpu.enqueue_dma source(%arg4 : memref<4096xi32, #tpu.memory_space<hbm>>) target(%arg12 : memref<4096xi32, #tpu.memory_space<vmem>>) target_semaphore(%run_scoped3A : memref<!tpu.dma_semaphore, #tpu.memory_space<semaphore_mem>>)
      tpu.wait_dma2 semaphore(%run_scoped3A : memref<!tpu.dma_semaphore, #tpu.memory_space<semaphore_mem>>) src(%arg4 : memref<4096xi32, #tpu.memory_space<hbm>>) dst(%arg12 : memref<4096xi32, #tpu.memory_space<vmem>>)
      tpu.yield
    }) : () -> ()
    "tpu.region"() ({
      %run_scoped3A = tpu.sem_alloc : memref<!tpu.dma_semaphore, #tpu.memory_space<semaphore_mem>>
      tpu.enqueue_dma source(%arg5 : memref<4096xi32, #tpu.memory_space<hbm>>) target(%arg13 : memref<4096xi32, #tpu.memory_space<vmem>>) target_semaphore(%run_scoped3A : memref<!tpu.dma_semaphore, #tpu.memory_space<semaphore_mem>>)
      tpu.wait_dma2 semaphore(%run_scoped3A : memref<!tpu.dma_semaphore, #tpu.memory_space<semaphore_mem>>) src(%arg5 : memref<4096xi32, #tpu.memory_space<hbm>>) dst(%arg13 : memref<4096xi32, #tpu.memory_space<vmem>>)
      tpu.yield
    }) : () -> ()
    "tpu.region"() ({
      %run_scoped3A = tpu.sem_alloc : memref<!tpu.dma_semaphore, #tpu.memory_space<semaphore_mem>>
      tpu.enqueue_dma source(%arg6 : memref<16xf32, #tpu.memory_space<hbm>>) target(%arg15 : memref<16xf32, #tpu.memory_space<vmem>>) target_semaphore(%run_scoped3A : memref<!tpu.dma_semaphore, #tpu.memory_space<semaphore_mem>>)
      tpu.wait_dma2 semaphore(%run_scoped3A : memref<!tpu.dma_semaphore, #tpu.memory_space<semaphore_mem>>) src(%arg6 : memref<16xf32, #tpu.memory_space<hbm>>) dst(%arg15 : memref<16xf32, #tpu.memory_space<vmem>>)
      tpu.yield
    }) : () -> ()
    %get3A = arith.constant 0 : index
    %get3A_1 = tpu.vector_load %arg15[%get3A] {strides = array<i32>} : memref<16xf32, #tpu.memory_space<vmem>>, vector<16xf32>,
    %iota3A = tpu.iota {dimensions = array<i32: 0>} : vector<16xi32>
    %add3A_2 = arith.constant 16 : i32
    %add3A_3 = vector.broadcast %add3A_2 : i32 to vector<16xi32>
    %add3A_4 = arith.addi %iota3A, %add3A_3 : vector<16xi32>
    %mul3A_5 = arith.constant 1 : i32
    %mul3A_6 = arith.muli %add3A, %mul3A_5 : i32
    %add3A_7 = arith.constant 0 : i32
    %add3A_8 = arith.addi %mul3A_6, %add3A_7 : i32
    %scan3A = arith.constant 0 : i32
    %scan3A_9 = arith.constant 9 : i32
    %scan3A_10 = arith.addi %scan3A, %scan3A_9 : i32
    %scan3A_11 = arith.constant 1 : i32
    scf.for %scan3A_23 = %scan3A to %scan3A_10 step %scan3A_11  : i32 {
      %mul3A_24 = arith.constant 1 : i32
      %mul3A_25 = arith.muli %scan3A_23, %mul3A_24 : i32
      %add3A_26 = arith.constant 0 : i32
      %add3A_27 = arith.addi %add3A_26, %mul3A_25 : i32
      "tpu.region"() ({
        %run_scoped3A = tpu.sem_alloc : memref<!tpu.dma_semaphore, #tpu.memory_space<semaphore_mem>>
        %dma_start3A = arith.constant 0 : i32
        %dma_start3A_33 = arith.constant 0 : i32
        %dma_start3A_34 = tpu.memref_slice %arg2[%add3A_8, %dma_start3A, %add3A_27, %dma_start3A_33] : memref<32x32x9x512xf32, #tpu.memory_space<hbm>> -> memref<1x32x1x512xf32, #tpu.memory_space<hbm>>
        %dma_start3A_35 = tpu.memref_squeeze %dma_start3A_34 : memref<1x32x1x512xf32, #tpu.memory_space<hbm>> -> memref<32x512xf32, #tpu.memory_space<hbm>>
        %dma_start3A_36 = arith.constant 0 : i32
        %dma_start3A_37 = arith.constant 0 : i32
        %dma_start3A_38 = tpu.memref_slice %arg2[%add3A_8, %dma_start3A_36, %add3A_27, %dma_start3A_37] : memref<32x32x9x512xf32, #tpu.memory_space<hbm>> -> memref<1x32x1x512xf32, #tpu.memory_space<hbm>>
        %dma_start3A_39 = tpu.memref_squeeze %dma_start3A_38 : memref<1x32x1x512xf32, #tpu.memory_space<hbm>> -> memref<32x512xf32, #tpu.memory_space<hbm>>
        tpu.enqueue_dma source(%dma_start3A_39 : memref<32x512xf32, #tpu.memory_space<hbm>>) target(%arg10 : memref<32x512xf32, #tpu.memory_space<vmem>>) target_semaphore(%run_scoped3A : memref<!tpu.dma_semaphore, #tpu.memory_space<semaphore_mem>>)
        %dma_wait3A = arith.constant 0 : i32
        %dma_wait3A_40 = arith.constant 0 : i32
        %dma_wait3A_41 = tpu.memref_slice %arg2[%add3A_8, %dma_wait3A, %add3A_27, %dma_wait3A_40] : memref<32x32x9x512xf32, #tpu.memory_space<hbm>> -> memref<1x32x1x512xf32, #tpu.memory_space<hbm>>
        %dma_wait3A_42 = tpu.memref_squeeze %dma_wait3A_41 : memref<1x32x1x512xf32, #tpu.memory_space<hbm>> -> memref<32x512xf32, #tpu.memory_space<hbm>>
        %dma_wait3A_43 = arith.constant 0 : i32
        %dma_wait3A_44 = arith.constant 0 : i32
        %dma_wait3A_45 = tpu.memref_slice %arg2[%add3A_8, %dma_wait3A_43, %add3A_27, %dma_wait3A_44] : memref<32x32x9x512xf32, #tpu.memory_space<hbm>> -> memref<1x32x1x512xf32, #tpu.memory_space<hbm>>
        %dma_wait3A_46 = tpu.memref_squeeze %dma_wait3A_45 : memref<1x32x1x512xf32, #tpu.memory_space<hbm>> -> memref<32x512xf32, #tpu.memory_space<hbm>>
        tpu.wait_dma2 semaphore(%run_scoped3A : memref<!tpu.dma_semaphore, #tpu.memory_space<semaphore_mem>>) src(%dma_wait3A_46 : memref<32x512xf32, #tpu.memory_space<hbm>>) dst(%arg10 : memref<32x512xf32, #tpu.memory_space<vmem>>)
        tpu.yield
      }) : () -> ()
      %scan3A_28 = arith.constant 0 : i32
      %scan3A_29 = arith.constant 512 : i32
      %scan3A_30 = arith.addi %scan3A_28, %scan3A_29 : i32
      %scan3A_31 = arith.constant 4 : i32
      scf.for %scan3A_33 = %scan3A_28 to %scan3A_30 step %scan3A_31  : i32 {
        %mul3A_34 = arith.constant 1 : i32
        %mul3A_35 = arith.muli %scan3A_33, %mul3A_34 : i32
        %add3A_36 = arith.constant 0 : i32
        %add3A_37 = arith.addi %add3A_36, %mul3A_35 : i32
        %broadcast_in_dim3A = vector.broadcast %add3A_37 : i32 to vector<16xi32>
        %gather3A = tpu.vector_load_idx %arg10[%iota3A, %broadcast_in_dim3A] : memref<32x512xf32, #tpu.memory_space<vmem>>[vector<16xi32>, vector<16xi32>], vector<16xf32>,
        %gather3A_38 = tpu.vector_load_idx %arg10[%add3A_4, %broadcast_in_dim3A] : memref<32x512xf32, #tpu.memory_space<vmem>>[vector<16xi32>, vector<16xi32>], vector<16xf32>,
        %pack3A = tpu.pack_subelements %gather3A, %gather3A_38 {pack_format = #tpu.pack_format<interleaved>, positions = array<i32: 0, 1>} : vector<16xf32>, vector<16xf32> -> vector<32xbf16>
        %swap3A = arith.index_cast %add3A_37 : i32 to index
        %swap3A_39 = arith.index_cast %add3A_27 : i32 to index
        %swap3A_40 = arith.constant 0 : index
        %swap3A_41 = tpu.vector_load %arg8[%swap3A, %swap3A_39, %swap3A_40] {strides = array<i32>} : memref<512x9x32xbf16, #tpu.memory_space<vmem>>, vector<32xbf16>,
        tpu.vector_store %arg8[%swap3A, %swap3A_39, %swap3A_40], %pack3A {strides = array<i32>} : memref<512x9x32xbf16, #tpu.memory_space<vmem>>, vector<32xbf16>,
        %scan3A_42 = arith.constant 1 : i32
        %scan3A_43 = arith.addi %scan3A_33, %scan3A_42 : i32
        %mul3A_44 = arith.constant 1 : i32
        %mul3A_45 = arith.muli %scan3A_43, %mul3A_44 : i32
        %add3A_46 = arith.constant 0 : i32
        %add3A_47 = arith.addi %add3A_46, %mul3A_45 : i32
        %broadcast_in_dim3A_48 = vector.broadcast %add3A_47 : i32 to vector<16xi32>
        %gather3A_49 = tpu.vector_load_idx %arg10[%iota3A, %broadcast_in_dim3A_48] : memref<32x512xf32, #tpu.memory_space<vmem>>[vector<16xi32>, vector<16xi32>], vector<16xf32>,
        %gather3A_50 = tpu.vector_load_idx %arg10[%add3A_4, %broadcast_in_dim3A_48] : memref<32x512xf32, #tpu.memory_space<vmem>>[vector<16xi32>, vector<16xi32>], vector<16xf32>,
        %pack3A_51 = tpu.pack_subelements %gather3A_49, %gather3A_50 {pack_format = #tpu.pack_format<interleaved>, positions = array<i32: 0, 1>} : vector<16xf32>, vector<16xf32> -> vector<32xbf16>
        %swap3A_52 = arith.index_cast %add3A_47 : i32 to index
        %swap3A_53 = arith.index_cast %add3A_27 : i32 to index
        %swap3A_54 = arith.constant 0 : index
        %swap3A_55 = tpu.vector_load %arg8[%swap3A_52, %swap3A_53, %swap3A_54] {strides = array<i32>} : memref<512x9x32xbf16, #tpu.memory_space<vmem>>, vector<32xbf16>,
        tpu.vector_store %arg8[%swap3A_52, %swap3A_53, %swap3A_54], %pack3A_51 {strides = array<i32>} : memref<512x9x32xbf16, #tpu.memory_space<vmem>>, vector<32xbf16>,
        %scan3A_56 = arith.constant 2 : i32
        %scan3A_57 = arith.addi %scan3A_33, %scan3A_56 : i32
        %mul3A_58 = arith.constant 1 : i32
        %mul3A_59 = arith.muli %scan3A_57, %mul3A_58 : i32
        %add3A_60 = arith.constant 0 : i32
        %add3A_61 = arith.addi %add3A_60, %mul3A_59 : i32
        %broadcast_in_dim3A_62 = vector.broadcast %add3A_61 : i32 to vector<16xi32>
        %gather3A_63 = tpu.vector_load_idx %arg10[%iota3A, %broadcast_in_dim3A_62] : memref<32x512xf32, #tpu.memory_space<vmem>>[vector<16xi32>, vector<16xi32>], vector<16xf32>,
        %gather3A_64 = tpu.vector_load_idx %arg10[%add3A_4, %broadcast_in_dim3A_62] : memref<32x512xf32, #tpu.memory_space<vmem>>[vector<16xi32>, vector<16xi32>], vector<16xf32>,
        %pack3A_65 = tpu.pack_subelements %gather3A_63, %gather3A_64 {pack_format = #tpu.pack_format<interleaved>, positions = array<i32: 0, 1>} : vector<16xf32>, vector<16xf32> -> vector<32xbf16>
        %swap3A_66 = arith.index_cast %add3A_61 : i32 to index
        %swap3A_67 = arith.index_cast %add3A_27 : i32 to index
        %swap3A_68 = arith.constant 0 : index
        %swap3A_69 = tpu.vector_load %arg8[%swap3A_66, %swap3A_67, %swap3A_68] {strides = array<i32>} : memref<512x9x32xbf16, #tpu.memory_space<vmem>>, vector<32xbf16>,
        tpu.vector_store %arg8[%swap3A_66, %swap3A_67, %swap3A_68], %pack3A_65 {strides = array<i32>} : memref<512x9x32xbf16, #tpu.memory_space<vmem>>, vector<32xbf16>,
        %scan3A_70 = arith.constant 3 : i32
        %scan3A_71 = arith.addi %scan3A_33, %scan3A_70 : i32
        %mul3A_72 = arith.constant 1 : i32
        %mul3A_73 = arith.muli %scan3A_71, %mul3A_72 : i32
        %add3A_74 = arith.constant 0 : i32
        %add3A_75 = arith.addi %add3A_74, %mul3A_73 : i32
        %broadcast_in_dim3A_76 = vector.broadcast %add3A_75 : i32 to vector<16xi32>
        %gather3A_77 = tpu.vector_load_idx %arg10[%iota3A, %broadcast_in_dim3A_76] : memref<32x512xf32, #tpu.memory_space<vmem>>[vector<16xi32>, vector<16xi32>], vector<16xf32>,
        %gather3A_78 = tpu.vector_load_idx %arg10[%add3A_4, %broadcast_in_dim3A_76] : memref<32x512xf32, #tpu.memory_space<vmem>>[vector<16xi32>, vector<16xi32>], vector<16xf32>,
        %pack3A_79 = tpu.pack_subelements %gather3A_77, %gather3A_78 {pack_format = #tpu.pack_format<interleaved>, positions = array<i32: 0, 1>} : vector<16xf32>, vector<16xf32> -> vector<32xbf16>
        %swap3A_80 = arith.index_cast %add3A_75 : i32 to index
        %swap3A_81 = arith.index_cast %add3A_27 : i32 to index
        %swap3A_82 = arith.constant 0 : index
        %swap3A_83 = tpu.vector_load %arg8[%swap3A_80, %swap3A_81, %swap3A_82] {strides = array<i32>} : memref<512x9x32xbf16, #tpu.memory_space<vmem>>, vector<32xbf16>,
        tpu.vector_store %arg8[%swap3A_80, %swap3A_81, %swap3A_82], %pack3A_79 {strides = array<i32>} : memref<512x9x32xbf16, #tpu.memory_space<vmem>>, vector<32xbf16>,
      }
      %scan3A_32 = arith.constant 512 : i32
    }
    %scan3A_12 = arith.constant 9 : i32
    %scan3A_13 = arith.constant 0 : i32
    %scan3A_14 = arith.constant 9 : i32
    %scan3A_15 = arith.addi %scan3A_13, %scan3A_14 : i32
    %scan3A_16 = arith.constant 1 : i32
    scf.for %scan3A_23 = %scan3A_13 to %scan3A_15 step %scan3A_16  : i32 {
      %mul3A_24 = arith.constant 1 : i32
      %mul3A_25 = arith.muli %scan3A_23, %mul3A_24 : i32
      %add3A_26 = arith.constant 0 : i32
      %add3A_27 = arith.addi %add3A_26, %mul3A_25 : i32
      "tpu.region"() ({
        %run_scoped3A = tpu.sem_alloc : memref<!tpu.dma_semaphore, #tpu.memory_space<semaphore_mem>>
        %dma_start3A = arith.constant 0 : i32
        %dma_start3A_33 = arith.constant 0 : i32
        %dma_start3A_34 = tpu.memref_slice %arg3[%add3A_8, %dma_start3A, %add3A_27, %dma_start3A_33] : memref<32x32x9x128xf32, #tpu.memory_space<hbm>> -> memref<1x32x1x128xf32, #tpu.memory_space<hbm>>
        %dma_start3A_35 = tpu.memref_squeeze %dma_start3A_34 : memref<1x32x1x128xf32, #tpu.memory_space<hbm>> -> memref<32x128xf32, #tpu.memory_space<hbm>>
        %dma_start3A_36 = arith.constant 0 : i32
        %dma_start3A_37 = arith.constant 0 : i32
        %dma_start3A_38 = tpu.memref_slice %arg3[%add3A_8, %dma_start3A_36, %add3A_27, %dma_start3A_37] : memref<32x32x9x128xf32, #tpu.memory_space<hbm>> -> memref<1x32x1x128xf32, #tpu.memory_space<hbm>>
        %dma_start3A_39 = tpu.memref_squeeze %dma_start3A_38 : memref<1x32x1x128xf32, #tpu.memory_space<hbm>> -> memref<32x128xf32, #tpu.memory_space<hbm>>
        tpu.enqueue_dma source(%dma_start3A_39 : memref<32x128xf32, #tpu.memory_space<hbm>>) target(%arg11 : memref<32x128xf32, #tpu.memory_space<vmem>>) target_semaphore(%run_scoped3A : memref<!tpu.dma_semaphore, #tpu.memory_space<semaphore_mem>>)
        %dma_wait3A = arith.constant 0 : i32
        %dma_wait3A_40 = arith.constant 0 : i32
        %dma_wait3A_41 = tpu.memref_slice %arg3[%add3A_8, %dma_wait3A, %add3A_27, %dma_wait3A_40] : memref<32x32x9x128xf32, #tpu.memory_space<hbm>> -> memref<1x32x1x128xf32, #tpu.memory_space<hbm>>
        %dma_wait3A_42 = tpu.memref_squeeze %dma_wait3A_41 : memref<1x32x1x128xf32, #tpu.memory_space<hbm>> -> memref<32x128xf32, #tpu.memory_space<hbm>>
        %dma_wait3A_43 = arith.constant 0 : i32
        %dma_wait3A_44 = arith.constant 0 : i32
        %dma_wait3A_45 = tpu.memref_slice %arg3[%add3A_8, %dma_wait3A_43, %add3A_27, %dma_wait3A_44] : memref<32x32x9x128xf32, #tpu.memory_space<hbm>> -> memref<1x32x1x128xf32, #tpu.memory_space<hbm>>
        %dma_wait3A_46 = tpu.memref_squeeze %dma_wait3A_45 : memref<1x32x1x128xf32, #tpu.memory_space<hbm>> -> memref<32x128xf32, #tpu.memory_space<hbm>>
        tpu.wait_dma2 semaphore(%run_scoped3A : memref<!tpu.dma_semaphore, #tpu.memory_space<semaphore_mem>>) src(%dma_wait3A_46 : memref<32x128xf32, #tpu.memory_space<hbm>>) dst(%arg11 : memref<32x128xf32, #tpu.memory_space<vmem>>)
        tpu.yield
      }) : () -> ()
      %scan3A_28 = arith.constant 0 : i32
      %scan3A_29 = arith.constant 128 : i32
      %scan3A_30 = arith.addi %scan3A_28, %scan3A_29 : i32
      %scan3A_31 = arith.constant 4 : i32
      scf.for %scan3A_33 = %scan3A_28 to %scan3A_30 step %scan3A_31  : i32 {
        %mul3A_34 = arith.constant 1 : i32
        %mul3A_35 = arith.muli %scan3A_33, %mul3A_34 : i32
        %add3A_36 = arith.constant 0 : i32
        %add3A_37 = arith.addi %add3A_36, %mul3A_35 : i32
        %broadcast_in_dim3A = vector.broadcast %add3A_37 : i32 to vector<16xi32>
        %gather3A = tpu.vector_load_idx %arg11[%iota3A, %broadcast_in_dim3A] : memref<32x128xf32, #tpu.memory_space<vmem>>[vector<16xi32>, vector<16xi32>], vector<16xf32>,
        %gather3A_38 = tpu.vector_load_idx %arg11[%add3A_4, %broadcast_in_dim3A] : memref<32x128xf32, #tpu.memory_space<vmem>>[vector<16xi32>, vector<16xi32>], vector<16xf32>,
        %pack3A = tpu.pack_subelements %gather3A, %gather3A_38 {pack_format = #tpu.pack_format<interleaved>, positions = array<i32: 0, 1>} : vector<16xf32>, vector<16xf32> -> vector<32xbf16>
        %swap3A = arith.index_cast %add3A_37 : i32 to index
        %swap3A_39 = arith.index_cast %add3A_27 : i32 to index
        %swap3A_40 = arith.constant 0 : index
        %swap3A_41 = tpu.vector_load %arg9[%swap3A, %swap3A_39, %swap3A_40] {strides = array<i32>} : memref<128x9x32xbf16, #tpu.memory_space<vmem>>, vector<32xbf16>,
        tpu.vector_store %arg9[%swap3A, %swap3A_39, %swap3A_40], %pack3A {strides = array<i32>} : memref<128x9x32xbf16, #tpu.memory_space<vmem>>, vector<32xbf16>,
        %scan3A_42 = arith.constant 1 : i32
        %scan3A_43 = arith.addi %scan3A_33, %scan3A_42 : i32
        %mul3A_44 = arith.constant 1 : i32
        %mul3A_45 = arith.muli %scan3A_43, %mul3A_44 : i32
        %add3A_46 = arith.constant 0 : i32
        %add3A_47 = arith.addi %add3A_46, %mul3A_45 : i32
        %broadcast_in_dim3A_48 = vector.broadcast %add3A_47 : i32 to vector<16xi32>
        %gather3A_49 = tpu.vector_load_idx %arg11[%iota3A, %broadcast_in_dim3A_48] : memref<32x128xf32, #tpu.memory_space<vmem>>[vector<16xi32>, vector<16xi32>], vector<16xf32>,
        %gather3A_50 = tpu.vector_load_idx %arg11[%add3A_4, %broadcast_in_dim3A_48] : memref<32x128xf32, #tpu.memory_space<vmem>>[vector<16xi32>, vector<16xi32>], vector<16xf32>,
        %pack3A_51 = tpu.pack_subelements %gather3A_49, %gather3A_50 {pack_format = #tpu.pack_format<interleaved>, positions = array<i32: 0, 1>} : vector<16xf32>, vector<16xf32> -> vector<32xbf16>
        %swap3A_52 = arith.index_cast %add3A_47 : i32 to index
        %swap3A_53 = arith.index_cast %add3A_27 : i32 to index
        %swap3A_54 = arith.constant 0 : index
        %swap3A_55 = tpu.vector_load %arg9[%swap3A_52, %swap3A_53, %swap3A_54] {strides = array<i32>} : memref<128x9x32xbf16, #tpu.memory_space<vmem>>, vector<32xbf16>,
        tpu.vector_store %arg9[%swap3A_52, %swap3A_53, %swap3A_54], %pack3A_51 {strides = array<i32>} : memref<128x9x32xbf16, #tpu.memory_space<vmem>>, vector<32xbf16>,
        %scan3A_56 = arith.constant 2 : i32
        %scan3A_57 = arith.addi %scan3A_33, %scan3A_56 : i32
        %mul3A_58 = arith.constant 1 : i32
        %mul3A_59 = arith.muli %scan3A_57, %mul3A_58 : i32
        %add3A_60 = arith.constant 0 : i32
        %add3A_61 = arith.addi %add3A_60, %mul3A_59 : i32
        %broadcast_in_dim3A_62 = vector.broadcast %add3A_61 : i32 to vector<16xi32>
        %gather3A_63 = tpu.vector_load_idx %arg11[%iota3A, %broadcast_in_dim3A_62] : memref<32x128xf32, #tpu.memory_space<vmem>>[vector<16xi32>, vector<16xi32>], vector<16xf32>,
        %gather3A_64 = tpu.vector_load_idx %arg11[%add3A_4, %broadcast_in_dim3A_62] : memref<32x128xf32, #tpu.memory_space<vmem>>[vector<16xi32>, vector<16xi32>], vector<16xf32>,
        %pack3A_65 = tpu.pack_subelements %gather3A_63, %gather3A_64 {pack_format = #tpu.pack_format<interleaved>, positions = array<i32: 0, 1>} : vector<16xf32>, vector<16xf32> -> vector<32xbf16>
        %swap3A_66 = arith.index_cast %add3A_61 : i32 to index
        %swap3A_67 = arith.index_cast %add3A_27 : i32 to index
        %swap3A_68 = arith.constant 0 : index
        %swap3A_69 = tpu.vector_load %arg9[%swap3A_66, %swap3A_67, %swap3A_68] {strides = array<i32>} : memref<128x9x32xbf16, #tpu.memory_space<vmem>>, vector<32xbf16>,
        tpu.vector_store %arg9[%swap3A_66, %swap3A_67, %swap3A_68], %pack3A_65 {strides = array<i32>} : memref<128x9x32xbf16, #tpu.memory_space<vmem>>, vector<32xbf16>,
        %scan3A_70 = arith.constant 3 : i32
        %scan3A_71 = arith.addi %scan3A_33, %scan3A_70 : i32
        %mul3A_72 = arith.constant 1 : i32
        %mul3A_73 = arith.muli %scan3A_71, %mul3A_72 : i32
        %add3A_74 = arith.constant 0 : i32
        %add3A_75 = arith.addi %add3A_74, %mul3A_73 : i32
        %broadcast_in_dim3A_76 = vector.broadcast %add3A_75 : i32 to vector<16xi32>
        %gather3A_77 = tpu.vector_load_idx %arg11[%iota3A, %broadcast_in_dim3A_76] : memref<32x128xf32, #tpu.memory_space<vmem>>[vector<16xi32>, vector<16xi32>], vector<16xf32>,
        %gather3A_78 = tpu.vector_load_idx %arg11[%add3A_4, %broadcast_in_dim3A_76] : memref<32x128xf32, #tpu.memory_space<vmem>>[vector<16xi32>, vector<16xi32>], vector<16xf32>,
        %pack3A_79 = tpu.pack_subelements %gather3A_77, %gather3A_78 {pack_format = #tpu.pack_format<interleaved>, positions = array<i32: 0, 1>} : vector<16xf32>, vector<16xf32> -> vector<32xbf16>
        %swap3A_80 = arith.index_cast %add3A_75 : i32 to index
        %swap3A_81 = arith.index_cast %add3A_27 : i32 to index
        %swap3A_82 = arith.constant 0 : index
        %swap3A_83 = tpu.vector_load %arg9[%swap3A_80, %swap3A_81, %swap3A_82] {strides = array<i32>} : memref<128x9x32xbf16, #tpu.memory_space<vmem>>, vector<32xbf16>,
        tpu.vector_store %arg9[%swap3A_80, %swap3A_81, %swap3A_82], %pack3A_79 {strides = array<i32>} : memref<128x9x32xbf16, #tpu.memory_space<vmem>>, vector<32xbf16>,
      }
      %scan3A_32 = arith.constant 128 : i32
    }
    %scan3A_17 = arith.constant 9 : i32
    %scan3A_18 = arith.constant 0 : i32
    %scan3A_19 = arith.constant 16 : i32
    %scan3A_20 = arith.addi %scan3A_18, %scan3A_19 : i32
    %scan3A_21 = arith.constant 1 : i32
    scf.for %scan3A_23 = %scan3A_18 to %scan3A_20 step %scan3A_21  : i32 {
      %mul3A_24 = arith.constant 1 : i32
      %mul3A_25 = arith.muli %scan3A_23, %mul3A_24 : i32
      %add3A_26 = arith.constant 0 : i32
      %add3A_27 = arith.addi %add3A_26, %mul3A_25 : i32
      %scan3A_28 = arith.constant 0 : i32
      %scan3A_29 = arith.constant 16 : i32
      %scan3A_30 = arith.addi %scan3A_28, %scan3A_29 : i32
      %scan3A_31 = arith.constant 1 : i32
      scf.for %scan3A_37 = %scan3A_28 to %scan3A_30 step %scan3A_31  : i32 {
        %mul3A_38 = arith.constant 16 : i32
        %mul3A_39 = arith.muli %scan3A_37, %mul3A_38 : i32
        %add3A_40 = arith.constant 0 : i32
        %add3A_41 = arith.addi %add3A_40, %mul3A_39 : i32
        %broadcast_in_dim3A = vector.broadcast %add3A_41 : i32 to vector<16xi32>
        %mul3A_42 = arith.constant 256 : i32
        %mul3A_43 = arith.muli %add3A_27, %mul3A_42 : i32
        %add3A_44 = arith.addi %mul3A_43, %add3A_41 : i32
        %get3A_45 = arith.index_cast %add3A_44 : i32 to index
        %get3A_46 = tpu.vector_load %arg12[%get3A_45] {strides = array<i32>} : memref<4096xi32, #tpu.memory_space<vmem>>, vector<16xi32>,
        %mul3A_47 = arith.constant 256 : i32
        %mul3A_48 = arith.muli %add3A_27, %mul3A_47 : i32
        %add3A_49 = arith.addi %mul3A_48, %add3A_41 : i32
        %get3A_50 = arith.index_cast %add3A_49 : i32 to index
        %get3A_51 = tpu.vector_load %arg13[%get3A_50] {strides = array<i32>} : memref<4096xi32, #tpu.memory_space<vmem>>, vector<16xi32>,
        %slice3A = vector.extract_strided_slice %get3A_46 {offsets = [0], sizes = [1], strides = [1]} : vector<16xi32> to vector<1xi32>
        %squeeze3A = vector.extract %slice3A[0] : i32 from vector<1xi32>
        %slice3A_52 = vector.extract_strided_slice %get3A_51 {offsets = [0], sizes = [1], strides = [1]} : vector<16xi32> to vector<1xi32>
        %squeeze3A_53 = vector.extract %slice3A_52[0] : i32 from vector<1xi32>
        %get3A_54 = arith.constant 0 : i32
        %get3A_55 = arith.index_cast %squeeze3A : i32 to index
        %get3A_56 = arith.index_cast %get3A_54 : i32 to index
        %get3A_57 = arith.constant 0 : index
        %get3A_58 = tpu.vector_load %arg8[%get3A_55, %get3A_56, %get3A_57] {strides = array<i32>} : memref<512x9x32xbf16, #tpu.memory_space<vmem>>, vector<32xbf16>,
        %get3A_59 = arith.constant 0 : i32
        %get3A_60 = arith.index_cast %squeeze3A_53 : i32 to index
        %get3A_61 = arith.index_cast %get3A_59 : i32 to index
        %get3A_62 = arith.constant 0 : index
        %get3A_63 = tpu.vector_load %arg9[%get3A_60, %get3A_61, %get3A_62] {strides = array<i32>} : memref<128x9x32xbf16, #tpu.memory_space<vmem>>, vector<32xbf16>,
        %mul3A_64 = arith.mulf %get3A_58, %get3A_63 : vector<32xbf16>
        %get3A_65 = arith.constant 1 : i32
        %get3A_66 = arith.index_cast %squeeze3A : i32 to index
        %get3A_67 = arith.index_cast %get3A_65 : i32 to index
        %get3A_68 = arith.constant 0 : index
        %get3A_69 = tpu.vector_load %arg8[%get3A_66, %get3A_67, %get3A_68] {strides = array<i32>} : memref<512x9x32xbf16, #tpu.memory_space<vmem>>, vector<32xbf16>,
        %get3A_70 = arith.constant 1 : i32
        %get3A_71 = arith.index_cast %squeeze3A_53 : i32 to index
        %get3A_72 = arith.index_cast %get3A_70 : i32 to index
        %get3A_73 = arith.constant 0 : index
        %get3A_74 = tpu.vector_load %arg9[%get3A_71, %get3A_72, %get3A_73] {strides = array<i32>} : memref<128x9x32xbf16, #tpu.memory_space<vmem>>, vector<32xbf16>,
        %mul3A_75 = arith.mulf %get3A_69, %get3A_74 : vector<32xbf16>
        %get3A_76 = arith.constant 2 : i32
        %get3A_77 = arith.index_cast %squeeze3A : i32 to index
        %get3A_78 = arith.index_cast %get3A_76 : i32 to index
        %get3A_79 = arith.constant 0 : index
        %get3A_80 = tpu.vector_load %arg8[%get3A_77, %get3A_78, %get3A_79] {strides = array<i32>} : memref<512x9x32xbf16, #tpu.memory_space<vmem>>, vector<32xbf16>,
        %get3A_81 = arith.constant 2 : i32
        %get3A_82 = arith.index_cast %squeeze3A_53 : i32 to index
        %get3A_83 = arith.index_cast %get3A_81 : i32 to index
        %get3A_84 = arith.constant 0 : index
        %get3A_85 = tpu.vector_load %arg9[%get3A_82, %get3A_83, %get3A_84] {strides = array<i32>} : memref<128x9x32xbf16, #tpu.memory_space<vmem>>, vector<32xbf16>,
        %mul3A_86 = arith.mulf %get3A_80, %get3A_85 : vector<32xbf16>
        %get3A_87 = arith.constant 3 : i32
        %get3A_88 = arith.index_cast %squeeze3A : i32 to index
        %get3A_89 = arith.index_cast %get3A_87 : i32 to index
        %get3A_90 = arith.constant 0 : index
        %get3A_91 = tpu.vector_load %arg8[%get3A_88, %get3A_89, %get3A_90] {strides = array<i32>} : memref<512x9x32xbf16, #tpu.memory_space<vmem>>, vector<32xbf16>,
        %get3A_92 = arith.constant 3 : i32
        %get3A_93 = arith.index_cast %squeeze3A_53 : i32 to index
        %get3A_94 = arith.index_cast %get3A_92 : i32 to index
        %get3A_95 = arith.constant 0 : index
        %get3A_96 = tpu.vector_load %arg9[%get3A_93, %get3A_94, %get3A_95] {strides = array<i32>} : memref<128x9x32xbf16, #tpu.memory_space<vmem>>, vector<32xbf16>,
        %mul3A_97 = arith.mulf %get3A_91, %get3A_96 : vector<32xbf16>
        %add3A_98 = arith.addf %mul3A_64, %mul3A_97 : vector<32xbf16>
        %get3A_99 = arith.constant 4 : i32
        %get3A_100 = arith.index_cast %squeeze3A : i32 to index
        %get3A_101 = arith.index_cast %get3A_99 : i32 to index
        %get3A_102 = arith.constant 0 : index
        %get3A_103 = tpu.vector_load %arg8[%get3A_100, %get3A_101, %get3A_102] {strides = array<i32>} : memref<512x9x32xbf16, #tpu.memory_space<vmem>>, vector<32xbf16>,
        %get3A_104 = arith.constant 4 : i32
        %get3A_105 = arith.index_cast %squeeze3A_53 : i32 to index
        %get3A_106 = arith.index_cast %get3A_104 : i32 to index
        %get3A_107 = arith.constant 0 : index
        %get3A_108 = tpu.vector_load %arg9[%get3A_105, %get3A_106, %get3A_107] {strides = array<i32>} : memref<128x9x32xbf16, #tpu.memory_space<vmem>>, vector<32xbf16>,
        %mul3A_109 = arith.mulf %get3A_103, %get3A_108 : vector<32xbf16>
        %add3A_110 = arith.addf %mul3A_75, %mul3A_109 : vector<32xbf16>
        %get3A_111 = arith.constant 5 : i32
        %get3A_112 = arith.index_cast %squeeze3A : i32 to index
        %get3A_113 = arith.index_cast %get3A_111 : i32 to index
        %get3A_114 = arith.constant 0 : index
        %get3A_115 = tpu.vector_load %arg8[%get3A_112, %get3A_113, %get3A_114] {strides = array<i32>} : memref<512x9x32xbf16, #tpu.memory_space<vmem>>, vector<32xbf16>,
        %get3A_116 = arith.constant 5 : i32
        %get3A_117 = arith.index_cast %squeeze3A_53 : i32 to index
        %get3A_118 = arith.index_cast %get3A_116 : i32 to index
        %get3A_119 = arith.constant 0 : index
        %get3A_120 = tpu.vector_load %arg9[%get3A_117, %get3A_118, %get3A_119] {strides = array<i32>} : memref<128x9x32xbf16, #tpu.memory_space<vmem>>, vector<32xbf16>,
        %mul3A_121 = arith.mulf %get3A_115, %get3A_120 : vector<32xbf16>
        %add3A_122 = arith.addf %mul3A_86, %mul3A_121 : vector<32xbf16>
        %get3A_123 = arith.constant 6 : i32
        %get3A_124 = arith.index_cast %squeeze3A : i32 to index
        %get3A_125 = arith.index_cast %get3A_123 : i32 to index
        %get3A_126 = arith.constant 0 : index
        %get3A_127 = tpu.vector_load %arg8[%get3A_124, %get3A_125, %get3A_126] {strides = array<i32>} : memref<512x9x32xbf16, #tpu.memory_space<vmem>>, vector<32xbf16>,
        %get3A_128 = arith.constant 6 : i32
        %get3A_129 = arith.index_cast %squeeze3A_53 : i32 to index
        %get3A_130 = arith.index_cast %get3A_128 : i32 to index
        %get3A_131 = arith.constant 0 : index
        %get3A_132 = tpu.vector_load %arg9[%get3A_129, %get3A_130, %get3A_131] {strides = array<i32>} : memref<128x9x32xbf16, #tpu.memory_space<vmem>>, vector<32xbf16>,
        %mul3A_133 = arith.mulf %get3A_127, %get3A_132 : vector<32xbf16>
        %add3A_134 = arith.addf %add3A_98, %mul3A_133 : vector<32xbf16>
        %get3A_135 = arith.constant 7 : i32
        %get3A_136 = arith.index_cast %squeeze3A : i32 to index
        %get3A_137 = arith.index_cast %get3A_135 : i32 to index
        %get3A_138 = arith.constant 0 : index
        %get3A_139 = tpu.vector_load %arg8[%get3A_136, %get3A_137, %get3A_138] {strides = array<i32>} : memref<512x9x32xbf16, #tpu.memory_space<vmem>>, vector<32xbf16>,
        %get3A_140 = arith.constant 7 : i32
        %get3A_141 = arith.index_cast %squeeze3A_53 : i32 to index
        %get3A_142 = arith.index_cast %get3A_140 : i32 to index
        %get3A_143 = arith.constant 0 : index
        %get3A_144 = tpu.vector_load %arg9[%get3A_141, %get3A_142, %get3A_143] {strides = array<i32>} : memref<128x9x32xbf16, #tpu.memory_space<vmem>>, vector<32xbf16>,
        %mul3A_145 = arith.mulf %get3A_139, %get3A_144 : vector<32xbf16>
        %add3A_146 = arith.addf %add3A_110, %mul3A_145 : vector<32xbf16>
        %get3A_147 = arith.constant 8 : i32
        %get3A_148 = arith.index_cast %squeeze3A : i32 to index
        %get3A_149 = arith.index_cast %get3A_147 : i32 to index
        %get3A_150 = arith.constant 0 : index
        %get3A_151 = tpu.vector_load %arg8[%get3A_148, %get3A_149, %get3A_150] {strides = array<i32>} : memref<512x9x32xbf16, #tpu.memory_space<vmem>>, vector<32xbf16>,
        %get3A_152 = arith.constant 8 : i32
        %get3A_153 = arith.index_cast %squeeze3A_53 : i32 to index
        %get3A_154 = arith.index_cast %get3A_152 : i32 to index
        %get3A_155 = arith.constant 0 : index
        %get3A_156 = tpu.vector_load %arg9[%get3A_153, %get3A_154, %get3A_155] {strides = array<i32>} : memref<128x9x32xbf16, #tpu.memory_space<vmem>>, vector<32xbf16>,
        %mul3A_157 = arith.mulf %get3A_151, %get3A_156 : vector<32xbf16>
        %add3A_158 = arith.addf %add3A_122, %mul3A_157 : vector<32xbf16>
        %add3A_159 = arith.addf %add3A_134, %add3A_146 : vector<32xbf16>
        %add3A_160 = arith.addf %add3A_159, %add3A_158 : vector<32xbf16>
        %unpack3A = tpu.unpack_subelements %add3A_160, 0 {pack_format = #tpu.pack_format<interleaved>} : vector<32xbf16> -> vector<16xf32>
        %unpack3A_161 = tpu.unpack_subelements %add3A_160, 1 {pack_format = #tpu.pack_format<interleaved>} : vector<32xbf16> -> vector<16xf32>
        %mul3A_162 = arith.mulf %unpack3A, %get3A_1 : vector<16xf32>
        %mul3A_163 = arith.mulf %unpack3A_161, %get3A_1 : vector<16xf32>
        %add3A_164 = arith.constant 0 : i32
        %add3A_165 = vector.broadcast %add3A_164 : i32 to vector<16xi32>
        %add3A_166 = arith.addi %broadcast_in_dim3A, %add3A_165 : vector<16xi32>
        tpu.vector_store_idx %arg14[%iota3A, %add3A_166], %mul3A_162 : memref<32x256xf32, #tpu.memory_space<vmem>>[vector<16xi32>, vector<16xi32>], vector<16xf32>,
        tpu.vector_store_idx %arg14[%add3A_4, %add3A_166], %mul3A_163 : memref<32x256xf32, #tpu.memory_space<vmem>>[vector<16xi32>, vector<16xi32>], vector<16xf32>,
        %slice3A_167 = vector.extract_strided_slice %get3A_46 {offsets = [1], sizes = [1], strides = [1]} : vector<16xi32> to vector<1xi32>
        %squeeze3A_168 = vector.extract %slice3A_167[0] : i32 from vector<1xi32>
        %slice3A_169 = vector.extract_strided_slice %get3A_51 {offsets = [1], sizes = [1], strides = [1]} : vector<16xi32> to vector<1xi32>
        %squeeze3A_170 = vector.extract %slice3A_169[0] : i32 from vector<1xi32>
        %get3A_171 = arith.constant 0 : i32
        %get3A_172 = arith.index_cast %squeeze3A_168 : i32 to index
        %get3A_173 = arith.index_cast %get3A_171 : i32 to index
        %get3A_174 = arith.constant 0 : index
        %get3A_175 = tpu.vector_load %arg8[%get3A_172, %get3A_173, %get3A_174] {strides = array<i32>} : memref<512x9x32xbf16, #tpu.memory_space<vmem>>, vector<32xbf16>,
        %get3A_176 = arith.constant 0 : i32
        %get3A_177 = arith.index_cast %squeeze3A_170 : i32 to index
        %get3A_178 = arith.index_cast %get3A_176 : i32 to index
        %get3A_179 = arith.constant 0 : index
        %get3A_180 = tpu.vector_load %arg9[%get3A_177, %get3A_178, %get3A_179] {strides = array<i32>} : memref<128x9x32xbf16, #tpu.memory_space<vmem>>, vector<32xbf16>,
        %mul3A_181 = arith.mulf %get3A_175, %get3A_180 : vector<32xbf16>
        %get3A_182 = arith.constant 1 : i32
        %get3A_183 = arith.index_cast %squeeze3A_168 : i32 to index
        %get3A_184 = arith.index_cast %get3A_182 : i32 to index
        %get3A_185 = arith.constant 0 : index
        %get3A_186 = tpu.vector_load %arg8[%get3A_183, %get3A_184, %get3A_185] {strides = array<i32>} : memref<512x9x32xbf16, #tpu.memory_space<vmem>>, vector<32xbf16>,
        %get3A_187 = arith.constant 1 : i32
        %get3A_188 = arith.index_cast %squeeze3A_170 : i32 to index
        %get3A_189 = arith.index_cast %get3A_187 : i32 to index
        %get3A_190 = arith.constant 0 : index
        %get3A_191 = tpu.vector_load %arg9[%get3A_188, %get3A_189, %get3A_190] {strides = array<i32>} : memref<128x9x32xbf16, #tpu.memory_space<vmem>>, vector<32xbf16>,
        %mul3A_192 = arith.mulf %get3A_186, %get3A_191 : vector<32xbf16>
        %get3A_193 = arith.constant 2 : i32
        %get3A_194 = arith.index_cast %squeeze3A_168 : i32 to index
        %get3A_195 = arith.index_cast %get3A_193 : i32 to index
        %get3A_196 = arith.constant 0 : index
        %get3A_197 = tpu.vector_load %arg8[%get3A_194, %get3A_195, %get3A_196] {strides = array<i32>} : memref<512x9x32xbf16, #tpu.memory_space<vmem>>, vector<32xbf16>,
        %get3A_198 = arith.constant 2 : i32
        %get3A_199 = arith.index_cast %squeeze3A_170 : i32 to index
        %get3A_200 = arith.index_cast %get3A_198 : i32 to index
        %get3A_201 = arith.constant 0 : index
        %get3A_202 = tpu.vector_load %arg9[%get3A_199, %get3A_200, %get3A_201] {strides = array<i32>} : memref<128x9x32xbf16, #tpu.memory_space<vmem>>, vector<32xbf16>,
        %mul3A_203 = arith.mulf %get3A_197, %get3A_202 : vector<32xbf16>
        %get3A_204 = arith.constant 3 : i32
        %get3A_205 = arith.index_cast %squeeze3A_168 : i32 to index
        %get3A_206 = arith.index_cast %get3A_204 : i32 to index
        %get3A_207 = arith.constant 0 : index
        %get3A_208 = tpu.vector_load %arg8[%get3A_205, %get3A_206, %get3A_207] {strides = array<i32>} : memref<512x9x32xbf16, #tpu.memory_space<vmem>>, vector<32xbf16>,
        %get3A_209 = arith.constant 3 : i32
        %get3A_210 = arith.index_cast %squeeze3A_170 : i32 to index
        %get3A_211 = arith.index_cast %get3A_209 : i32 to index
        %get3A_212 = arith.constant 0 : index
        %get3A_213 = tpu.vector_load %arg9[%get3A_210, %get3A_211, %get3A_212] {strides = array<i32>} : memref<128x9x32xbf16, #tpu.memory_space<vmem>>, vector<32xbf16>,
        %mul3A_214 = arith.mulf %get3A_208, %get3A_213 : vector<32xbf16>
        %add3A_215 = arith.addf %mul3A_181, %mul3A_214 : vector<32xbf16>
        %get3A_216 = arith.constant 4 : i32
        %get3A_217 = arith.index_cast %squeeze3A_168 : i32 to index
        %get3A_218 = arith.index_cast %get3A_216 : i32 to index
        %get3A_219 = arith.constant 0 : index
        %get3A_220 = tpu.vector_load %arg8[%get3A_217, %get3A_218, %get3A_219] {strides = array<i32>} : memref<512x9x32xbf16, #tpu.memory_space<vmem>>, vector<32xbf16>,
        %get3A_221 = arith.constant 4 : i32
        %get3A_222 = arith.index_cast %squeeze3A_170 : i32 to index
        %get3A_223 = arith.index_cast %get3A_221 : i32 to index
        %get3A_224 = arith.constant 0 : index
        %get3A_225 = tpu.vector_load %arg9[%get3A_222, %get3A_223, %get3A_224] {strides = array<i32>} : memref<128x9x32xbf16, #tpu.memory_space<vmem>>, vector<32xbf16>,
        %mul3A_226 = arith.mulf %get3A_220, %get3A_225 : vector<32xbf16>
        %add3A_227 = arith.addf %mul3A_192, %mul3A_226 : vector<32xbf16>
        %get3A_228 = arith.constant 5 : i32
        %get3A_229 = arith.index_cast %squeeze3A_168 : i32 to index
        %get3A_230 = arith.index_cast %get3A_228 : i32 to index
        %get3A_231 = arith.constant 0 : index
        %get3A_232 = tpu.vector_load %arg8[%get3A_229, %get3A_230, %get3A_231] {strides = array<i32>} : memref<512x9x32xbf16, #tpu.memory_space<vmem>>, vector<32xbf16>,
        %get3A_233 = arith.constant 5 : i32
        %get3A_234 = arith.index_cast %squeeze3A_170 : i32 to index
        %get3A_235 = arith.index_cast %get3A_233 : i32 to index
        %get3A_236 = arith.constant 0 : index
        %get3A_237 = tpu.vector_load %arg9[%get3A_234, %get3A_235, %get3A_236] {strides = array<i32>} : memref<128x9x32xbf16, #tpu.memory_space<vmem>>, vector<32xbf16>,
        %mul3A_238 = arith.mulf %get3A_232, %get3A_237 : vector<32xbf16>
        %add3A_239 = arith.addf %mul3A_203, %mul3A_238 : vector<32xbf16>
        %get3A_240 = arith.constant 6 : i32
        %get3A_241 = arith.index_cast %squeeze3A_168 : i32 to index
        %get3A_242 = arith.index_cast %get3A_240 : i32 to index
        %get3A_243 = arith.constant 0 : index
        %get3A_244 = tpu.vector_load %arg8[%get3A_241, %get3A_242, %get3A_243] {strides = array<i32>} : memref<512x9x32xbf16, #tpu.memory_space<vmem>>, vector<32xbf16>,
        %get3A_245 = arith.constant 6 : i32
        %get3A_246 = arith.index_cast %squeeze3A_170 : i32 to index
        %get3A_247 = arith.index_cast %get3A_245 : i32 to index
        %get3A_248 = arith.constant 0 : index
        %get3A_249 = tpu.vector_load %arg9[%get3A_246, %get3A_247, %get3A_248] {strides = array<i32>} : memref<128x9x32xbf16, #tpu.memory_space<vmem>>, vector<32xbf16>,
        %mul3A_250 = arith.mulf %get3A_244, %get3A_249 : vector<32xbf16>
        %add3A_251 = arith.addf %add3A_215, %mul3A_250 : vector<32xbf16>
        %get3A_252 = arith.constant 7 : i32
        %get3A_253 = arith.index_cast %squeeze3A_168 : i32 to index
        %get3A_254 = arith.index_cast %get3A_252 : i32 to index
        %get3A_255 = arith.constant 0 : index
        %get3A_256 = tpu.vector_load %arg8[%get3A_253, %get3A_254, %get3A_255] {strides = array<i32>} : memref<512x9x32xbf16, #tpu.memory_space<vmem>>, vector<32xbf16>,
        %get3A_257 = arith.constant 7 : i32
        %get3A_258 = arith.index_cast %squeeze3A_170 : i32 to index
        %get3A_259 = arith.index_cast %get3A_257 : i32 to index
        %get3A_260 = arith.constant 0 : index
        %get3A_261 = tpu.vector_load %arg9[%get3A_258, %get3A_259, %get3A_260] {strides = array<i32>} : memref<128x9x32xbf16, #tpu.memory_space<vmem>>, vector<32xbf16>,
        %mul3A_262 = arith.mulf %get3A_256, %get3A_261 : vector<32xbf16>
        %add3A_263 = arith.addf %add3A_227, %mul3A_262 : vector<32xbf16>
        %get3A_264 = arith.constant 8 : i32
        %get3A_265 = arith.index_cast %squeeze3A_168 : i32 to index
        %get3A_266 = arith.index_cast %get3A_264 : i32 to index
        %get3A_267 = arith.constant 0 : index
        %get3A_268 = tpu.vector_load %arg8[%get3A_265, %get3A_266, %get3A_267] {strides = array<i32>} : memref<512x9x32xbf16, #tpu.memory_space<vmem>>, vector<32xbf16>,
        %get3A_269 = arith.constant 8 : i32
        %get3A_270 = arith.index_cast %squeeze3A_170 : i32 to index
        %get3A_271 = arith.index_cast %get3A_269 : i32 to index
        %get3A_272 = arith.constant 0 : index
        %get3A_273 = tpu.vector_load %arg9[%get3A_270, %get3A_271, %get3A_272] {strides = array<i32>} : memref<128x9x32xbf16, #tpu.memory_space<vmem>>, vector<32xbf16>,
        %mul3A_274 = arith.mulf %get3A_268, %get3A_273 : vector<32xbf16>
        %add3A_275 = arith.addf %add3A_239, %mul3A_274 : vector<32xbf16>
        %add3A_276 = arith.addf %add3A_251, %add3A_263 : vector<32xbf16>
        %add3A_277 = arith.addf %add3A_276, %add3A_275 : vector<32xbf16>
        %unpack3A_278 = tpu.unpack_subelements %add3A_277, 0 {pack_format = #tpu.pack_format<interleaved>} : vector<32xbf16> -> vector<16xf32>
        %unpack3A_279 = tpu.unpack_subelements %add3A_277, 1 {pack_format = #tpu.pack_format<interleaved>} : vector<32xbf16> -> vector<16xf32>
        %mul3A_280 = arith.mulf %unpack3A_278, %get3A_1 : vector<16xf32>
        %mul3A_281 = arith.mulf %unpack3A_279, %get3A_1 : vector<16xf32>
        %add3A_282 = arith.constant 1 : i32
        %add3A_283 = vector.broadcast %add3A_282 : i32 to vector<16xi32>
        %add3A_284 = arith.addi %broadcast_in_dim3A, %add3A_283 : vector<16xi32>
        tpu.vector_store_idx %arg14[%iota3A, %add3A_284], %mul3A_280 : memref<32x256xf32, #tpu.memory_space<vmem>>[vector<16xi32>, vector<16xi32>], vector<16xf32>,
        tpu.vector_store_idx %arg14[%add3A_4, %add3A_284], %mul3A_281 : memref<32x256xf32, #tpu.memory_space<vmem>>[vector<16xi32>, vector<16xi32>], vector<16xf32>,
        %slice3A_285 = vector.extract_strided_slice %get3A_46 {offsets = [2], sizes = [1], strides = [1]} : vector<16xi32> to vector<1xi32>
        %squeeze3A_286 = vector.extract %slice3A_285[0] : i32 from vector<1xi32>
        %slice3A_287 = vector.extract_strided_slice %get3A_51 {offsets = [2], sizes = [1], strides = [1]} : vector<16xi32> to vector<1xi32>
        %squeeze3A_288 = vector.extract %slice3A_287[0] : i32 from vector<1xi32>
        %get3A_289 = arith.constant 0 : i32
        %get3A_290 = arith.index_cast %squeeze3A_286 : i32 to index
        %get3A_291 = arith.index_cast %get3A_289 : i32 to index
        %get3A_292 = arith.constant 0 : index
        %get3A_293 = tpu.vector_load %arg8[%get3A_290, %get3A_291, %get3A_292] {strides = array<i32>} : memref<512x9x32xbf16, #tpu.memory_space<vmem>>, vector<32xbf16>,
        %get3A_294 = arith.constant 0 : i32
        %get3A_295 = arith.index_cast %squeeze3A_288 : i32 to index
        %get3A_296 = arith.index_cast %get3A_294 : i32 to index
        %get3A_297 = arith.constant 0 : index
        %get3A_298 = tpu.vector_load %arg9[%get3A_295, %get3A_296, %get3A_297] {strides = array<i32>} : memref<128x9x32xbf16, #tpu.memory_space<vmem>>, vector<32xbf16>,
        %mul3A_299 = arith.mulf %get3A_293, %get3A_298 : vector<32xbf16>
        %get3A_300 = arith.constant 1 : i32
        %get3A_301 = arith.index_cast %squeeze3A_286 : i32 to index
        %get3A_302 = arith.index_cast %get3A_300 : i32 to index
        %get3A_303 = arith.constant 0 : index
        %get3A_304 = tpu.vector_load %arg8[%get3A_301, %get3A_302, %get3A_303] {strides = array<i32>} : memref<512x9x32xbf16, #tpu.memory_space<vmem>>, vector<32xbf16>,
        %get3A_305 = arith.constant 1 : i32
        %get3A_306 = arith.index_cast %squeeze3A_288 : i32 to index
        %get3A_307 = arith.index_cast %get3A_305 : i32 to index
        %get3A_308 = arith.constant 0 : index
        %get3A_309 = tpu.vector_load %arg9[%get3A_306, %get3A_307, %get3A_308] {strides = array<i32>} : memref<128x9x32xbf16, #tpu.memory_space<vmem>>, vector<32xbf16>,
        %mul3A_310 = arith.mulf %get3A_304, %get3A_309 : vector<32xbf16>
        %get3A_311 = arith.constant 2 : i32
        %get3A_312 = arith.index_cast %squeeze3A_286 : i32 to index
        %get3A_313 = arith.index_cast %get3A_311 : i32 to index
        %get3A_314 = arith.constant 0 : index
        %get3A_315 = tpu.vector_load %arg8[%get3A_312, %get3A_313, %get3A_314] {strides = array<i32>} : memref<512x9x32xbf16, #tpu.memory_space<vmem>>, vector<32xbf16>,
        %get3A_316 = arith.constant 2 : i32
        %get3A_317 = arith.index_cast %squeeze3A_288 : i32 to index
        %get3A_318 = arith.index_cast %get3A_316 : i32 to index
        %get3A_319 = arith.constant 0 : index
        %get3A_320 = tpu.vector_load %arg9[%get3A_317, %get3A_318, %get3A_319] {strides = array<i32>} : memref<128x9x32xbf16, #tpu.memory_space<vmem>>, vector<32xbf16>,
        %mul3A_321 = arith.mulf %get3A_315, %get3A_320 : vector<32xbf16>
        %get3A_322 = arith.constant 3 : i32
        %get3A_323 = arith.index_cast %squeeze3A_286 : i32 to index
        %get3A_324 = arith.index_cast %get3A_322 : i32 to index
        %get3A_325 = arith.constant 0 : index
        %get3A_326 = tpu.vector_load %arg8[%get3A_323, %get3A_324, %get3A_325] {strides = array<i32>} : memref<512x9x32xbf16, #tpu.memory_space<vmem>>, vector<32xbf16>,
        %get3A_327 = arith.constant 3 : i32
        %get3A_328 = arith.index_cast %squeeze3A_288 : i32 to index
        %get3A_329 = arith.index_cast %get3A_327 : i32 to index
        %get3A_330 = arith.constant 0 : index
        %get3A_331 = tpu.vector_load %arg9[%get3A_328, %get3A_329, %get3A_330] {strides = array<i32>} : memref<128x9x32xbf16, #tpu.memory_space<vmem>>, vector<32xbf16>,
        %mul3A_332 = arith.mulf %get3A_326, %get3A_331 : vector<32xbf16>
        %add3A_333 = arith.addf %mul3A_299, %mul3A_332 : vector<32xbf16>
        %get3A_334 = arith.constant 4 : i32
        %get3A_335 = arith.index_cast %squeeze3A_286 : i32 to index
        %get3A_336 = arith.index_cast %get3A_334 : i32 to index
        %get3A_337 = arith.constant 0 : index
        %get3A_338 = tpu.vector_load %arg8[%get3A_335, %get3A_336, %get3A_337] {strides = array<i32>} : memref<512x9x32xbf16, #tpu.memory_space<vmem>>, vector<32xbf16>,
        %get3A_339 = arith.constant 4 : i32
        %get3A_340 = arith.index_cast %squeeze3A_288 : i32 to index
        %get3A_341 = arith.index_cast %get3A_339 : i32 to index
        %get3A_342 = arith.constant 0 : index
        %get3A_343 = tpu.vector_load %arg9[%get3A_340, %get3A_341, %get3A_342] {strides = array<i32>} : memref<128x9x32xbf16, #tpu.memory_space<vmem>>, vector<32xbf16>,
        %mul3A_344 = arith.mulf %get3A_338, %get3A_343 : vector<32xbf16>
        %add3A_345 = arith.addf %mul3A_310, %mul3A_344 : vector<32xbf16>
        %get3A_346 = arith.constant 5 : i32
        %get3A_347 = arith.index_cast %squeeze3A_286 : i32 to index
        %get3A_348 = arith.index_cast %get3A_346 : i32 to index
        %get3A_349 = arith.constant 0 : index
        %get3A_350 = tpu.vector_load %arg8[%get3A_347, %get3A_348, %get3A_349] {strides = array<i32>} : memref<512x9x32xbf16, #tpu.memory_space<vmem>>, vector<32xbf16>,
        %get3A_351 = arith.constant 5 : i32
        %get3A_352 = arith.index_cast %squeeze3A_288 : i32 to index
        %get3A_353 = arith.index_cast %get3A_351 : i32 to index
        %get3A_354 = arith.constant 0 : index
        %get3A_355 = tpu.vector_load %arg9[%get3A_352, %get3A_353, %get3A_354] {strides = array<i32>} : memref<128x9x32xbf16, #tpu.memory_space<vmem>>, vector<32xbf16>,
        %mul3A_356 = arith.mulf %get3A_350, %get3A_355 : vector<32xbf16>
        %add3A_357 = arith.addf %mul3A_321, %mul3A_356 : vector<32xbf16>
        %get3A_358 = arith.constant 6 : i32
        %get3A_359 = arith.index_cast %squeeze3A_286 : i32 to index
        %get3A_360 = arith.index_cast %get3A_358 : i32 to index
        %get3A_361 = arith.constant 0 : index
        %get3A_362 = tpu.vector_load %arg8[%get3A_359, %get3A_360, %get3A_361] {strides = array<i32>} : memref<512x9x32xbf16, #tpu.memory_space<vmem>>, vector<32xbf16>,
        %get3A_363 = arith.constant 6 : i32
        %get3A_364 = arith.index_cast %squeeze3A_288 : i32 to index
        %get3A_365 = arith.index_cast %get3A_363 : i32 to index
        %get3A_366 = arith.constant 0 : index
        %get3A_367 = tpu.vector_load %arg9[%get3A_364, %get3A_365, %get3A_366] {strides = array<i32>} : memref<128x9x32xbf16, #tpu.memory_space<vmem>>, vector<32xbf16>,
        %mul3A_368 = arith.mulf %get3A_362, %get3A_367 : vector<32xbf16>
        %add3A_369 = arith.addf %add3A_333, %mul3A_368 : vector<32xbf16>
        %get3A_370 = arith.constant 7 : i32
        %get3A_371 = arith.index_cast %squeeze3A_286 : i32 to index
        %get3A_372 = arith.index_cast %get3A_370 : i32 to index
        %get3A_373 = arith.constant 0 : index
        %get3A_374 = tpu.vector_load %arg8[%get3A_371, %get3A_372, %get3A_373] {strides = array<i32>} : memref<512x9x32xbf16, #tpu.memory_space<vmem>>, vector<32xbf16>,
        %get3A_375 = arith.constant 7 : i32
        %get3A_376 = arith.index_cast %squeeze3A_288 : i32 to index
        %get3A_377 = arith.index_cast %get3A_375 : i32 to index
        %get3A_378 = arith.constant 0 : index
        %get3A_379 = tpu.vector_load %arg9[%get3A_376, %get3A_377, %get3A_378] {strides = array<i32>} : memref<128x9x32xbf16, #tpu.memory_space<vmem>>, vector<32xbf16>,
        %mul3A_380 = arith.mulf %get3A_374, %get3A_379 : vector<32xbf16>
        %add3A_381 = arith.addf %add3A_345, %mul3A_380 : vector<32xbf16>
        %get3A_382 = arith.constant 8 : i32
        %get3A_383 = arith.index_cast %squeeze3A_286 : i32 to index
        %get3A_384 = arith.index_cast %get3A_382 : i32 to index
        %get3A_385 = arith.constant 0 : index
        %get3A_386 = tpu.vector_load %arg8[%get3A_383, %get3A_384, %get3A_385] {strides = array<i32>} : memref<512x9x32xbf16, #tpu.memory_space<vmem>>, vector<32xbf16>,
        %get3A_387 = arith.constant 8 : i32
        %get3A_388 = arith.index_cast %squeeze3A_288 : i32 to index
        %get3A_389 = arith.index_cast %get3A_387 : i32 to index
        %get3A_390 = arith.constant 0 : index
        %get3A_391 = tpu.vector_load %arg9[%get3A_388, %get3A_389, %get3A_390] {strides = array<i32>} : memref<128x9x32xbf16, #tpu.memory_space<vmem>>, vector<32xbf16>,
        %mul3A_392 = arith.mulf %get3A_386, %get3A_391 : vector<32xbf16>
        %add3A_393 = arith.addf %add3A_357, %mul3A_392 : vector<32xbf16>
        %add3A_394 = arith.addf %add3A_369, %add3A_381 : vector<32xbf16>
        %add3A_395 = arith.addf %add3A_394, %add3A_393 : vector<32xbf16>
        %unpack3A_396 = tpu.unpack_subelements %add3A_395, 0 {pack_format = #tpu.pack_format<interleaved>} : vector<32xbf16> -> vector<16xf32>
        %unpack3A_397 = tpu.unpack_subelements %add3A_395, 1 {pack_format = #tpu.pack_format<interleaved>} : vector<32xbf16> -> vector<16xf32>
        %mul3A_398 = arith.mulf %unpack3A_396, %get3A_1 : vector<16xf32>
        %mul3A_399 = arith.mulf %unpack3A_397, %get3A_1 : vector<16xf32>
        %add3A_400 = arith.constant 2 : i32
        %add3A_401 = vector.broadcast %add3A_400 : i32 to vector<16xi32>
        %add3A_402 = arith.addi %broadcast_in_dim3A, %add3A_401 : vector<16xi32>
        tpu.vector_store_idx %arg14[%iota3A, %add3A_402], %mul3A_398 : memref<32x256xf32, #tpu.memory_space<vmem>>[vector<16xi32>, vector<16xi32>], vector<16xf32>,
        tpu.vector_store_idx %arg14[%add3A_4, %add3A_402], %mul3A_399 : memref<32x256xf32, #tpu.memory_space<vmem>>[vector<16xi32>, vector<16xi32>], vector<16xf32>,
        %slice3A_403 = vector.extract_strided_slice %get3A_46 {offsets = [3], sizes = [1], strides = [1]} : vector<16xi32> to vector<1xi32>
        %squeeze3A_404 = vector.extract %slice3A_403[0] : i32 from vector<1xi32>
        %slice3A_405 = vector.extract_strided_slice %get3A_51 {offsets = [3], sizes = [1], strides = [1]} : vector<16xi32> to vector<1xi32>
        %squeeze3A_406 = vector.extract %slice3A_405[0] : i32 from vector<1xi32>
        %get3A_407 = arith.constant 0 : i32
        %get3A_408 = arith.index_cast %squeeze3A_404 : i32 to index
        %get3A_409 = arith.index_cast %get3A_407 : i32 to index
        %get3A_410 = arith.constant 0 : index
        %get3A_411 = tpu.vector_load %arg8[%get3A_408, %get3A_409, %get3A_410] {strides = array<i32>} : memref<512x9x32xbf16, #tpu.memory_space<vmem>>, vector<32xbf16>,
        %get3A_412 = arith.constant 0 : i32
        %get3A_413 = arith.index_cast %squeeze3A_406 : i32 to index
        %get3A_414 = arith.index_cast %get3A_412 : i32 to index
        %get3A_415 = arith.constant 0 : index
        %get3A_416 = tpu.vector_load %arg9[%get3A_413, %get3A_414, %get3A_415] {strides = array<i32>} : memref<128x9x32xbf16, #tpu.memory_space<vmem>>, vector<32xbf16>,
        %mul3A_417 = arith.mulf %get3A_411, %get3A_416 : vector<32xbf16>
        %get3A_418 = arith.constant 1 : i32
        %get3A_419 = arith.index_cast %squeeze3A_404 : i32 to index
        %get3A_420 = arith.index_cast %get3A_418 : i32 to index
        %get3A_421 = arith.constant 0 : index
        %get3A_422 = tpu.vector_load %arg8[%get3A_419, %get3A_420, %get3A_421] {strides = array<i32>} : memref<512x9x32xbf16, #tpu.memory_space<vmem>>, vector<32xbf16>,
        %get3A_423 = arith.constant 1 : i32
        %get3A_424 = arith.index_cast %squeeze3A_406 : i32 to index
        %get3A_425 = arith.index_cast %get3A_423 : i32 to index
        %get3A_426 = arith.constant 0 : index
        %get3A_427 = tpu.vector_load %arg9[%get3A_424, %get3A_425, %get3A_426] {strides = array<i32>} : memref<128x9x32xbf16, #tpu.memory_space<vmem>>, vector<32xbf16>,
        %mul3A_428 = arith.mulf %get3A_422, %get3A_427 : vector<32xbf16>
        %get3A_429 = arith.constant 2 : i32
        %get3A_430 = arith.index_cast %squeeze3A_404 : i32 to index
        %get3A_431 = arith.index_cast %get3A_429 : i32 to index
        %get3A_432 = arith.constant 0 : index
        %get3A_433 = tpu.vector_load %arg8[%get3A_430, %get3A_431, %get3A_432] {strides = array<i32>} : memref<512x9x32xbf16, #tpu.memory_space<vmem>>, vector<32xbf16>,
        %get3A_434 = arith.constant 2 : i32
        %get3A_435 = arith.index_cast %squeeze3A_406 : i32 to index
        %get3A_436 = arith.index_cast %get3A_434 : i32 to index
        %get3A_437 = arith.constant 0 : index
        %get3A_438 = tpu.vector_load %arg9[%get3A_435, %get3A_436, %get3A_437] {strides = array<i32>} : memref<128x9x32xbf16, #tpu.memory_space<vmem>>, vector<32xbf16>,
        %mul3A_439 = arith.mulf %get3A_433, %get3A_438 : vector<32xbf16>
        %get3A_440 = arith.constant 3 : i32
        %get3A_441 = arith.index_cast %squeeze3A_404 : i32 to index
        %get3A_442 = arith.index_cast %get3A_440 : i32 to index
        %get3A_443 = arith.constant 0 : index
        %get3A_444 = tpu.vector_load %arg8[%get3A_441, %get3A_442, %get3A_443] {strides = array<i32>} : memref<512x9x32xbf16, #tpu.memory_space<vmem>>, vector<32xbf16>,
        %get3A_445 = arith.constant 3 : i32
        %get3A_446 = arith.index_cast %squeeze3A_406 : i32 to index
        %get3A_447 = arith.index_cast %get3A_445 : i32 to index
        %get3A_448 = arith.constant 0 : index
        %get3A_449 = tpu.vector_load %arg9[%get3A_446, %get3A_447, %get3A_448] {strides = array<i32>} : memref<128x9x32xbf16, #tpu.memory_space<vmem>>, vector<32xbf16>,
        %mul3A_450 = arith.mulf %get3A_444, %get3A_449 : vector<32xbf16>
        %add3A_451 = arith.addf %mul3A_417, %mul3A_450 : vector<32xbf16>
        %get3A_452 = arith.constant 4 : i32
        %get3A_453 = arith.index_cast %squeeze3A_404 : i32 to index
        %get3A_454 = arith.index_cast %get3A_452 : i32 to index
        %get3A_455 = arith.constant 0 : index
        %get3A_456 = tpu.vector_load %arg8[%get3A_453, %get3A_454, %get3A_455] {strides = array<i32>} : memref<512x9x32xbf16, #tpu.memory_space<vmem>>, vector<32xbf16>,
        %get3A_457 = arith.constant 4 : i32
        %get3A_458 = arith.index_cast %squeeze3A_406 : i32 to index
        %get3A_459 = arith.index_cast %get3A_457 : i32 to index
        %get3A_460 = arith.constant 0 : index
        %get3A_461 = tpu.vector_load %arg9[%get3A_458, %get3A_459, %get3A_460] {strides = array<i32>} : memref<128x9x32xbf16, #tpu.memory_space<vmem>>, vector<32xbf16>,
        %mul3A_462 = arith.mulf %get3A_456, %get3A_461 : vector<32xbf16>
        %add3A_463 = arith.addf %mul3A_428, %mul3A_462 : vector<32xbf16>
        %get3A_464 = arith.constant 5 : i32
        %get3A_465 = arith.index_cast %squeeze3A_404 : i32 to index
        %get3A_466 = arith.index_cast %get3A_464 : i32 to index
        %get3A_467 = arith.constant 0 : index
        %get3A_468 = tpu.vector_load %arg8[%get3A_465, %get3A_466, %get3A_467] {strides = array<i32>} : memref<512x9x32xbf16, #tpu.memory_space<vmem>>, vector<32xbf16>,
        %get3A_469 = arith.constant 5 : i32
        %get3A_470 = arith.index_cast %squeeze3A_406 : i32 to index
        %get3A_471 = arith.index_cast %get3A_469 : i32 to index
        %get3A_472 = arith.constant 0 : index
        %get3A_473 = tpu.vector_load %arg9[%get3A_470, %get3A_471, %get3A_472] {strides = array<i32>} : memref<128x9x32xbf16, #tpu.memory_space<vmem>>, vector<32xbf16>,
        %mul3A_474 = arith.mulf %get3A_468, %get3A_473 : vector<32xbf16>
        %add3A_475 = arith.addf %mul3A_439, %mul3A_474 : vector<32xbf16>
        %get3A_476 = arith.constant 6 : i32
        %get3A_477 = arith.index_cast %squeeze3A_404 : i32 to index
        %get3A_478 = arith.index_cast %get3A_476 : i32 to index
        %get3A_479 = arith.constant 0 : index
        %get3A_480 = tpu.vector_load %arg8[%get3A_477, %get3A_478, %get3A_479] {strides = array<i32>} : memref<512x9x32xbf16, #tpu.memory_space<vmem>>, vector<32xbf16>,
        %get3A_481 = arith.constant 6 : i32
        %get3A_482 = arith.index_cast %squeeze3A_406 : i32 to index
        %get3A_483 = arith.index_cast %get3A_481 : i32 to index
        %get3A_484 = arith.constant 0 : index
        %get3A_485 = tpu.vector_load %arg9[%get3A_482, %get3A_483, %get3A_484] {strides = array<i32>} : memref<128x9x32xbf16, #tpu.memory_space<vmem>>, vector<32xbf16>,
        %mul3A_486 = arith.mulf %get3A_480, %get3A_485 : vector<32xbf16>
        %add3A_487 = arith.addf %add3A_451, %mul3A_486 : vector<32xbf16>
        %get3A_488 = arith.constant 7 : i32
        %get3A_489 = arith.index_cast %squeeze3A_404 : i32 to index
        %get3A_490 = arith.index_cast %get3A_488 : i32 to index
        %get3A_491 = arith.constant 0 : index
        %get3A_492 = tpu.vector_load %arg8[%get3A_489, %get3A_490, %get3A_491] {strides = array<i32>} : memref<512x9x32xbf16, #tpu.memory_space<vmem>>, vector<32xbf16>,
        %get3A_493 = arith.constant 7 : i32
        %get3A_494 = arith.index_cast %squeeze3A_406 : i32 to index
        %get3A_495 = arith.index_cast %get3A_493 : i32 to index
        %get3A_496 = arith.constant 0 : index
        %get3A_497 = tpu.vector_load %arg9[%get3A_494, %get3A_495, %get3A_496] {strides = array<i32>} : memref<128x9x32xbf16, #tpu.memory_space<vmem>>, vector<32xbf16>,
        %mul3A_498 = arith.mulf %get3A_492, %get3A_497 : vector<32xbf16>
        %add3A_499 = arith.addf %add3A_463, %mul3A_498 : vector<32xbf16>
        %get3A_500 = arith.constant 8 : i32
        %get3A_501 = arith.index_cast %squeeze3A_404 : i32 to index
        %get3A_502 = arith.index_cast %get3A_500 : i32 to index
        %get3A_503 = arith.constant 0 : index
        %get3A_504 = tpu.vector_load %arg8[%get3A_501, %get3A_502, %get3A_503] {strides = array<i32>} : memref<512x9x32xbf16, #tpu.memory_space<vmem>>, vector<32xbf16>,
        %get3A_505 = arith.constant 8 : i32
        %get3A_506 = arith.index_cast %squeeze3A_406 : i32 to index
        %get3A_507 = arith.index_cast %get3A_505 : i32 to index
        %get3A_508 = arith.constant 0 : index
        %get3A_509 = tpu.vector_load %arg9[%get3A_506, %get3A_507, %get3A_508] {strides = array<i32>} : memref<128x9x32xbf16, #tpu.memory_space<vmem>>, vector<32xbf16>,
        %mul3A_510 = arith.mulf %get3A_504, %get3A_509 : vector<32xbf16>
        %add3A_511 = arith.addf %add3A_475, %mul3A_510 : vector<32xbf16>
        %add3A_512 = arith.addf %add3A_487, %add3A_499 : vector<32xbf16>
        %add3A_513 = arith.addf %add3A_512, %add3A_511 : vector<32xbf16>
        %unpack3A_514 = tpu.unpack_subelements %add3A_513, 0 {pack_format = #tpu.pack_format<interleaved>} : vector<32xbf16> -> vector<16xf32>
        %unpack3A_515 = tpu.unpack_subelements %add3A_513, 1 {pack_format = #tpu.pack_format<interleaved>} : vector<32xbf16> -> vector<16xf32>
        %mul3A_516 = arith.mulf %unpack3A_514, %get3A_1 : vector<16xf32>
        %mul3A_517 = arith.mulf %unpack3A_515, %get3A_1 : vector<16xf32>
        %add3A_518 = arith.constant 3 : i32
        %add3A_519 = vector.broadcast %add3A_518 : i32 to vector<16xi32>
        %add3A_520 = arith.addi %broadcast_in_dim3A, %add3A_519 : vector<16xi32>
        tpu.vector_store_idx %arg14[%iota3A, %add3A_520], %mul3A_516 : memref<32x256xf32, #tpu.memory_space<vmem>>[vector<16xi32>, vector<16xi32>], vector<16xf32>,
        tpu.vector_store_idx %arg14[%add3A_4, %add3A_520], %mul3A_517 : memref<32x256xf32, #tpu.memory_space<vmem>>[vector<16xi32>, vector<16xi32>], vector<16xf32>,
        %slice3A_521 = vector.extract_strided_slice %get3A_46 {offsets = [4], sizes = [1], strides = [1]} : vector<16xi32> to vector<1xi32>
        %squeeze3A_522 = vector.extract %slice3A_521[0] : i32 from vector<1xi32>
        %slice3A_523 = vector.extract_strided_slice %get3A_51 {offsets = [4], sizes = [1], strides = [1]} : vector<16xi32> to vector<1xi32>
        %squeeze3A_524 = vector.extract %slice3A_523[0] : i32 from vector<1xi32>
        %get3A_525 = arith.constant 0 : i32
        %get3A_526 = arith.index_cast %squeeze3A_522 : i32 to index
        %get3A_527 = arith.index_cast %get3A_525 : i32 to index
        %get3A_528 = arith.constant 0 : index
        %get3A_529 = tpu.vector_load %arg8[%get3A_526, %get3A_527, %get3A_528] {strides = array<i32>} : memref<512x9x32xbf16, #tpu.memory_space<vmem>>, vector<32xbf16>,
        %get3A_530 = arith.constant 0 : i32
        %get3A_531 = arith.index_cast %squeeze3A_524 : i32 to index
        %get3A_532 = arith.index_cast %get3A_530 : i32 to index
        %get3A_533 = arith.constant 0 : index
        %get3A_534 = tpu.vector_load %arg9[%get3A_531, %get3A_532, %get3A_533] {strides = array<i32>} : memref<128x9x32xbf16, #tpu.memory_space<vmem>>, vector<32xbf16>,
        %mul3A_535 = arith.mulf %get3A_529, %get3A_534 : vector<32xbf16>
        %get3A_536 = arith.constant 1 : i32
        %get3A_537 = arith.index_cast %squeeze3A_522 : i32 to index
        %get3A_538 = arith.index_cast %get3A_536 : i32 to index
        %get3A_539 = arith.constant 0 : index
        %get3A_540 = tpu.vector_load %arg8[%get3A_537, %get3A_538, %get3A_539] {strides = array<i32>} : memref<512x9x32xbf16, #tpu.memory_space<vmem>>, vector<32xbf16>,
        %get3A_541 = arith.constant 1 : i32
        %get3A_542 = arith.index_cast %squeeze3A_524 : i32 to index
        %get3A_543 = arith.index_cast %get3A_541 : i32 to index
        %get3A_544 = arith.constant 0 : index
        %get3A_545 = tpu.vector_load %arg9[%get3A_542, %get3A_543, %get3A_544] {strides = array<i32>} : memref<128x9x32xbf16, #tpu.memory_space<vmem>>, vector<32xbf16>,
        %mul3A_546 = arith.mulf %get3A_540, %get3A_545 : vector<32xbf16>
        %get3A_547 = arith.constant 2 : i32
        %get3A_548 = arith.index_cast %squeeze3A_522 : i32 to index
        %get3A_549 = arith.index_cast %get3A_547 : i32 to index
        %get3A_550 = arith.constant 0 : index
        %get3A_551 = tpu.vector_load %arg8[%get3A_548, %get3A_549, %get3A_550] {strides = array<i32>} : memref<512x9x32xbf16, #tpu.memory_space<vmem>>, vector<32xbf16>,
        %get3A_552 = arith.constant 2 : i32
        %get3A_553 = arith.index_cast %squeeze3A_524 : i32 to index
        %get3A_554 = arith.index_cast %get3A_552 : i32 to index
        %get3A_555 = arith.constant 0 : index
        %get3A_556 = tpu.vector_load %arg9[%get3A_553, %get3A_554, %get3A_555] {strides = array<i32>} : memref<128x9x32xbf16, #tpu.memory_space<vmem>>, vector<32xbf16>,
        %mul3A_557 = arith.mulf %get3A_551, %get3A_556 : vector<32xbf16>
        %get3A_558 = arith.constant 3 : i32
        %get3A_559 = arith.index_cast %squeeze3A_522 : i32 to index
        %get3A_560 = arith.index_cast %get3A_558 : i32 to index
        %get3A_561 = arith.constant 0 : index
        %get3A_562 = tpu.vector_load %arg8[%get3A_559, %get3A_560, %get3A_561] {strides = array<i32>} : memref<512x9x32xbf16, #tpu.memory_space<vmem>>, vector<32xbf16>,
        %get3A_563 = arith.constant 3 : i32
        %get3A_564 = arith.index_cast %squeeze3A_524 : i32 to index
        %get3A_565 = arith.index_cast %get3A_563 : i32 to index
        %get3A_566 = arith.constant 0 : index
        %get3A_567 = tpu.vector_load %arg9[%get3A_564, %get3A_565, %get3A_566] {strides = array<i32>} : memref<128x9x32xbf16, #tpu.memory_space<vmem>>, vector<32xbf16>,
        %mul3A_568 = arith.mulf %get3A_562, %get3A_567 : vector<32xbf16>
        %add3A_569 = arith.addf %mul3A_535, %mul3A_568 : vector<32xbf16>
        %get3A_570 = arith.constant 4 : i32
        %get3A_571 = arith.index_cast %squeeze3A_522 : i32 to index
        %get3A_572 = arith.index_cast %get3A_570 : i32 to index
        %get3A_573 = arith.constant 0 : index
        %get3A_574 = tpu.vector_load %arg8[%get3A_571, %get3A_572, %get3A_573] {strides = array<i32>} : memref<512x9x32xbf16, #tpu.memory_space<vmem>>, vector<32xbf16>,
        %get3A_575 = arith.constant 4 : i32
        %get3A_576 = arith.index_cast %squeeze3A_524 : i32 to index
        %get3A_577 = arith.index_cast %get3A_575 : i32 to index
        %get3A_578 = arith.constant 0 : index
        %get3A_579 = tpu.vector_load %arg9[%get3A_576, %get3A_577, %get3A_578] {strides = array<i32>} : memref<128x9x32xbf16, #tpu.memory_space<vmem>>, vector<32xbf16>,
        %mul3A_580 = arith.mulf %get3A_574, %get3A_579 : vector<32xbf16>
        %add3A_581 = arith.addf %mul3A_546, %mul3A_580 : vector<32xbf16>
        %get3A_582 = arith.constant 5 : i32
        %get3A_583 = arith.index_cast %squeeze3A_522 : i32 to index
        %get3A_584 = arith.index_cast %get3A_582 : i32 to index
        %get3A_585 = arith.constant 0 : index
        %get3A_586 = tpu.vector_load %arg8[%get3A_583, %get3A_584, %get3A_585] {strides = array<i32>} : memref<512x9x32xbf16, #tpu.memory_space<vmem>>, vector<32xbf16>,
        %get3A_587 = arith.constant 5 : i32
        %get3A_588 = arith.index_cast %squeeze3A_524 : i32 to index
        %get3A_589 = arith.index_cast %get3A_587 : i32 to index
        %get3A_590 = arith.constant 0 : index
        %get3A_591 = tpu.vector_load %arg9[%get3A_588, %get3A_589, %get3A_590] {strides = array<i32>} : memref<128x9x32xbf16, #tpu.memory_space<vmem>>, vector<32xbf16>,
        %mul3A_592 = arith.mulf %get3A_586, %get3A_591 : vector<32xbf16>
        %add3A_593 = arith.addf %mul3A_557, %mul3A_592 : vector<32xbf16>
        %get3A_594 = arith.constant 6 : i32
        %get3A_595 = arith.index_cast %squeeze3A_522 : i32 to index
        %get3A_596 = arith.index_cast %get3A_594 : i32 to index
        %get3A_597 = arith.constant 0 : index
        %get3A_598 = tpu.vector_load %arg8[%get3A_595, %get3A_596, %get3A_597] {strides = array<i32>} : memref<512x9x32xbf16, #tpu.memory_space<vmem>>, vector<32xbf16>,
        %get3A_599 = arith.constant 6 : i32
        %get3A_600 = arith.index_cast %squeeze3A_524 : i32 to index
        %get3A_601 = arith.index_cast %get3A_599 : i32 to index
        %get3A_602 = arith.constant 0 : index
        %get3A_603 = tpu.vector_load %arg9[%get3A_600, %get3A_601, %get3A_602] {strides = array<i32>} : memref<128x9x32xbf16, #tpu.memory_space<vmem>>, vector<32xbf16>,
        %mul3A_604 = arith.mulf %get3A_598, %get3A_603 : vector<32xbf16>
        %add3A_605 = arith.addf %add3A_569, %mul3A_604 : vector<32xbf16>
        %get3A_606 = arith.constant 7 : i32
        %get3A_607 = arith.index_cast %squeeze3A_522 : i32 to index
        %get3A_608 = arith.index_cast %get3A_606 : i32 to index
        %get3A_609 = arith.constant 0 : index
        %get3A_610 = tpu.vector_load %arg8[%get3A_607, %get3A_608, %get3A_609] {strides = array<i32>} : memref<512x9x32xbf16, #tpu.memory_space<vmem>>, vector<32xbf16>,
        %get3A_611 = arith.constant 7 : i32
        %get3A_612 = arith.index_cast %squeeze3A_524 : i32 to index
        %get3A_613 = arith.index_cast %get3A_611 : i32 to index
        %get3A_614 = arith.constant 0 : index
        %get3A_615 = tpu.vector_load %arg9[%get3A_612, %get3A_613, %get3A_614] {strides = array<i32>} : memref<128x9x32xbf16, #tpu.memory_space<vmem>>, vector<32xbf16>,
        %mul3A_616 = arith.mulf %get3A_610, %get3A_615 : vector<32xbf16>
        %add3A_617 = arith.addf %add3A_581, %mul3A_616 : vector<32xbf16>
        %get3A_618 = arith.constant 8 : i32
        %get3A_619 = arith.index_cast %squeeze3A_522 : i32 to index
        %get3A_620 = arith.index_cast %get3A_618 : i32 to index
        %get3A_621 = arith.constant 0 : index
        %get3A_622 = tpu.vector_load %arg8[%get3A_619, %get3A_620, %get3A_621] {strides = array<i32>} : memref<512x9x32xbf16, #tpu.memory_space<vmem>>, vector<32xbf16>,
        %get3A_623 = arith.constant 8 : i32
        %get3A_624 = arith.index_cast %squeeze3A_524 : i32 to index
        %get3A_625 = arith.index_cast %get3A_623 : i32 to index
        %get3A_626 = arith.constant 0 : index
        %get3A_627 = tpu.vector_load %arg9[%get3A_624, %get3A_625, %get3A_626] {strides = array<i32>} : memref<128x9x32xbf16, #tpu.memory_space<vmem>>, vector<32xbf16>,
        %mul3A_628 = arith.mulf %get3A_622, %get3A_627 : vector<32xbf16>
        %add3A_629 = arith.addf %add3A_593, %mul3A_628 : vector<32xbf16>
        %add3A_630 = arith.addf %add3A_605, %add3A_617 : vector<32xbf16>
        %add3A_631 = arith.addf %add3A_630, %add3A_629 : vector<32xbf16>
        %unpack3A_632 = tpu.unpack_subelements %add3A_631, 0 {pack_format = #tpu.pack_format<interleaved>} : vector<32xbf16> -> vector<16xf32>
        %unpack3A_633 = tpu.unpack_subelements %add3A_631, 1 {pack_format = #tpu.pack_format<interleaved>} : vector<32xbf16> -> vector<16xf32>
        %mul3A_634 = arith.mulf %unpack3A_632, %get3A_1 : vector<16xf32>
        %mul3A_635 = arith.mulf %unpack3A_633, %get3A_1 : vector<16xf32>
        %add3A_636 = arith.constant 4 : i32
        %add3A_637 = vector.broadcast %add3A_636 : i32 to vector<16xi32>
        %add3A_638 = arith.addi %broadcast_in_dim3A, %add3A_637 : vector<16xi32>
        tpu.vector_store_idx %arg14[%iota3A, %add3A_638], %mul3A_634 : memref<32x256xf32, #tpu.memory_space<vmem>>[vector<16xi32>, vector<16xi32>], vector<16xf32>,
        tpu.vector_store_idx %arg14[%add3A_4, %add3A_638], %mul3A_635 : memref<32x256xf32, #tpu.memory_space<vmem>>[vector<16xi32>, vector<16xi32>], vector<16xf32>,
        %slice3A_639 = vector.extract_strided_slice %get3A_46 {offsets = [5], sizes = [1], strides = [1]} : vector<16xi32> to vector<1xi32>
        %squeeze3A_640 = vector.extract %slice3A_639[0] : i32 from vector<1xi32>
        %slice3A_641 = vector.extract_strided_slice %get3A_51 {offsets = [5], sizes = [1], strides = [1]} : vector<16xi32> to vector<1xi32>
        %squeeze3A_642 = vector.extract %slice3A_641[0] : i32 from vector<1xi32>
        %get3A_643 = arith.constant 0 : i32
        %get3A_644 = arith.index_cast %squeeze3A_640 : i32 to index
        %get3A_645 = arith.index_cast %get3A_643 : i32 to index
        %get3A_646 = arith.constant 0 : index
        %get3A_647 = tpu.vector_load %arg8[%get3A_644, %get3A_645, %get3A_646] {strides = array<i32>} : memref<512x9x32xbf16, #tpu.memory_space<vmem>>, vector<32xbf16>,
        %get3A_648 = arith.constant 0 : i32
        %get3A_649 = arith.index_cast %squeeze3A_642 : i32 to index
        %get3A_650 = arith.index_cast %get3A_648 : i32 to index
        %get3A_651 = arith.constant 0 : index
        %get3A_652 = tpu.vector_load %arg9[%get3A_649, %get3A_650, %get3A_651] {strides = array<i32>} : memref<128x9x32xbf16, #tpu.memory_space<vmem>>, vector<32xbf16>,
        %mul3A_653 = arith.mulf %get3A_647, %get3A_652 : vector<32xbf16>
        %get3A_654 = arith.constant 1 : i32
        %get3A_655 = arith.index_cast %squeeze3A_640 : i32 to index
        %get3A_656 = arith.index_cast %get3A_654 : i32 to index
        %get3A_657 = arith.constant 0 : index
        %get3A_658 = tpu.vector_load %arg8[%get3A_655, %get3A_656, %get3A_657] {strides = array<i32>} : memref<512x9x32xbf16, #tpu.memory_space<vmem>>, vector<32xbf16>,
        %get3A_659 = arith.constant 1 : i32
        %get3A_660 = arith.index_cast %squeeze3A_642 : i32 to index
        %get3A_661 = arith.index_cast %get3A_659 : i32 to index
        %get3A_662 = arith.constant 0 : index
        %get3A_663 = tpu.vector_load %arg9[%get3A_660, %get3A_661, %get3A_662] {strides = array<i32>} : memref<128x9x32xbf16, #tpu.memory_space<vmem>>, vector<32xbf16>,
        %mul3A_664 = arith.mulf %get3A_658, %get3A_663 : vector<32xbf16>
        %get3A_665 = arith.constant 2 : i32
        %get3A_666 = arith.index_cast %squeeze3A_640 : i32 to index
        %get3A_667 = arith.index_cast %get3A_665 : i32 to index
        %get3A_668 = arith.constant 0 : index
        %get3A_669 = tpu.vector_load %arg8[%get3A_666, %get3A_667, %get3A_668] {strides = array<i32>} : memref<512x9x32xbf16, #tpu.memory_space<vmem>>, vector<32xbf16>,
        %get3A_670 = arith.constant 2 : i32
        %get3A_671 = arith.index_cast %squeeze3A_642 : i32 to index
        %get3A_672 = arith.index_cast %get3A_670 : i32 to index
        %get3A_673 = arith.constant 0 : index
        %get3A_674 = tpu.vector_load %arg9[%get3A_671, %get3A_672, %get3A_673] {strides = array<i32>} : memref<128x9x32xbf16, #tpu.memory_space<vmem>>, vector<32xbf16>,
        %mul3A_675 = arith.mulf %get3A_669, %get3A_674 : vector<32xbf16>
        %get3A_676 = arith.constant 3 : i32
        %get3A_677 = arith.index_cast %squeeze3A_640 : i32 to index
        %get3A_678 = arith.index_cast %get3A_676 : i32 to index
        %get3A_679 = arith.constant 0 : index
        %get3A_680 = tpu.vector_load %arg8[%get3A_677, %get3A_678, %get3A_679] {strides = array<i32>} : memref<512x9x32xbf16, #tpu.memory_space<vmem>>, vector<32xbf16>,
        %get3A_681 = arith.constant 3 : i32
        %get3A_682 = arith.index_cast %squeeze3A_642 : i32 to index
        %get3A_683 = arith.index_cast %get3A_681 : i32 to index
        %get3A_684 = arith.constant 0 : index
        %get3A_685 = tpu.vector_load %arg9[%get3A_682, %get3A_683, %get3A_684] {strides = array<i32>} : memref<128x9x32xbf16, #tpu.memory_space<vmem>>, vector<32xbf16>,
        %mul3A_686 = arith.mulf %get3A_680, %get3A_685 : vector<32xbf16>
        %add3A_687 = arith.addf %mul3A_653, %mul3A_686 : vector<32xbf16>
        %get3A_688 = arith.constant 4 : i32
        %get3A_689 = arith.index_cast %squeeze3A_640 : i32 to index
        %get3A_690 = arith.index_cast %get3A_688 : i32 to index
        %get3A_691 = arith.constant 0 : index
        %get3A_692 = tpu.vector_load %arg8[%get3A_689, %get3A_690, %get3A_691] {strides = array<i32>} : memref<512x9x32xbf16, #tpu.memory_space<vmem>>, vector<32xbf16>,
        %get3A_693 = arith.constant 4 : i32
        %get3A_694 = arith.index_cast %squeeze3A_642 : i32 to index
        %get3A_695 = arith.index_cast %get3A_693 : i32 to index
        %get3A_696 = arith.constant 0 : index
        %get3A_697 = tpu.vector_load %arg9[%get3A_694, %get3A_695, %get3A_696] {strides = array<i32>} : memref<128x9x32xbf16, #tpu.memory_space<vmem>>, vector<32xbf16>,
        %mul3A_698 = arith.mulf %get3A_692, %get3A_697 : vector<32xbf16>
        %add3A_699 = arith.addf %mul3A_664, %mul3A_698 : vector<32xbf16>
        %get3A_700 = arith.constant 5 : i32
        %get3A_701 = arith.index_cast %squeeze3A_640 : i32 to index
        %get3A_702 = arith.index_cast %get3A_700 : i32 to index
        %get3A_703 = arith.constant 0 : index
        %get3A_704 = tpu.vector_load %arg8[%get3A_701, %get3A_702, %get3A_703] {strides = array<i32>} : memref<512x9x32xbf16, #tpu.memory_space<vmem>>, vector<32xbf16>,
        %get3A_705 = arith.constant 5 : i32
        %get3A_706 = arith.index_cast %squeeze3A_642 : i32 to index
        %get3A_707 = arith.index_cast %get3A_705 : i32 to index
        %get3A_708 = arith.constant 0 : index
        %get3A_709 = tpu.vector_load %arg9[%get3A_706, %get3A_707, %get3A_708] {strides = array<i32>} : memref<128x9x32xbf16, #tpu.memory_space<vmem>>, vector<32xbf16>,
        %mul3A_710 = arith.mulf %get3A_704, %get3A_709 : vector<32xbf16>
        %add3A_711 = arith.addf %mul3A_675, %mul3A_710 : vector<32xbf16>
        %get3A_712 = arith.constant 6 : i32
        %get3A_713 = arith.index_cast %squeeze3A_640 : i32 to index
        %get3A_714 = arith.index_cast %get3A_712 : i32 to index
        %get3A_715 = arith.constant 0 : index
        %get3A_716 = tpu.vector_load %arg8[%get3A_713, %get3A_714, %get3A_715] {strides = array<i32>} : memref<512x9x32xbf16, #tpu.memory_space<vmem>>, vector<32xbf16>,
        %get3A_717 = arith.constant 6 : i32
        %get3A_718 = arith.index_cast %squeeze3A_642 : i32 to index
        %get3A_719 = arith.index_cast %get3A_717 : i32 to index
        %get3A_720 = arith.constant 0 : index
        %get3A_721 = tpu.vector_load %arg9[%get3A_718, %get3A_719, %get3A_720] {strides = array<i32>} : memref<128x9x32xbf16, #tpu.memory_space<vmem>>, vector<32xbf16>,
        %mul3A_722 = arith.mulf %get3A_716, %get3A_721 : vector<32xbf16>
        %add3A_723 = arith.addf %add3A_687, %mul3A_722 : vector<32xbf16>
        %get3A_724 = arith.constant 7 : i32
        %get3A_725 = arith.index_cast %squeeze3A_640 : i32 to index
        %get3A_726 = arith.index_cast %get3A_724 : i32 to index
        %get3A_727 = arith.constant 0 : index
        %get3A_728 = tpu.vector_load %arg8[%get3A_725, %get3A_726, %get3A_727] {strides = array<i32>} : memref<512x9x32xbf16, #tpu.memory_space<vmem>>, vector<32xbf16>,
        %get3A_729 = arith.constant 7 : i32
        %get3A_730 = arith.index_cast %squeeze3A_642 : i32 to index
        %get3A_731 = arith.index_cast %get3A_729 : i32 to index
        %get3A_732 = arith.constant 0 : index
        %get3A_733 = tpu.vector_load %arg9[%get3A_730, %get3A_731, %get3A_732] {strides = array<i32>} : memref<128x9x32xbf16, #tpu.memory_space<vmem>>, vector<32xbf16>,
        %mul3A_734 = arith.mulf %get3A_728, %get3A_733 : vector<32xbf16>
        %add3A_735 = arith.addf %add3A_699, %mul3A_734 : vector<32xbf16>
        %get3A_736 = arith.constant 8 : i32
        %get3A_737 = arith.index_cast %squeeze3A_640 : i32 to index
        %get3A_738 = arith.index_cast %get3A_736 : i32 to index
        %get3A_739 = arith.constant 0 : index
        %get3A_740 = tpu.vector_load %arg8[%get3A_737, %get3A_738, %get3A_739] {strides = array<i32>} : memref<512x9x32xbf16, #tpu.memory_space<vmem>>, vector<32xbf16>,
        %get3A_741 = arith.constant 8 : i32
        %get3A_742 = arith.index_cast %squeeze3A_642 : i32 to index
        %get3A_743 = arith.index_cast %get3A_741 : i32 to index
        %get3A_744 = arith.constant 0 : index
        %get3A_745 = tpu.vector_load %arg9[%get3A_742, %get3A_743, %get3A_744] {strides = array<i32>} : memref<128x9x32xbf16, #tpu.memory_space<vmem>>, vector<32xbf16>,
        %mul3A_746 = arith.mulf %get3A_740, %get3A_745 : vector<32xbf16>
        %add3A_747 = arith.addf %add3A_711, %mul3A_746 : vector<32xbf16>
        %add3A_748 = arith.addf %add3A_723, %add3A_735 : vector<32xbf16>
        %add3A_749 = arith.addf %add3A_748, %add3A_747 : vector<32xbf16>
        %unpack3A_750 = tpu.unpack_subelements %add3A_749, 0 {pack_format = #tpu.pack_format<interleaved>} : vector<32xbf16> -> vector<16xf32>
        %unpack3A_751 = tpu.unpack_subelements %add3A_749, 1 {pack_format = #tpu.pack_format<interleaved>} : vector<32xbf16> -> vector<16xf32>
        %mul3A_752 = arith.mulf %unpack3A_750, %get3A_1 : vector<16xf32>
        %mul3A_753 = arith.mulf %unpack3A_751, %get3A_1 : vector<16xf32>
        %add3A_754 = arith.constant 5 : i32
        %add3A_755 = vector.broadcast %add3A_754 : i32 to vector<16xi32>
        %add3A_756 = arith.addi %broadcast_in_dim3A, %add3A_755 : vector<16xi32>
        tpu.vector_store_idx %arg14[%iota3A, %add3A_756], %mul3A_752 : memref<32x256xf32, #tpu.memory_space<vmem>>[vector<16xi32>, vector<16xi32>], vector<16xf32>,
        tpu.vector_store_idx %arg14[%add3A_4, %add3A_756], %mul3A_753 : memref<32x256xf32, #tpu.memory_space<vmem>>[vector<16xi32>, vector<16xi32>], vector<16xf32>,
        %slice3A_757 = vector.extract_strided_slice %get3A_46 {offsets = [6], sizes = [1], strides = [1]} : vector<16xi32> to vector<1xi32>
        %squeeze3A_758 = vector.extract %slice3A_757[0] : i32 from vector<1xi32>
        %slice3A_759 = vector.extract_strided_slice %get3A_51 {offsets = [6], sizes = [1], strides = [1]} : vector<16xi32> to vector<1xi32>
        %squeeze3A_760 = vector.extract %slice3A_759[0] : i32 from vector<1xi32>
        %get3A_761 = arith.constant 0 : i32
        %get3A_762 = arith.index_cast %squeeze3A_758 : i32 to index
        %get3A_763 = arith.index_cast %get3A_761 : i32 to index
        %get3A_764 = arith.constant 0 : index
        %get3A_765 = tpu.vector_load %arg8[%get3A_762, %get3A_763, %get3A_764] {strides = array<i32>} : memref<512x9x32xbf16, #tpu.memory_space<vmem>>, vector<32xbf16>,
        %get3A_766 = arith.constant 0 : i32
        %get3A_767 = arith.index_cast %squeeze3A_760 : i32 to index
        %get3A_768 = arith.index_cast %get3A_766 : i32 to index
        %get3A_769 = arith.constant 0 : index
        %get3A_770 = tpu.vector_load %arg9[%get3A_767, %get3A_768, %get3A_769] {strides = array<i32>} : memref<128x9x32xbf16, #tpu.memory_space<vmem>>, vector<32xbf16>,
        %mul3A_771 = arith.mulf %get3A_765, %get3A_770 : vector<32xbf16>
        %get3A_772 = arith.constant 1 : i32
        %get3A_773 = arith.index_cast %squeeze3A_758 : i32 to index
        %get3A_774 = arith.index_cast %get3A_772 : i32 to index
        %get3A_775 = arith.constant 0 : index
        %get3A_776 = tpu.vector_load %arg8[%get3A_773, %get3A_774, %get3A_775] {strides = array<i32>} : memref<512x9x32xbf16, #tpu.memory_space<vmem>>, vector<32xbf16>,
        %get3A_777 = arith.constant 1 : i32
        %get3A_778 = arith.index_cast %squeeze3A_760 : i32 to index
        %get3A_779 = arith.index_cast %get3A_777 : i32 to index
        %get3A_780 = arith.constant 0 : index
        %get3A_781 = tpu.vector_load %arg9[%get3A_778, %get3A_779, %get3A_780] {strides = array<i32>} : memref<128x9x32xbf16, #tpu.memory_space<vmem>>, vector<32xbf16>,
        %mul3A_782 = arith.mulf %get3A_776, %get3A_781 : vector<32xbf16>
        %get3A_783 = arith.constant 2 : i32
        %get3A_784 = arith.index_cast %squeeze3A_758 : i32 to index
        %get3A_785 = arith.index_cast %get3A_783 : i32 to index
        %get3A_786 = arith.constant 0 : index
        %get3A_787 = tpu.vector_load %arg8[%get3A_784, %get3A_785, %get3A_786] {strides = array<i32>} : memref<512x9x32xbf16, #tpu.memory_space<vmem>>, vector<32xbf16>,
        %get3A_788 = arith.constant 2 : i32
        %get3A_789 = arith.index_cast %squeeze3A_760 : i32 to index
        %get3A_790 = arith.index_cast %get3A_788 : i32 to index
        %get3A_791 = arith.constant 0 : index
        %get3A_792 = tpu.vector_load %arg9[%get3A_789, %get3A_790, %get3A_791] {strides = array<i32>} : memref<128x9x32xbf16, #tpu.memory_space<vmem>>, vector<32xbf16>,
        %mul3A_793 = arith.mulf %get3A_787, %get3A_792 : vector<32xbf16>
        %get3A_794 = arith.constant 3 : i32
        %get3A_795 = arith.index_cast %squeeze3A_758 : i32 to index
        %get3A_796 = arith.index_cast %get3A_794 : i32 to index
        %get3A_797 = arith.constant 0 : index
        %get3A_798 = tpu.vector_load %arg8[%get3A_795, %get3A_796, %get3A_797] {strides = array<i32>} : memref<512x9x32xbf16, #tpu.memory_space<vmem>>, vector<32xbf16>,
        %get3A_799 = arith.constant 3 : i32
        %get3A_800 = arith.index_cast %squeeze3A_760 : i32 to index
        %get3A_801 = arith.index_cast %get3A_799 : i32 to index
        %get3A_802 = arith.constant 0 : index
        %get3A_803 = tpu.vector_load %arg9[%get3A_800, %get3A_801, %get3A_802] {strides = array<i32>} : memref<128x9x32xbf16, #tpu.memory_space<vmem>>, vector<32xbf16>,
        %mul3A_804 = arith.mulf %get3A_798, %get3A_803 : vector<32xbf16>
        %add3A_805 = arith.addf %mul3A_771, %mul3A_804 : vector<32xbf16>
        %get3A_806 = arith.constant 4 : i32
        %get3A_807 = arith.index_cast %squeeze3A_758 : i32 to index
        %get3A_808 = arith.index_cast %get3A_806 : i32 to index
        %get3A_809 = arith.constant 0 : index
        %get3A_810 = tpu.vector_load %arg8[%get3A_807, %get3A_808, %get3A_809] {strides = array<i32>} : memref<512x9x32xbf16, #tpu.memory_space<vmem>>, vector<32xbf16>,
        %get3A_811 = arith.constant 4 : i32
        %get3A_812 = arith.index_cast %squeeze3A_760 : i32 to index
        %get3A_813 = arith.index_cast %get3A_811 : i32 to index
        %get3A_814 = arith.constant 0 : index
        %get3A_815 = tpu.vector_load %arg9[%get3A_812, %get3A_813, %get3A_814] {strides = array<i32>} : memref<128x9x32xbf16, #tpu.memory_space<vmem>>, vector<32xbf16>,
        %mul3A_816 = arith.mulf %get3A_810, %get3A_815 : vector<32xbf16>
        %add3A_817 = arith.addf %mul3A_782, %mul3A_816 : vector<32xbf16>
        %get3A_818 = arith.constant 5 : i32
        %get3A_819 = arith.index_cast %squeeze3A_758 : i32 to index
        %get3A_820 = arith.index_cast %get3A_818 : i32 to index
        %get3A_821 = arith.constant 0 : index
        %get3A_822 = tpu.vector_load %arg8[%get3A_819, %get3A_820, %get3A_821] {strides = array<i32>} : memref<512x9x32xbf16, #tpu.memory_space<vmem>>, vector<32xbf16>,
        %get3A_823 = arith.constant 5 : i32
        %get3A_824 = arith.index_cast %squeeze3A_760 : i32 to index
        %get3A_825 = arith.index_cast %get3A_823 : i32 to index
        %get3A_826 = arith.constant 0 : index
        %get3A_827 = tpu.vector_load %arg9[%get3A_824, %get3A_825, %get3A_826] {strides = array<i32>} : memref<128x9x32xbf16, #tpu.memory_space<vmem>>, vector<32xbf16>,
        %mul3A_828 = arith.mulf %get3A_822, %get3A_827 : vector<32xbf16>
        %add3A_829 = arith.addf %mul3A_793, %mul3A_828 : vector<32xbf16>
        %get3A_830 = arith.constant 6 : i32
        %get3A_831 = arith.index_cast %squeeze3A_758 : i32 to index
        %get3A_832 = arith.index_cast %get3A_830 : i32 to index
        %get3A_833 = arith.constant 0 : index
        %get3A_834 = tpu.vector_load %arg8[%get3A_831, %get3A_832, %get3A_833] {strides = array<i32>} : memref<512x9x32xbf16, #tpu.memory_space<vmem>>, vector<32xbf16>,
        %get3A_835 = arith.constant 6 : i32
        %get3A_836 = arith.index_cast %squeeze3A_760 : i32 to index
        %get3A_837 = arith.index_cast %get3A_835 : i32 to index
        %get3A_838 = arith.constant 0 : index
        %get3A_839 = tpu.vector_load %arg9[%get3A_836, %get3A_837, %get3A_838] {strides = array<i32>} : memref<128x9x32xbf16, #tpu.memory_space<vmem>>, vector<32xbf16>,
        %mul3A_840 = arith.mulf %get3A_834, %get3A_839 : vector<32xbf16>
        %add3A_841 = arith.addf %add3A_805, %mul3A_840 : vector<32xbf16>
        %get3A_842 = arith.constant 7 : i32
        %get3A_843 = arith.index_cast %squeeze3A_758 : i32 to index
        %get3A_844 = arith.index_cast %get3A_842 : i32 to index
        %get3A_845 = arith.constant 0 : index
        %get3A_846 = tpu.vector_load %arg8[%get3A_843, %get3A_844, %get3A_845] {strides = array<i32>} : memref<512x9x32xbf16, #tpu.memory_space<vmem>>, vector<32xbf16>,
        %get3A_847 = arith.constant 7 : i32
        %get3A_848 = arith.index_cast %squeeze3A_760 : i32 to index
        %get3A_849 = arith.index_cast %get3A_847 : i32 to index
        %get3A_850 = arith.constant 0 : index
        %get3A_851 = tpu.vector_load %arg9[%get3A_848, %get3A_849, %get3A_850] {strides = array<i32>} : memref<128x9x32xbf16, #tpu.memory_space<vmem>>, vector<32xbf16>,
        %mul3A_852 = arith.mulf %get3A_846, %get3A_851 : vector<32xbf16>
        %add3A_853 = arith.addf %add3A_817, %mul3A_852 : vector<32xbf16>
        %get3A_854 = arith.constant 8 : i32
        %get3A_855 = arith.index_cast %squeeze3A_758 : i32 to index
        %get3A_856 = arith.index_cast %get3A_854 : i32 to index
        %get3A_857 = arith.constant 0 : index
        %get3A_858 = tpu.vector_load %arg8[%get3A_855, %get3A_856, %get3A_857] {strides = array<i32>} : memref<512x9x32xbf16, #tpu.memory_space<vmem>>, vector<32xbf16>,
        %get3A_859 = arith.constant 8 : i32
        %get3A_860 = arith.index_cast %squeeze3A_760 : i32 to index
        %get3A_861 = arith.index_cast %get3A_859 : i32 to index
        %get3A_862 = arith.constant 0 : index
        %get3A_863 = tpu.vector_load %arg9[%get3A_860, %get3A_861, %get3A_862] {strides = array<i32>} : memref<128x9x32xbf16, #tpu.memory_space<vmem>>, vector<32xbf16>,
        %mul3A_864 = arith.mulf %get3A_858, %get3A_863 : vector<32xbf16>
        %add3A_865 = arith.addf %add3A_829, %mul3A_864 : vector<32xbf16>
        %add3A_866 = arith.addf %add3A_841, %add3A_853 : vector<32xbf16>
        %add3A_867 = arith.addf %add3A_866, %add3A_865 : vector<32xbf16>
        %unpack3A_868 = tpu.unpack_subelements %add3A_867, 0 {pack_format = #tpu.pack_format<interleaved>} : vector<32xbf16> -> vector<16xf32>
        %unpack3A_869 = tpu.unpack_subelements %add3A_867, 1 {pack_format = #tpu.pack_format<interleaved>} : vector<32xbf16> -> vector<16xf32>
        %mul3A_870 = arith.mulf %unpack3A_868, %get3A_1 : vector<16xf32>
        %mul3A_871 = arith.mulf %unpack3A_869, %get3A_1 : vector<16xf32>
        %add3A_872 = arith.constant 6 : i32
        %add3A_873 = vector.broadcast %add3A_872 : i32 to vector<16xi32>
        %add3A_874 = arith.addi %broadcast_in_dim3A, %add3A_873 : vector<16xi32>
        tpu.vector_store_idx %arg14[%iota3A, %add3A_874], %mul3A_870 : memref<32x256xf32, #tpu.memory_space<vmem>>[vector<16xi32>, vector<16xi32>], vector<16xf32>,
        tpu.vector_store_idx %arg14[%add3A_4, %add3A_874], %mul3A_871 : memref<32x256xf32, #tpu.memory_space<vmem>>[vector<16xi32>, vector<16xi32>], vector<16xf32>,
        %slice3A_875 = vector.extract_strided_slice %get3A_46 {offsets = [7], sizes = [1], strides = [1]} : vector<16xi32> to vector<1xi32>
        %squeeze3A_876 = vector.extract %slice3A_875[0] : i32 from vector<1xi32>
        %slice3A_877 = vector.extract_strided_slice %get3A_51 {offsets = [7], sizes = [1], strides = [1]} : vector<16xi32> to vector<1xi32>
        %squeeze3A_878 = vector.extract %slice3A_877[0] : i32 from vector<1xi32>
        %get3A_879 = arith.constant 0 : i32
        %get3A_880 = arith.index_cast %squeeze3A_876 : i32 to index
        %get3A_881 = arith.index_cast %get3A_879 : i32 to index
        %get3A_882 = arith.constant 0 : index
        %get3A_883 = tpu.vector_load %arg8[%get3A_880, %get3A_881, %get3A_882] {strides = array<i32>} : memref<512x9x32xbf16, #tpu.memory_space<vmem>>, vector<32xbf16>,
        %get3A_884 = arith.constant 0 : i32
        %get3A_885 = arith.index_cast %squeeze3A_878 : i32 to index
        %get3A_886 = arith.index_cast %get3A_884 : i32 to index
        %get3A_887 = arith.constant 0 : index
        %get3A_888 = tpu.vector_load %arg9[%get3A_885, %get3A_886, %get3A_887] {strides = array<i32>} : memref<128x9x32xbf16, #tpu.memory_space<vmem>>, vector<32xbf16>,
        %mul3A_889 = arith.mulf %get3A_883, %get3A_888 : vector<32xbf16>
        %get3A_890 = arith.constant 1 : i32
        %get3A_891 = arith.index_cast %squeeze3A_876 : i32 to index
        %get3A_892 = arith.index_cast %get3A_890 : i32 to index
        %get3A_893 = arith.constant 0 : index
        %get3A_894 = tpu.vector_load %arg8[%get3A_891, %get3A_892, %get3A_893] {strides = array<i32>} : memref<512x9x32xbf16, #tpu.memory_space<vmem>>, vector<32xbf16>,
        %get3A_895 = arith.constant 1 : i32
        %get3A_896 = arith.index_cast %squeeze3A_878 : i32 to index
        %get3A_897 = arith.index_cast %get3A_895 : i32 to index
        %get3A_898 = arith.constant 0 : index
        %get3A_899 = tpu.vector_load %arg9[%get3A_896, %get3A_897, %get3A_898] {strides = array<i32>} : memref<128x9x32xbf16, #tpu.memory_space<vmem>>, vector<32xbf16>,
        %mul3A_900 = arith.mulf %get3A_894, %get3A_899 : vector<32xbf16>
        %get3A_901 = arith.constant 2 : i32
        %get3A_902 = arith.index_cast %squeeze3A_876 : i32 to index
        %get3A_903 = arith.index_cast %get3A_901 : i32 to index
        %get3A_904 = arith.constant 0 : index
        %get3A_905 = tpu.vector_load %arg8[%get3A_902, %get3A_903, %get3A_904] {strides = array<i32>} : memref<512x9x32xbf16, #tpu.memory_space<vmem>>, vector<32xbf16>,
        %get3A_906 = arith.constant 2 : i32
        %get3A_907 = arith.index_cast %squeeze3A_878 : i32 to index
        %get3A_908 = arith.index_cast %get3A_906 : i32 to index
        %get3A_909 = arith.constant 0 : index
        %get3A_910 = tpu.vector_load %arg9[%get3A_907, %get3A_908, %get3A_909] {strides = array<i32>} : memref<128x9x32xbf16, #tpu.memory_space<vmem>>, vector<32xbf16>,
        %mul3A_911 = arith.mulf %get3A_905, %get3A_910 : vector<32xbf16>
        %get3A_912 = arith.constant 3 : i32
        %get3A_913 = arith.index_cast %squeeze3A_876 : i32 to index
        %get3A_914 = arith.index_cast %get3A_912 : i32 to index
        %get3A_915 = arith.constant 0 : index
        %get3A_916 = tpu.vector_load %arg8[%get3A_913, %get3A_914, %get3A_915] {strides = array<i32>} : memref<512x9x32xbf16, #tpu.memory_space<vmem>>, vector<32xbf16>,
        %get3A_917 = arith.constant 3 : i32
        %get3A_918 = arith.index_cast %squeeze3A_878 : i32 to index
        %get3A_919 = arith.index_cast %get3A_917 : i32 to index
        %get3A_920 = arith.constant 0 : index
        %get3A_921 = tpu.vector_load %arg9[%get3A_918, %get3A_919, %get3A_920] {strides = array<i32>} : memref<128x9x32xbf16, #tpu.memory_space<vmem>>, vector<32xbf16>,
        %mul3A_922 = arith.mulf %get3A_916, %get3A_921 : vector<32xbf16>
        %add3A_923 = arith.addf %mul3A_889, %mul3A_922 : vector<32xbf16>
        %get3A_924 = arith.constant 4 : i32
        %get3A_925 = arith.index_cast %squeeze3A_876 : i32 to index
        %get3A_926 = arith.index_cast %get3A_924 : i32 to index
        %get3A_927 = arith.constant 0 : index
        %get3A_928 = tpu.vector_load %arg8[%get3A_925, %get3A_926, %get3A_927] {strides = array<i32>} : memref<512x9x32xbf16, #tpu.memory_space<vmem>>, vector<32xbf16>,
        %get3A_929 = arith.constant 4 : i32
        %get3A_930 = arith.index_cast %squeeze3A_878 : i32 to index
        %get3A_931 = arith.index_cast %get3A_929 : i32 to index
        %get3A_932 = arith.constant 0 : index
        %get3A_933 = tpu.vector_load %arg9[%get3A_930, %get3A_931, %get3A_932] {strides = array<i32>} : memref<128x9x32xbf16, #tpu.memory_space<vmem>>, vector<32xbf16>,
        %mul3A_934 = arith.mulf %get3A_928, %get3A_933 : vector<32xbf16>
        %add3A_935 = arith.addf %mul3A_900, %mul3A_934 : vector<32xbf16>
        %get3A_936 = arith.constant 5 : i32
        %get3A_937 = arith.index_cast %squeeze3A_876 : i32 to index
        %get3A_938 = arith.index_cast %get3A_936 : i32 to index
        %get3A_939 = arith.constant 0 : index
        %get3A_940 = tpu.vector_load %arg8[%get3A_937, %get3A_938, %get3A_939] {strides = array<i32>} : memref<512x9x32xbf16, #tpu.memory_space<vmem>>, vector<32xbf16>,
        %get3A_941 = arith.constant 5 : i32
        %get3A_942 = arith.index_cast %squeeze3A_878 : i32 to index
        %get3A_943 = arith.index_cast %get3A_941 : i32 to index
        %get3A_944 = arith.constant 0 : index
        %get3A_945 = tpu.vector_load %arg9[%get3A_942, %get3A_943, %get3A_944] {strides = array<i32>} : memref<128x9x32xbf16, #tpu.memory_space<vmem>>, vector<32xbf16>,
        %mul3A_946 = arith.mulf %get3A_940, %get3A_945 : vector<32xbf16>
        %add3A_947 = arith.addf %mul3A_911, %mul3A_946 : vector<32xbf16>
        %get3A_948 = arith.constant 6 : i32
        %get3A_949 = arith.index_cast %squeeze3A_876 : i32 to index
        %get3A_950 = arith.index_cast %get3A_948 : i32 to index
        %get3A_951 = arith.constant 0 : index
        %get3A_952 = tpu.vector_load %arg8[%get3A_949, %get3A_950, %get3A_951] {strides = array<i32>} : memref<512x9x32xbf16, #tpu.memory_space<vmem>>, vector<32xbf16>,
        %get3A_953 = arith.constant 6 : i32
        %get3A_954 = arith.index_cast %squeeze3A_878 : i32 to index
        %get3A_955 = arith.index_cast %get3A_953 : i32 to index
        %get3A_956 = arith.constant 0 : index
        %get3A_957 = tpu.vector_load %arg9[%get3A_954, %get3A_955, %get3A_956] {strides = array<i32>} : memref<128x9x32xbf16, #tpu.memory_space<vmem>>, vector<32xbf16>,
        %mul3A_958 = arith.mulf %get3A_952, %get3A_957 : vector<32xbf16>
        %add3A_959 = arith.addf %add3A_923, %mul3A_958 : vector<32xbf16>
        %get3A_960 = arith.constant 7 : i32
        %get3A_961 = arith.index_cast %squeeze3A_876 : i32 to index
        %get3A_962 = arith.index_cast %get3A_960 : i32 to index
        %get3A_963 = arith.constant 0 : index
        %get3A_964 = tpu.vector_load %arg8[%get3A_961, %get3A_962, %get3A_963] {strides = array<i32>} : memref<512x9x32xbf16, #tpu.memory_space<vmem>>, vector<32xbf16>,
        %get3A_965 = arith.constant 7 : i32
        %get3A_966 = arith.index_cast %squeeze3A_878 : i32 to index
        %get3A_967 = arith.index_cast %get3A_965 : i32 to index
        %get3A_968 = arith.constant 0 : index
        %get3A_969 = tpu.vector_load %arg9[%get3A_966, %get3A_967, %get3A_968] {strides = array<i32>} : memref<128x9x32xbf16, #tpu.memory_space<vmem>>, vector<32xbf16>,
        %mul3A_970 = arith.mulf %get3A_964, %get3A_969 : vector<32xbf16>
        %add3A_971 = arith.addf %add3A_935, %mul3A_970 : vector<32xbf16>
        %get3A_972 = arith.constant 8 : i32
        %get3A_973 = arith.index_cast %squeeze3A_876 : i32 to index
        %get3A_974 = arith.index_cast %get3A_972 : i32 to index
        %get3A_975 = arith.constant 0 : index
        %get3A_976 = tpu.vector_load %arg8[%get3A_973, %get3A_974, %get3A_975] {strides = array<i32>} : memref<512x9x32xbf16, #tpu.memory_space<vmem>>, vector<32xbf16>,
        %get3A_977 = arith.constant 8 : i32
        %get3A_978 = arith.index_cast %squeeze3A_878 : i32 to index
        %get3A_979 = arith.index_cast %get3A_977 : i32 to index
        %get3A_980 = arith.constant 0 : index
        %get3A_981 = tpu.vector_load %arg9[%get3A_978, %get3A_979, %get3A_980] {strides = array<i32>} : memref<128x9x32xbf16, #tpu.memory_space<vmem>>, vector<32xbf16>,
        %mul3A_982 = arith.mulf %get3A_976, %get3A_981 : vector<32xbf16>
        %add3A_983 = arith.addf %add3A_947, %mul3A_982 : vector<32xbf16>
        %add3A_984 = arith.addf %add3A_959, %add3A_971 : vector<32xbf16>
        %add3A_985 = arith.addf %add3A_984, %add3A_983 : vector<32xbf16>
        %unpack3A_986 = tpu.unpack_subelements %add3A_985, 0 {pack_format = #tpu.pack_format<interleaved>} : vector<32xbf16> -> vector<16xf32>
        %unpack3A_987 = tpu.unpack_subelements %add3A_985, 1 {pack_format = #tpu.pack_format<interleaved>} : vector<32xbf16> -> vector<16xf32>
        %mul3A_988 = arith.mulf %unpack3A_986, %get3A_1 : vector<16xf32>
        %mul3A_989 = arith.mulf %unpack3A_987, %get3A_1 : vector<16xf32>
        %add3A_990 = arith.constant 7 : i32
        %add3A_991 = vector.broadcast %add3A_990 : i32 to vector<16xi32>
        %add3A_992 = arith.addi %broadcast_in_dim3A, %add3A_991 : vector<16xi32>
        tpu.vector_store_idx %arg14[%iota3A, %add3A_992], %mul3A_988 : memref<32x256xf32, #tpu.memory_space<vmem>>[vector<16xi32>, vector<16xi32>], vector<16xf32>,
        tpu.vector_store_idx %arg14[%add3A_4, %add3A_992], %mul3A_989 : memref<32x256xf32, #tpu.memory_space<vmem>>[vector<16xi32>, vector<16xi32>], vector<16xf32>,
        %slice3A_993 = vector.extract_strided_slice %get3A_46 {offsets = [8], sizes = [1], strides = [1]} : vector<16xi32> to vector<1xi32>
        %squeeze3A_994 = vector.extract %slice3A_993[0] : i32 from vector<1xi32>
        %slice3A_995 = vector.extract_strided_slice %get3A_51 {offsets = [8], sizes = [1], strides = [1]} : vector<16xi32> to vector<1xi32>
        %squeeze3A_996 = vector.extract %slice3A_995[0] : i32 from vector<1xi32>
        %get3A_997 = arith.constant 0 : i32
        %get3A_998 = arith.index_cast %squeeze3A_994 : i32 to index
        %get3A_999 = arith.index_cast %get3A_997 : i32 to index
        %get3A_1000 = arith.constant 0 : index
        %get3A_1001 = tpu.vector_load %arg8[%get3A_998, %get3A_999, %get3A_1000] {strides = array<i32>} : memref<512x9x32xbf16, #tpu.memory_space<vmem>>, vector<32xbf16>,
        %get3A_1002 = arith.constant 0 : i32
        %get3A_1003 = arith.index_cast %squeeze3A_996 : i32 to index
        %get3A_1004 = arith.index_cast %get3A_1002 : i32 to index
        %get3A_1005 = arith.constant 0 : index
        %get3A_1006 = tpu.vector_load %arg9[%get3A_1003, %get3A_1004, %get3A_1005] {strides = array<i32>} : memref<128x9x32xbf16, #tpu.memory_space<vmem>>, vector<32xbf16>,
        %mul3A_1007 = arith.mulf %get3A_1001, %get3A_1006 : vector<32xbf16>
        %get3A_1008 = arith.constant 1 : i32
        %get3A_1009 = arith.index_cast %squeeze3A_994 : i32 to index
        %get3A_1010 = arith.index_cast %get3A_1008 : i32 to index
        %get3A_1011 = arith.constant 0 : index
        %get3A_1012 = tpu.vector_load %arg8[%get3A_1009, %get3A_1010, %get3A_1011] {strides = array<i32>} : memref<512x9x32xbf16, #tpu.memory_space<vmem>>, vector<32xbf16>,
        %get3A_1013 = arith.constant 1 : i32
        %get3A_1014 = arith.index_cast %squeeze3A_996 : i32 to index
        %get3A_1015 = arith.index_cast %get3A_1013 : i32 to index
        %get3A_1016 = arith.constant 0 : index
        %get3A_1017 = tpu.vector_load %arg9[%get3A_1014, %get3A_1015, %get3A_1016] {strides = array<i32>} : memref<128x9x32xbf16, #tpu.memory_space<vmem>>, vector<32xbf16>,
        %mul3A_1018 = arith.mulf %get3A_1012, %get3A_1017 : vector<32xbf16>
        %get3A_1019 = arith.constant 2 : i32
        %get3A_1020 = arith.index_cast %squeeze3A_994 : i32 to index
        %get3A_1021 = arith.index_cast %get3A_1019 : i32 to index
        %get3A_1022 = arith.constant 0 : index
        %get3A_1023 = tpu.vector_load %arg8[%get3A_1020, %get3A_1021, %get3A_1022] {strides = array<i32>} : memref<512x9x32xbf16, #tpu.memory_space<vmem>>, vector<32xbf16>,
        %get3A_1024 = arith.constant 2 : i32
        %get3A_1025 = arith.index_cast %squeeze3A_996 : i32 to index
        %get3A_1026 = arith.index_cast %get3A_1024 : i32 to index
        %get3A_1027 = arith.constant 0 : index
        %get3A_1028 = tpu.vector_load %arg9[%get3A_1025, %get3A_1026, %get3A_1027] {strides = array<i32>} : memref<128x9x32xbf16, #tpu.memory_space<vmem>>, vector<32xbf16>,
        %mul3A_1029 = arith.mulf %get3A_1023, %get3A_1028 : vector<32xbf16>
        %get3A_1030 = arith.constant 3 : i32
        %get3A_1031 = arith.index_cast %squeeze3A_994 : i32 to index
        %get3A_1032 = arith.index_cast %get3A_1030 : i32 to index
        %get3A_1033 = arith.constant 0 : index
        %get3A_1034 = tpu.vector_load %arg8[%get3A_1031, %get3A_1032, %get3A_1033] {strides = array<i32>} : memref<512x9x32xbf16, #tpu.memory_space<vmem>>, vector<32xbf16>,
        %get3A_1035 = arith.constant 3 : i32
        %get3A_1036 = arith.index_cast %squeeze3A_996 : i32 to index
        %get3A_1037 = arith.index_cast %get3A_1035 : i32 to index
        %get3A_1038 = arith.constant 0 : index
        %get3A_1039 = tpu.vector_load %arg9[%get3A_1036, %get3A_1037, %get3A_1038] {strides = array<i32>} : memref<128x9x32xbf16, #tpu.memory_space<vmem>>, vector<32xbf16>,
        %mul3A_1040 = arith.mulf %get3A_1034, %get3A_1039 : vector<32xbf16>
        %add3A_1041 = arith.addf %mul3A_1007, %mul3A_1040 : vector<32xbf16>
        %get3A_1042 = arith.constant 4 : i32
        %get3A_1043 = arith.index_cast %squeeze3A_994 : i32 to index
        %get3A_1044 = arith.index_cast %get3A_1042 : i32 to index
        %get3A_1045 = arith.constant 0 : index
        %get3A_1046 = tpu.vector_load %arg8[%get3A_1043, %get3A_1044, %get3A_1045] {strides = array<i32>} : memref<512x9x32xbf16, #tpu.memory_space<vmem>>, vector<32xbf16>,
        %get3A_1047 = arith.constant 4 : i32
        %get3A_1048 = arith.index_cast %squeeze3A_996 : i32 to index
        %get3A_1049 = arith.index_cast %get3A_1047 : i32 to index
        %get3A_1050 = arith.constant 0 : index
        %get3A_1051 = tpu.vector_load %arg9[%get3A_1048, %get3A_1049, %get3A_1050] {strides = array<i32>} : memref<128x9x32xbf16, #tpu.memory_space<vmem>>, vector<32xbf16>,
        %mul3A_1052 = arith.mulf %get3A_1046, %get3A_1051 : vector<32xbf16>
        %add3A_1053 = arith.addf %mul3A_1018, %mul3A_1052 : vector<32xbf16>
        %get3A_1054 = arith.constant 5 : i32
        %get3A_1055 = arith.index_cast %squeeze3A_994 : i32 to index
        %get3A_1056 = arith.index_cast %get3A_1054 : i32 to index
        %get3A_1057 = arith.constant 0 : index
        %get3A_1058 = tpu.vector_load %arg8[%get3A_1055, %get3A_1056, %get3A_1057] {strides = array<i32>} : memref<512x9x32xbf16, #tpu.memory_space<vmem>>, vector<32xbf16>,
        %get3A_1059 = arith.constant 5 : i32
        %get3A_1060 = arith.index_cast %squeeze3A_996 : i32 to index
        %get3A_1061 = arith.index_cast %get3A_1059 : i32 to index
        %get3A_1062 = arith.constant 0 : index
        %get3A_1063 = tpu.vector_load %arg9[%get3A_1060, %get3A_1061, %get3A_1062] {strides = array<i32>} : memref<128x9x32xbf16, #tpu.memory_space<vmem>>, vector<32xbf16>,
        %mul3A_1064 = arith.mulf %get3A_1058, %get3A_1063 : vector<32xbf16>
        %add3A_1065 = arith.addf %mul3A_1029, %mul3A_1064 : vector<32xbf16>
        %get3A_1066 = arith.constant 6 : i32
        %get3A_1067 = arith.index_cast %squeeze3A_994 : i32 to index
        %get3A_1068 = arith.index_cast %get3A_1066 : i32 to index
        %get3A_1069 = arith.constant 0 : index
        %get3A_1070 = tpu.vector_load %arg8[%get3A_1067, %get3A_1068, %get3A_1069] {strides = array<i32>} : memref<512x9x32xbf16, #tpu.memory_space<vmem>>, vector<32xbf16>,
        %get3A_1071 = arith.constant 6 : i32
        %get3A_1072 = arith.index_cast %squeeze3A_996 : i32 to index
        %get3A_1073 = arith.index_cast %get3A_1071 : i32 to index
        %get3A_1074 = arith.constant 0 : index
        %get3A_1075 = tpu.vector_load %arg9[%get3A_1072, %get3A_1073, %get3A_1074] {strides = array<i32>} : memref<128x9x32xbf16, #tpu.memory_space<vmem>>, vector<32xbf16>,
        %mul3A_1076 = arith.mulf %get3A_1070, %get3A_1075 : vector<32xbf16>
        %add3A_1077 = arith.addf %add3A_1041, %mul3A_1076 : vector<32xbf16>
        %get3A_1078 = arith.constant 7 : i32
        %get3A_1079 = arith.index_cast %squeeze3A_994 : i32 to index
        %get3A_1080 = arith.index_cast %get3A_1078 : i32 to index
        %get3A_1081 = arith.constant 0 : index
        %get3A_1082 = tpu.vector_load %arg8[%get3A_1079, %get3A_1080, %get3A_1081] {strides = array<i32>} : memref<512x9x32xbf16, #tpu.memory_space<vmem>>, vector<32xbf16>,
        %get3A_1083 = arith.constant 7 : i32
        %get3A_1084 = arith.index_cast %squeeze3A_996 : i32 to index
        %get3A_1085 = arith.index_cast %get3A_1083 : i32 to index
        %get3A_1086 = arith.constant 0 : index
        %get3A_1087 = tpu.vector_load %arg9[%get3A_1084, %get3A_1085, %get3A_1086] {strides = array<i32>} : memref<128x9x32xbf16, #tpu.memory_space<vmem>>, vector<32xbf16>,
        %mul3A_1088 = arith.mulf %get3A_1082, %get3A_1087 : vector<32xbf16>
        %add3A_1089 = arith.addf %add3A_1053, %mul3A_1088 : vector<32xbf16>
        %get3A_1090 = arith.constant 8 : i32
        %get3A_1091 = arith.index_cast %squeeze3A_994 : i32 to index
        %get3A_1092 = arith.index_cast %get3A_1090 : i32 to index
        %get3A_1093 = arith.constant 0 : index
        %get3A_1094 = tpu.vector_load %arg8[%get3A_1091, %get3A_1092, %get3A_1093] {strides = array<i32>} : memref<512x9x32xbf16, #tpu.memory_space<vmem>>, vector<32xbf16>,
        %get3A_1095 = arith.constant 8 : i32
        %get3A_1096 = arith.index_cast %squeeze3A_996 : i32 to index
        %get3A_1097 = arith.index_cast %get3A_1095 : i32 to index
        %get3A_1098 = arith.constant 0 : index
        %get3A_1099 = tpu.vector_load %arg9[%get3A_1096, %get3A_1097, %get3A_1098] {strides = array<i32>} : memref<128x9x32xbf16, #tpu.memory_space<vmem>>, vector<32xbf16>,
        %mul3A_1100 = arith.mulf %get3A_1094, %get3A_1099 : vector<32xbf16>
        %add3A_1101 = arith.addf %add3A_1065, %mul3A_1100 : vector<32xbf16>
        %add3A_1102 = arith.addf %add3A_1077, %add3A_1089 : vector<32xbf16>
        %add3A_1103 = arith.addf %add3A_1102, %add3A_1101 : vector<32xbf16>
        %unpack3A_1104 = tpu.unpack_subelements %add3A_1103, 0 {pack_format = #tpu.pack_format<interleaved>} : vector<32xbf16> -> vector<16xf32>
        %unpack3A_1105 = tpu.unpack_subelements %add3A_1103, 1 {pack_format = #tpu.pack_format<interleaved>} : vector<32xbf16> -> vector<16xf32>
        %mul3A_1106 = arith.mulf %unpack3A_1104, %get3A_1 : vector<16xf32>
        %mul3A_1107 = arith.mulf %unpack3A_1105, %get3A_1 : vector<16xf32>
        %add3A_1108 = arith.constant 8 : i32
        %add3A_1109 = vector.broadcast %add3A_1108 : i32 to vector<16xi32>
        %add3A_1110 = arith.addi %broadcast_in_dim3A, %add3A_1109 : vector<16xi32>
        tpu.vector_store_idx %arg14[%iota3A, %add3A_1110], %mul3A_1106 : memref<32x256xf32, #tpu.memory_space<vmem>>[vector<16xi32>, vector<16xi32>], vector<16xf32>,
        tpu.vector_store_idx %arg14[%add3A_4, %add3A_1110], %mul3A_1107 : memref<32x256xf32, #tpu.memory_space<vmem>>[vector<16xi32>, vector<16xi32>], vector<16xf32>,
        %slice3A_1111 = vector.extract_strided_slice %get3A_46 {offsets = [9], sizes = [1], strides = [1]} : vector<16xi32> to vector<1xi32>
        %squeeze3A_1112 = vector.extract %slice3A_1111[0] : i32 from vector<1xi32>
        %slice3A_1113 = vector.extract_strided_slice %get3A_51 {offsets = [9], sizes = [1], strides = [1]} : vector<16xi32> to vector<1xi32>
        %squeeze3A_1114 = vector.extract %slice3A_1113[0] : i32 from vector<1xi32>
        %get3A_1115 = arith.constant 0 : i32
        %get3A_1116 = arith.index_cast %squeeze3A_1112 : i32 to index
        %get3A_1117 = arith.index_cast %get3A_1115 : i32 to index
        %get3A_1118 = arith.constant 0 : index
        %get3A_1119 = tpu.vector_load %arg8[%get3A_1116, %get3A_1117, %get3A_1118] {strides = array<i32>} : memref<512x9x32xbf16, #tpu.memory_space<vmem>>, vector<32xbf16>,
        %get3A_1120 = arith.constant 0 : i32
        %get3A_1121 = arith.index_cast %squeeze3A_1114 : i32 to index
        %get3A_1122 = arith.index_cast %get3A_1120 : i32 to index
        %get3A_1123 = arith.constant 0 : index
        %get3A_1124 = tpu.vector_load %arg9[%get3A_1121, %get3A_1122, %get3A_1123] {strides = array<i32>} : memref<128x9x32xbf16, #tpu.memory_space<vmem>>, vector<32xbf16>,
        %mul3A_1125 = arith.mulf %get3A_1119, %get3A_1124 : vector<32xbf16>
        %get3A_1126 = arith.constant 1 : i32
        %get3A_1127 = arith.index_cast %squeeze3A_1112 : i32 to index
        %get3A_1128 = arith.index_cast %get3A_1126 : i32 to index
        %get3A_1129 = arith.constant 0 : index
        %get3A_1130 = tpu.vector_load %arg8[%get3A_1127, %get3A_1128, %get3A_1129] {strides = array<i32>} : memref<512x9x32xbf16, #tpu.memory_space<vmem>>, vector<32xbf16>,
        %get3A_1131 = arith.constant 1 : i32
        %get3A_1132 = arith.index_cast %squeeze3A_1114 : i32 to index
        %get3A_1133 = arith.index_cast %get3A_1131 : i32 to index
        %get3A_1134 = arith.constant 0 : index
        %get3A_1135 = tpu.vector_load %arg9[%get3A_1132, %get3A_1133, %get3A_1134] {strides = array<i32>} : memref<128x9x32xbf16, #tpu.memory_space<vmem>>, vector<32xbf16>,
        %mul3A_1136 = arith.mulf %get3A_1130, %get3A_1135 : vector<32xbf16>
        %get3A_1137 = arith.constant 2 : i32
        %get3A_1138 = arith.index_cast %squeeze3A_1112 : i32 to index
        %get3A_1139 = arith.index_cast %get3A_1137 : i32 to index
        %get3A_1140 = arith.constant 0 : index
        %get3A_1141 = tpu.vector_load %arg8[%get3A_1138, %get3A_1139, %get3A_1140] {strides = array<i32>} : memref<512x9x32xbf16, #tpu.memory_space<vmem>>, vector<32xbf16>,
        %get3A_1142 = arith.constant 2 : i32
        %get3A_1143 = arith.index_cast %squeeze3A_1114 : i32 to index
        %get3A_1144 = arith.index_cast %get3A_1142 : i32 to index
        %get3A_1145 = arith.constant 0 : index
        %get3A_1146 = tpu.vector_load %arg9[%get3A_1143, %get3A_1144, %get3A_1145] {strides = array<i32>} : memref<128x9x32xbf16, #tpu.memory_space<vmem>>, vector<32xbf16>,
        %mul3A_1147 = arith.mulf %get3A_1141, %get3A_1146 : vector<32xbf16>
        %get3A_1148 = arith.constant 3 : i32
        %get3A_1149 = arith.index_cast %squeeze3A_1112 : i32 to index
        %get3A_1150 = arith.index_cast %get3A_1148 : i32 to index
        %get3A_1151 = arith.constant 0 : index
        %get3A_1152 = tpu.vector_load %arg8[%get3A_1149, %get3A_1150, %get3A_1151] {strides = array<i32>} : memref<512x9x32xbf16, #tpu.memory_space<vmem>>, vector<32xbf16>,
        %get3A_1153 = arith.constant 3 : i32
        %get3A_1154 = arith.index_cast %squeeze3A_1114 : i32 to index
        %get3A_1155 = arith.index_cast %get3A_1153 : i32 to index
        %get3A_1156 = arith.constant 0 : index
        %get3A_1157 = tpu.vector_load %arg9[%get3A_1154, %get3A_1155, %get3A_1156] {strides = array<i32>} : memref<128x9x32xbf16, #tpu.memory_space<vmem>>, vector<32xbf16>,
        %mul3A_1158 = arith.mulf %get3A_1152, %get3A_1157 : vector<32xbf16>
        %add3A_1159 = arith.addf %mul3A_1125, %mul3A_1158 : vector<32xbf16>
        %get3A_1160 = arith.constant 4 : i32
        %get3A_1161 = arith.index_cast %squeeze3A_1112 : i32 to index
        %get3A_1162 = arith.index_cast %get3A_1160 : i32 to index
        %get3A_1163 = arith.constant 0 : index
        %get3A_1164 = tpu.vector_load %arg8[%get3A_1161, %get3A_1162, %get3A_1163] {strides = array<i32>} : memref<512x9x32xbf16, #tpu.memory_space<vmem>>, vector<32xbf16>,
        %get3A_1165 = arith.constant 4 : i32
        %get3A_1166 = arith.index_cast %squeeze3A_1114 : i32 to index
        %get3A_1167 = arith.index_cast %get3A_1165 : i32 to index
        %get3A_1168 = arith.constant 0 : index
        %get3A_1169 = tpu.vector_load %arg9[%get3A_1166, %get3A_1167, %get3A_1168] {strides = array<i32>} : memref<128x9x32xbf16, #tpu.memory_space<vmem>>, vector<32xbf16>,
        %mul3A_1170 = arith.mulf %get3A_1164, %get3A_1169 : vector<32xbf16>
        %add3A_1171 = arith.addf %mul3A_1136, %mul3A_1170 : vector<32xbf16>
        %get3A_1172 = arith.constant 5 : i32
        %get3A_1173 = arith.index_cast %squeeze3A_1112 : i32 to index
        %get3A_1174 = arith.index_cast %get3A_1172 : i32 to index
        %get3A_1175 = arith.constant 0 : index
        %get3A_1176 = tpu.vector_load %arg8[%get3A_1173, %get3A_1174, %get3A_1175] {strides = array<i32>} : memref<512x9x32xbf16, #tpu.memory_space<vmem>>, vector<32xbf16>,
        %get3A_1177 = arith.constant 5 : i32
        %get3A_1178 = arith.index_cast %squeeze3A_1114 : i32 to index
        %get3A_1179 = arith.index_cast %get3A_1177 : i32 to index
        %get3A_1180 = arith.constant 0 : index
        %get3A_1181 = tpu.vector_load %arg9[%get3A_1178, %get3A_1179, %get3A_1180] {strides = array<i32>} : memref<128x9x32xbf16, #tpu.memory_space<vmem>>, vector<32xbf16>,
        %mul3A_1182 = arith.mulf %get3A_1176, %get3A_1181 : vector<32xbf16>
        %add3A_1183 = arith.addf %mul3A_1147, %mul3A_1182 : vector<32xbf16>
        %get3A_1184 = arith.constant 6 : i32
        %get3A_1185 = arith.index_cast %squeeze3A_1112 : i32 to index
        %get3A_1186 = arith.index_cast %get3A_1184 : i32 to index
        %get3A_1187 = arith.constant 0 : index
        %get3A_1188 = tpu.vector_load %arg8[%get3A_1185, %get3A_1186, %get3A_1187] {strides = array<i32>} : memref<512x9x32xbf16, #tpu.memory_space<vmem>>, vector<32xbf16>,
        %get3A_1189 = arith.constant 6 : i32
        %get3A_1190 = arith.index_cast %squeeze3A_1114 : i32 to index
        %get3A_1191 = arith.index_cast %get3A_1189 : i32 to index
        %get3A_1192 = arith.constant 0 : index
        %get3A_1193 = tpu.vector_load %arg9[%get3A_1190, %get3A_1191, %get3A_1192] {strides = array<i32>} : memref<128x9x32xbf16, #tpu.memory_space<vmem>>, vector<32xbf16>,
        %mul3A_1194 = arith.mulf %get3A_1188, %get3A_1193 : vector<32xbf16>
        %add3A_1195 = arith.addf %add3A_1159, %mul3A_1194 : vector<32xbf16>
        %get3A_1196 = arith.constant 7 : i32
        %get3A_1197 = arith.index_cast %squeeze3A_1112 : i32 to index
        %get3A_1198 = arith.index_cast %get3A_1196 : i32 to index
        %get3A_1199 = arith.constant 0 : index
        %get3A_1200 = tpu.vector_load %arg8[%get3A_1197, %get3A_1198, %get3A_1199] {strides = array<i32>} : memref<512x9x32xbf16, #tpu.memory_space<vmem>>, vector<32xbf16>,
        %get3A_1201 = arith.constant 7 : i32
        %get3A_1202 = arith.index_cast %squeeze3A_1114 : i32 to index
        %get3A_1203 = arith.index_cast %get3A_1201 : i32 to index
        %get3A_1204 = arith.constant 0 : index
        %get3A_1205 = tpu.vector_load %arg9[%get3A_1202, %get3A_1203, %get3A_1204] {strides = array<i32>} : memref<128x9x32xbf16, #tpu.memory_space<vmem>>, vector<32xbf16>,
        %mul3A_1206 = arith.mulf %get3A_1200, %get3A_1205 : vector<32xbf16>
        %add3A_1207 = arith.addf %add3A_1171, %mul3A_1206 : vector<32xbf16>
        %get3A_1208 = arith.constant 8 : i32
        %get3A_1209 = arith.index_cast %squeeze3A_1112 : i32 to index
        %get3A_1210 = arith.index_cast %get3A_1208 : i32 to index
        %get3A_1211 = arith.constant 0 : index
        %get3A_1212 = tpu.vector_load %arg8[%get3A_1209, %get3A_1210, %get3A_1211] {strides = array<i32>} : memref<512x9x32xbf16, #tpu.memory_space<vmem>>, vector<32xbf16>,
        %get3A_1213 = arith.constant 8 : i32
        %get3A_1214 = arith.index_cast %squeeze3A_1114 : i32 to index
        %get3A_1215 = arith.index_cast %get3A_1213 : i32 to index
        %get3A_1216 = arith.constant 0 : index
        %get3A_1217 = tpu.vector_load %arg9[%get3A_1214, %get3A_1215, %get3A_1216] {strides = array<i32>} : memref<128x9x32xbf16, #tpu.memory_space<vmem>>, vector<32xbf16>,
        %mul3A_1218 = arith.mulf %get3A_1212, %get3A_1217 : vector<32xbf16>
        %add3A_1219 = arith.addf %add3A_1183, %mul3A_1218 : vector<32xbf16>
        %add3A_1220 = arith.addf %add3A_1195, %add3A_1207 : vector<32xbf16>
        %add3A_1221 = arith.addf %add3A_1220, %add3A_1219 : vector<32xbf16>
        %unpack3A_1222 = tpu.unpack_subelements %add3A_1221, 0 {pack_format = #tpu.pack_format<interleaved>} : vector<32xbf16> -> vector<16xf32>
        %unpack3A_1223 = tpu.unpack_subelements %add3A_1221, 1 {pack_format = #tpu.pack_format<interleaved>} : vector<32xbf16> -> vector<16xf32>
        %mul3A_1224 = arith.mulf %unpack3A_1222, %get3A_1 : vector<16xf32>
        %mul3A_1225 = arith.mulf %unpack3A_1223, %get3A_1 : vector<16xf32>
        %add3A_1226 = arith.constant 9 : i32
        %add3A_1227 = vector.broadcast %add3A_1226 : i32 to vector<16xi32>
        %add3A_1228 = arith.addi %broadcast_in_dim3A, %add3A_1227 : vector<16xi32>
        tpu.vector_store_idx %arg14[%iota3A, %add3A_1228], %mul3A_1224 : memref<32x256xf32, #tpu.memory_space<vmem>>[vector<16xi32>, vector<16xi32>], vector<16xf32>,
        tpu.vector_store_idx %arg14[%add3A_4, %add3A_1228], %mul3A_1225 : memref<32x256xf32, #tpu.memory_space<vmem>>[vector<16xi32>, vector<16xi32>], vector<16xf32>,
        %slice3A_1229 = vector.extract_strided_slice %get3A_46 {offsets = [10], sizes = [1], strides = [1]} : vector<16xi32> to vector<1xi32>
        %squeeze3A_1230 = vector.extract %slice3A_1229[0] : i32 from vector<1xi32>
        %slice3A_1231 = vector.extract_strided_slice %get3A_51 {offsets = [10], sizes = [1], strides = [1]} : vector<16xi32> to vector<1xi32>
        %squeeze3A_1232 = vector.extract %slice3A_1231[0] : i32 from vector<1xi32>
        %get3A_1233 = arith.constant 0 : i32
        %get3A_1234 = arith.index_cast %squeeze3A_1230 : i32 to index
        %get3A_1235 = arith.index_cast %get3A_1233 : i32 to index
        %get3A_1236 = arith.constant 0 : index
        %get3A_1237 = tpu.vector_load %arg8[%get3A_1234, %get3A_1235, %get3A_1236] {strides = array<i32>} : memref<512x9x32xbf16, #tpu.memory_space<vmem>>, vector<32xbf16>,
        %get3A_1238 = arith.constant 0 : i32
        %get3A_1239 = arith.index_cast %squeeze3A_1232 : i32 to index
        %get3A_1240 = arith.index_cast %get3A_1238 : i32 to index
        %get3A_1241 = arith.constant 0 : index
        %get3A_1242 = tpu.vector_load %arg9[%get3A_1239, %get3A_1240, %get3A_1241] {strides = array<i32>} : memref<128x9x32xbf16, #tpu.memory_space<vmem>>, vector<32xbf16>,
        %mul3A_1243 = arith.mulf %get3A_1237, %get3A_1242 : vector<32xbf16>
        %get3A_1244 = arith.constant 1 : i32
        %get3A_1245 = arith.index_cast %squeeze3A_1230 : i32 to index
        %get3A_1246 = arith.index_cast %get3A_1244 : i32 to index
        %get3A_1247 = arith.constant 0 : index
        %get3A_1248 = tpu.vector_load %arg8[%get3A_1245, %get3A_1246, %get3A_1247] {strides = array<i32>} : memref<512x9x32xbf16, #tpu.memory_space<vmem>>, vector<32xbf16>,
        %get3A_1249 = arith.constant 1 : i32
        %get3A_1250 = arith.index_cast %squeeze3A_1232 : i32 to index
        %get3A_1251 = arith.index_cast %get3A_1249 : i32 to index
        %get3A_1252 = arith.constant 0 : index
        %get3A_1253 = tpu.vector_load %arg9[%get3A_1250, %get3A_1251, %get3A_1252] {strides = array<i32>} : memref<128x9x32xbf16, #tpu.memory_space<vmem>>, vector<32xbf16>,
        %mul3A_1254 = arith.mulf %get3A_1248, %get3A_1253 : vector<32xbf16>
        %get3A_1255 = arith.constant 2 : i32
        %get3A_1256 = arith.index_cast %squeeze3A_1230 : i32 to index
        %get3A_1257 = arith.index_cast %get3A_1255 : i32 to index
        %get3A_1258 = arith.constant 0 : index
        %get3A_1259 = tpu.vector_load %arg8[%get3A_1256, %get3A_1257, %get3A_1258] {strides = array<i32>} : memref<512x9x32xbf16, #tpu.memory_space<vmem>>, vector<32xbf16>,
        %get3A_1260 = arith.constant 2 : i32
        %get3A_1261 = arith.index_cast %squeeze3A_1232 : i32 to index
        %get3A_1262 = arith.index_cast %get3A_1260 : i32 to index
        %get3A_1263 = arith.constant 0 : index
        %get3A_1264 = tpu.vector_load %arg9[%get3A_1261, %get3A_1262, %get3A_1263] {strides = array<i32>} : memref<128x9x32xbf16, #tpu.memory_space<vmem>>, vector<32xbf16>,
        %mul3A_1265 = arith.mulf %get3A_1259, %get3A_1264 : vector<32xbf16>
        %get3A_1266 = arith.constant 3 : i32
        %get3A_1267 = arith.index_cast %squeeze3A_1230 : i32 to index
        %get3A_1268 = arith.index_cast %get3A_1266 : i32 to index
        %get3A_1269 = arith.constant 0 : index
        %get3A_1270 = tpu.vector_load %arg8[%get3A_1267, %get3A_1268, %get3A_1269] {strides = array<i32>} : memref<512x9x32xbf16, #tpu.memory_space<vmem>>, vector<32xbf16>,
        %get3A_1271 = arith.constant 3 : i32
        %get3A_1272 = arith.index_cast %squeeze3A_1232 : i32 to index
        %get3A_1273 = arith.index_cast %get3A_1271 : i32 to index
        %get3A_1274 = arith.constant 0 : index
        %get3A_1275 = tpu.vector_load %arg9[%get3A_1272, %get3A_1273, %get3A_1274] {strides = array<i32>} : memref<128x9x32xbf16, #tpu.memory_space<vmem>>, vector<32xbf16>,
        %mul3A_1276 = arith.mulf %get3A_1270, %get3A_1275 : vector<32xbf16>
        %add3A_1277 = arith.addf %mul3A_1243, %mul3A_1276 : vector<32xbf16>
        %get3A_1278 = arith.constant 4 : i32
        %get3A_1279 = arith.index_cast %squeeze3A_1230 : i32 to index
        %get3A_1280 = arith.index_cast %get3A_1278 : i32 to index
        %get3A_1281 = arith.constant 0 : index
        %get3A_1282 = tpu.vector_load %arg8[%get3A_1279, %get3A_1280, %get3A_1281] {strides = array<i32>} : memref<512x9x32xbf16, #tpu.memory_space<vmem>>, vector<32xbf16>,
        %get3A_1283 = arith.constant 4 : i32
        %get3A_1284 = arith.index_cast %squeeze3A_1232 : i32 to index
        %get3A_1285 = arith.index_cast %get3A_1283 : i32 to index
        %get3A_1286 = arith.constant 0 : index
        %get3A_1287 = tpu.vector_load %arg9[%get3A_1284, %get3A_1285, %get3A_1286] {strides = array<i32>} : memref<128x9x32xbf16, #tpu.memory_space<vmem>>, vector<32xbf16>,
        %mul3A_1288 = arith.mulf %get3A_1282, %get3A_1287 : vector<32xbf16>
        %add3A_1289 = arith.addf %mul3A_1254, %mul3A_1288 : vector<32xbf16>
        %get3A_1290 = arith.constant 5 : i32
        %get3A_1291 = arith.index_cast %squeeze3A_1230 : i32 to index
        %get3A_1292 = arith.index_cast %get3A_1290 : i32 to index
        %get3A_1293 = arith.constant 0 : index
        %get3A_1294 = tpu.vector_load %arg8[%get3A_1291, %get3A_1292, %get3A_1293] {strides = array<i32>} : memref<512x9x32xbf16, #tpu.memory_space<vmem>>, vector<32xbf16>,
        %get3A_1295 = arith.constant 5 : i32
        %get3A_1296 = arith.index_cast %squeeze3A_1232 : i32 to index
        %get3A_1297 = arith.index_cast %get3A_1295 : i32 to index
        %get3A_1298 = arith.constant 0 : index
        %get3A_1299 = tpu.vector_load %arg9[%get3A_1296, %get3A_1297, %get3A_1298] {strides = array<i32>} : memref<128x9x32xbf16, #tpu.memory_space<vmem>>, vector<32xbf16>,
        %mul3A_1300 = arith.mulf %get3A_1294, %get3A_1299 : vector<32xbf16>
        %add3A_1301 = arith.addf %mul3A_1265, %mul3A_1300 : vector<32xbf16>
        %get3A_1302 = arith.constant 6 : i32
        %get3A_1303 = arith.index_cast %squeeze3A_1230 : i32 to index
        %get3A_1304 = arith.index_cast %get3A_1302 : i32 to index
        %get3A_1305 = arith.constant 0 : index
        %get3A_1306 = tpu.vector_load %arg8[%get3A_1303, %get3A_1304, %get3A_1305] {strides = array<i32>} : memref<512x9x32xbf16, #tpu.memory_space<vmem>>, vector<32xbf16>,
        %get3A_1307 = arith.constant 6 : i32
        %get3A_1308 = arith.index_cast %squeeze3A_1232 : i32 to index
        %get3A_1309 = arith.index_cast %get3A_1307 : i32 to index
        %get3A_1310 = arith.constant 0 : index
        %get3A_1311 = tpu.vector_load %arg9[%get3A_1308, %get3A_1309, %get3A_1310] {strides = array<i32>} : memref<128x9x32xbf16, #tpu.memory_space<vmem>>, vector<32xbf16>,
        %mul3A_1312 = arith.mulf %get3A_1306, %get3A_1311 : vector<32xbf16>
        %add3A_1313 = arith.addf %add3A_1277, %mul3A_1312 : vector<32xbf16>
        %get3A_1314 = arith.constant 7 : i32
        %get3A_1315 = arith.index_cast %squeeze3A_1230 : i32 to index
        %get3A_1316 = arith.index_cast %get3A_1314 : i32 to index
        %get3A_1317 = arith.constant 0 : index
        %get3A_1318 = tpu.vector_load %arg8[%get3A_1315, %get3A_1316, %get3A_1317] {strides = array<i32>} : memref<512x9x32xbf16, #tpu.memory_space<vmem>>, vector<32xbf16>,
        %get3A_1319 = arith.constant 7 : i32
        %get3A_1320 = arith.index_cast %squeeze3A_1232 : i32 to index
        %get3A_1321 = arith.index_cast %get3A_1319 : i32 to index
        %get3A_1322 = arith.constant 0 : index
        %get3A_1323 = tpu.vector_load %arg9[%get3A_1320, %get3A_1321, %get3A_1322] {strides = array<i32>} : memref<128x9x32xbf16, #tpu.memory_space<vmem>>, vector<32xbf16>,
        %mul3A_1324 = arith.mulf %get3A_1318, %get3A_1323 : vector<32xbf16>
        %add3A_1325 = arith.addf %add3A_1289, %mul3A_1324 : vector<32xbf16>
        %get3A_1326 = arith.constant 8 : i32
        %get3A_1327 = arith.index_cast %squeeze3A_1230 : i32 to index
        %get3A_1328 = arith.index_cast %get3A_1326 : i32 to index
        %get3A_1329 = arith.constant 0 : index
        %get3A_1330 = tpu.vector_load %arg8[%get3A_1327, %get3A_1328, %get3A_1329] {strides = array<i32>} : memref<512x9x32xbf16, #tpu.memory_space<vmem>>, vector<32xbf16>,
        %get3A_1331 = arith.constant 8 : i32
        %get3A_1332 = arith.index_cast %squeeze3A_1232 : i32 to index
        %get3A_1333 = arith.index_cast %get3A_1331 : i32 to index
        %get3A_1334 = arith.constant 0 : index
        %get3A_1335 = tpu.vector_load %arg9[%get3A_1332, %get3A_1333, %get3A_1334] {strides = array<i32>} : memref<128x9x32xbf16, #tpu.memory_space<vmem>>, vector<32xbf16>,
        %mul3A_1336 = arith.mulf %get3A_1330, %get3A_1335 : vector<32xbf16>
        %add3A_1337 = arith.addf %add3A_1301, %mul3A_1336 : vector<32xbf16>
        %add3A_1338 = arith.addf %add3A_1313, %add3A_1325 : vector<32xbf16>
        %add3A_1339 = arith.addf %add3A_1338, %add3A_1337 : vector<32xbf16>
        %unpack3A_1340 = tpu.unpack_subelements %add3A_1339, 0 {pack_format = #tpu.pack_format<interleaved>} : vector<32xbf16> -> vector<16xf32>
        %unpack3A_1341 = tpu.unpack_subelements %add3A_1339, 1 {pack_format = #tpu.pack_format<interleaved>} : vector<32xbf16> -> vector<16xf32>
        %mul3A_1342 = arith.mulf %unpack3A_1340, %get3A_1 : vector<16xf32>
        %mul3A_1343 = arith.mulf %unpack3A_1341, %get3A_1 : vector<16xf32>
        %add3A_1344 = arith.constant 10 : i32
        %add3A_1345 = vector.broadcast %add3A_1344 : i32 to vector<16xi32>
        %add3A_1346 = arith.addi %broadcast_in_dim3A, %add3A_1345 : vector<16xi32>
        tpu.vector_store_idx %arg14[%iota3A, %add3A_1346], %mul3A_1342 : memref<32x256xf32, #tpu.memory_space<vmem>>[vector<16xi32>, vector<16xi32>], vector<16xf32>,
        tpu.vector_store_idx %arg14[%add3A_4, %add3A_1346], %mul3A_1343 : memref<32x256xf32, #tpu.memory_space<vmem>>[vector<16xi32>, vector<16xi32>], vector<16xf32>,
        %slice3A_1347 = vector.extract_strided_slice %get3A_46 {offsets = [11], sizes = [1], strides = [1]} : vector<16xi32> to vector<1xi32>
        %squeeze3A_1348 = vector.extract %slice3A_1347[0] : i32 from vector<1xi32>
        %slice3A_1349 = vector.extract_strided_slice %get3A_51 {offsets = [11], sizes = [1], strides = [1]} : vector<16xi32> to vector<1xi32>
        %squeeze3A_1350 = vector.extract %slice3A_1349[0] : i32 from vector<1xi32>
        %get3A_1351 = arith.constant 0 : i32
        %get3A_1352 = arith.index_cast %squeeze3A_1348 : i32 to index
        %get3A_1353 = arith.index_cast %get3A_1351 : i32 to index
        %get3A_1354 = arith.constant 0 : index
        %get3A_1355 = tpu.vector_load %arg8[%get3A_1352, %get3A_1353, %get3A_1354] {strides = array<i32>} : memref<512x9x32xbf16, #tpu.memory_space<vmem>>, vector<32xbf16>,
        %get3A_1356 = arith.constant 0 : i32
        %get3A_1357 = arith.index_cast %squeeze3A_1350 : i32 to index
        %get3A_1358 = arith.index_cast %get3A_1356 : i32 to index
        %get3A_1359 = arith.constant 0 : index
        %get3A_1360 = tpu.vector_load %arg9[%get3A_1357, %get3A_1358, %get3A_1359] {strides = array<i32>} : memref<128x9x32xbf16, #tpu.memory_space<vmem>>, vector<32xbf16>,
        %mul3A_1361 = arith.mulf %get3A_1355, %get3A_1360 : vector<32xbf16>
        %get3A_1362 = arith.constant 1 : i32
        %get3A_1363 = arith.index_cast %squeeze3A_1348 : i32 to index
        %get3A_1364 = arith.index_cast %get3A_1362 : i32 to index
        %get3A_1365 = arith.constant 0 : index
        %get3A_1366 = tpu.vector_load %arg8[%get3A_1363, %get3A_1364, %get3A_1365] {strides = array<i32>} : memref<512x9x32xbf16, #tpu.memory_space<vmem>>, vector<32xbf16>,
        %get3A_1367 = arith.constant 1 : i32
        %get3A_1368 = arith.index_cast %squeeze3A_1350 : i32 to index
        %get3A_1369 = arith.index_cast %get3A_1367 : i32 to index
        %get3A_1370 = arith.constant 0 : index
        %get3A_1371 = tpu.vector_load %arg9[%get3A_1368, %get3A_1369, %get3A_1370] {strides = array<i32>} : memref<128x9x32xbf16, #tpu.memory_space<vmem>>, vector<32xbf16>,
        %mul3A_1372 = arith.mulf %get3A_1366, %get3A_1371 : vector<32xbf16>
        %get3A_1373 = arith.constant 2 : i32
        %get3A_1374 = arith.index_cast %squeeze3A_1348 : i32 to index
        %get3A_1375 = arith.index_cast %get3A_1373 : i32 to index
        %get3A_1376 = arith.constant 0 : index
        %get3A_1377 = tpu.vector_load %arg8[%get3A_1374, %get3A_1375, %get3A_1376] {strides = array<i32>} : memref<512x9x32xbf16, #tpu.memory_space<vmem>>, vector<32xbf16>,
        %get3A_1378 = arith.constant 2 : i32
        %get3A_1379 = arith.index_cast %squeeze3A_1350 : i32 to index
        %get3A_1380 = arith.index_cast %get3A_1378 : i32 to index
        %get3A_1381 = arith.constant 0 : index
        %get3A_1382 = tpu.vector_load %arg9[%get3A_1379, %get3A_1380, %get3A_1381] {strides = array<i32>} : memref<128x9x32xbf16, #tpu.memory_space<vmem>>, vector<32xbf16>,
        %mul3A_1383 = arith.mulf %get3A_1377, %get3A_1382 : vector<32xbf16>
        %get3A_1384 = arith.constant 3 : i32
        %get3A_1385 = arith.index_cast %squeeze3A_1348 : i32 to index
        %get3A_1386 = arith.index_cast %get3A_1384 : i32 to index
        %get3A_1387 = arith.constant 0 : index
        %get3A_1388 = tpu.vector_load %arg8[%get3A_1385, %get3A_1386, %get3A_1387] {strides = array<i32>} : memref<512x9x32xbf16, #tpu.memory_space<vmem>>, vector<32xbf16>,
        %get3A_1389 = arith.constant 3 : i32
        %get3A_1390 = arith.index_cast %squeeze3A_1350 : i32 to index
        %get3A_1391 = arith.index_cast %get3A_1389 : i32 to index
        %get3A_1392 = arith.constant 0 : index
        %get3A_1393 = tpu.vector_load %arg9[%get3A_1390, %get3A_1391, %get3A_1392] {strides = array<i32>} : memref<128x9x32xbf16, #tpu.memory_space<vmem>>, vector<32xbf16>,
        %mul3A_1394 = arith.mulf %get3A_1388, %get3A_1393 : vector<32xbf16>
        %add3A_1395 = arith.addf %mul3A_1361, %mul3A_1394 : vector<32xbf16>
        %get3A_1396 = arith.constant 4 : i32
        %get3A_1397 = arith.index_cast %squeeze3A_1348 : i32 to index
        %get3A_1398 = arith.index_cast %get3A_1396 : i32 to index
        %get3A_1399 = arith.constant 0 : index
        %get3A_1400 = tpu.vector_load %arg8[%get3A_1397, %get3A_1398, %get3A_1399] {strides = array<i32>} : memref<512x9x32xbf16, #tpu.memory_space<vmem>>, vector<32xbf16>,
        %get3A_1401 = arith.constant 4 : i32
        %get3A_1402 = arith.index_cast %squeeze3A_1350 : i32 to index
        %get3A_1403 = arith.index_cast %get3A_1401 : i32 to index
        %get3A_1404 = arith.constant 0 : index
        %get3A_1405 = tpu.vector_load %arg9[%get3A_1402, %get3A_1403, %get3A_1404] {strides = array<i32>} : memref<128x9x32xbf16, #tpu.memory_space<vmem>>, vector<32xbf16>,
        %mul3A_1406 = arith.mulf %get3A_1400, %get3A_1405 : vector<32xbf16>
        %add3A_1407 = arith.addf %mul3A_1372, %mul3A_1406 : vector<32xbf16>
        %get3A_1408 = arith.constant 5 : i32
        %get3A_1409 = arith.index_cast %squeeze3A_1348 : i32 to index
        %get3A_1410 = arith.index_cast %get3A_1408 : i32 to index
        %get3A_1411 = arith.constant 0 : index
        %get3A_1412 = tpu.vector_load %arg8[%get3A_1409, %get3A_1410, %get3A_1411] {strides = array<i32>} : memref<512x9x32xbf16, #tpu.memory_space<vmem>>, vector<32xbf16>,
        %get3A_1413 = arith.constant 5 : i32
        %get3A_1414 = arith.index_cast %squeeze3A_1350 : i32 to index
        %get3A_1415 = arith.index_cast %get3A_1413 : i32 to index
        %get3A_1416 = arith.constant 0 : index
        %get3A_1417 = tpu.vector_load %arg9[%get3A_1414, %get3A_1415, %get3A_1416] {strides = array<i32>} : memref<128x9x32xbf16, #tpu.memory_space<vmem>>, vector<32xbf16>,
        %mul3A_1418 = arith.mulf %get3A_1412, %get3A_1417 : vector<32xbf16>
        %add3A_1419 = arith.addf %mul3A_1383, %mul3A_1418 : vector<32xbf16>
        %get3A_1420 = arith.constant 6 : i32
        %get3A_1421 = arith.index_cast %squeeze3A_1348 : i32 to index
        %get3A_1422 = arith.index_cast %get3A_1420 : i32 to index
        %get3A_1423 = arith.constant 0 : index
        %get3A_1424 = tpu.vector_load %arg8[%get3A_1421, %get3A_1422, %get3A_1423] {strides = array<i32>} : memref<512x9x32xbf16, #tpu.memory_space<vmem>>, vector<32xbf16>,
        %get3A_1425 = arith.constant 6 : i32
        %get3A_1426 = arith.index_cast %squeeze3A_1350 : i32 to index
        %get3A_1427 = arith.index_cast %get3A_1425 : i32 to index
        %get3A_1428 = arith.constant 0 : index
        %get3A_1429 = tpu.vector_load %arg9[%get3A_1426, %get3A_1427, %get3A_1428] {strides = array<i32>} : memref<128x9x32xbf16, #tpu.memory_space<vmem>>, vector<32xbf16>,
        %mul3A_1430 = arith.mulf %get3A_1424, %get3A_1429 : vector<32xbf16>
        %add3A_1431 = arith.addf %add3A_1395, %mul3A_1430 : vector<32xbf16>
        %get3A_1432 = arith.constant 7 : i32
        %get3A_1433 = arith.index_cast %squeeze3A_1348 : i32 to index
        %get3A_1434 = arith.index_cast %get3A_1432 : i32 to index
        %get3A_1435 = arith.constant 0 : index
        %get3A_1436 = tpu.vector_load %arg8[%get3A_1433, %get3A_1434, %get3A_1435] {strides = array<i32>} : memref<512x9x32xbf16, #tpu.memory_space<vmem>>, vector<32xbf16>,
        %get3A_1437 = arith.constant 7 : i32
        %get3A_1438 = arith.index_cast %squeeze3A_1350 : i32 to index
        %get3A_1439 = arith.index_cast %get3A_1437 : i32 to index
        %get3A_1440 = arith.constant 0 : index
        %get3A_1441 = tpu.vector_load %arg9[%get3A_1438, %get3A_1439, %get3A_1440] {strides = array<i32>} : memref<128x9x32xbf16, #tpu.memory_space<vmem>>, vector<32xbf16>,
        %mul3A_1442 = arith.mulf %get3A_1436, %get3A_1441 : vector<32xbf16>
        %add3A_1443 = arith.addf %add3A_1407, %mul3A_1442 : vector<32xbf16>
        %get3A_1444 = arith.constant 8 : i32
        %get3A_1445 = arith.index_cast %squeeze3A_1348 : i32 to index
        %get3A_1446 = arith.index_cast %get3A_1444 : i32 to index
        %get3A_1447 = arith.constant 0 : index
        %get3A_1448 = tpu.vector_load %arg8[%get3A_1445, %get3A_1446, %get3A_1447] {strides = array<i32>} : memref<512x9x32xbf16, #tpu.memory_space<vmem>>, vector<32xbf16>,
        %get3A_1449 = arith.constant 8 : i32
        %get3A_1450 = arith.index_cast %squeeze3A_1350 : i32 to index
        %get3A_1451 = arith.index_cast %get3A_1449 : i32 to index
        %get3A_1452 = arith.constant 0 : index
        %get3A_1453 = tpu.vector_load %arg9[%get3A_1450, %get3A_1451, %get3A_1452] {strides = array<i32>} : memref<128x9x32xbf16, #tpu.memory_space<vmem>>, vector<32xbf16>,
        %mul3A_1454 = arith.mulf %get3A_1448, %get3A_1453 : vector<32xbf16>
        %add3A_1455 = arith.addf %add3A_1419, %mul3A_1454 : vector<32xbf16>
        %add3A_1456 = arith.addf %add3A_1431, %add3A_1443 : vector<32xbf16>
        %add3A_1457 = arith.addf %add3A_1456, %add3A_1455 : vector<32xbf16>
        %unpack3A_1458 = tpu.unpack_subelements %add3A_1457, 0 {pack_format = #tpu.pack_format<interleaved>} : vector<32xbf16> -> vector<16xf32>
        %unpack3A_1459 = tpu.unpack_subelements %add3A_1457, 1 {pack_format = #tpu.pack_format<interleaved>} : vector<32xbf16> -> vector<16xf32>
        %mul3A_1460 = arith.mulf %unpack3A_1458, %get3A_1 : vector<16xf32>
        %mul3A_1461 = arith.mulf %unpack3A_1459, %get3A_1 : vector<16xf32>
        %add3A_1462 = arith.constant 11 : i32
        %add3A_1463 = vector.broadcast %add3A_1462 : i32 to vector<16xi32>
        %add3A_1464 = arith.addi %broadcast_in_dim3A, %add3A_1463 : vector<16xi32>
        tpu.vector_store_idx %arg14[%iota3A, %add3A_1464], %mul3A_1460 : memref<32x256xf32, #tpu.memory_space<vmem>>[vector<16xi32>, vector<16xi32>], vector<16xf32>,
        tpu.vector_store_idx %arg14[%add3A_4, %add3A_1464], %mul3A_1461 : memref<32x256xf32, #tpu.memory_space<vmem>>[vector<16xi32>, vector<16xi32>], vector<16xf32>,
        %slice3A_1465 = vector.extract_strided_slice %get3A_46 {offsets = [12], sizes = [1], strides = [1]} : vector<16xi32> to vector<1xi32>
        %squeeze3A_1466 = vector.extract %slice3A_1465[0] : i32 from vector<1xi32>
        %slice3A_1467 = vector.extract_strided_slice %get3A_51 {offsets = [12], sizes = [1], strides = [1]} : vector<16xi32> to vector<1xi32>
        %squeeze3A_1468 = vector.extract %slice3A_1467[0] : i32 from vector<1xi32>
        %get3A_1469 = arith.constant 0 : i32
        %get3A_1470 = arith.index_cast %squeeze3A_1466 : i32 to index
        %get3A_1471 = arith.index_cast %get3A_1469 : i32 to index
        %get3A_1472 = arith.constant 0 : index
        %get3A_1473 = tpu.vector_load %arg8[%get3A_1470, %get3A_1471, %get3A_1472] {strides = array<i32>} : memref<512x9x32xbf16, #tpu.memory_space<vmem>>, vector<32xbf16>,
        %get3A_1474 = arith.constant 0 : i32
        %get3A_1475 = arith.index_cast %squeeze3A_1468 : i32 to index
        %get3A_1476 = arith.index_cast %get3A_1474 : i32 to index
        %get3A_1477 = arith.constant 0 : index
        %get3A_1478 = tpu.vector_load %arg9[%get3A_1475, %get3A_1476, %get3A_1477] {strides = array<i32>} : memref<128x9x32xbf16, #tpu.memory_space<vmem>>, vector<32xbf16>,
        %mul3A_1479 = arith.mulf %get3A_1473, %get3A_1478 : vector<32xbf16>
        %get3A_1480 = arith.constant 1 : i32
        %get3A_1481 = arith.index_cast %squeeze3A_1466 : i32 to index
        %get3A_1482 = arith.index_cast %get3A_1480 : i32 to index
        %get3A_1483 = arith.constant 0 : index
        %get3A_1484 = tpu.vector_load %arg8[%get3A_1481, %get3A_1482, %get3A_1483] {strides = array<i32>} : memref<512x9x32xbf16, #tpu.memory_space<vmem>>, vector<32xbf16>,
        %get3A_1485 = arith.constant 1 : i32
        %get3A_1486 = arith.index_cast %squeeze3A_1468 : i32 to index
        %get3A_1487 = arith.index_cast %get3A_1485 : i32 to index
        %get3A_1488 = arith.constant 0 : index
        %get3A_1489 = tpu.vector_load %arg9[%get3A_1486, %get3A_1487, %get3A_1488] {strides = array<i32>} : memref<128x9x32xbf16, #tpu.memory_space<vmem>>, vector<32xbf16>,
        %mul3A_1490 = arith.mulf %get3A_1484, %get3A_1489 : vector<32xbf16>
        %get3A_1491 = arith.constant 2 : i32
        %get3A_1492 = arith.index_cast %squeeze3A_1466 : i32 to index
        %get3A_1493 = arith.index_cast %get3A_1491 : i32 to index
        %get3A_1494 = arith.constant 0 : index
        %get3A_1495 = tpu.vector_load %arg8[%get3A_1492, %get3A_1493, %get3A_1494] {strides = array<i32>} : memref<512x9x32xbf16, #tpu.memory_space<vmem>>, vector<32xbf16>,
        %get3A_1496 = arith.constant 2 : i32
        %get3A_1497 = arith.index_cast %squeeze3A_1468 : i32 to index
        %get3A_1498 = arith.index_cast %get3A_1496 : i32 to index
        %get3A_1499 = arith.constant 0 : index
        %get3A_1500 = tpu.vector_load %arg9[%get3A_1497, %get3A_1498, %get3A_1499] {strides = array<i32>} : memref<128x9x32xbf16, #tpu.memory_space<vmem>>, vector<32xbf16>,
        %mul3A_1501 = arith.mulf %get3A_1495, %get3A_1500 : vector<32xbf16>
        %get3A_1502 = arith.constant 3 : i32
        %get3A_1503 = arith.index_cast %squeeze3A_1466 : i32 to index
        %get3A_1504 = arith.index_cast %get3A_1502 : i32 to index
        %get3A_1505 = arith.constant 0 : index
        %get3A_1506 = tpu.vector_load %arg8[%get3A_1503, %get3A_1504, %get3A_1505] {strides = array<i32>} : memref<512x9x32xbf16, #tpu.memory_space<vmem>>, vector<32xbf16>,
        %get3A_1507 = arith.constant 3 : i32
        %get3A_1508 = arith.index_cast %squeeze3A_1468 : i32 to index
        %get3A_1509 = arith.index_cast %get3A_1507 : i32 to index
        %get3A_1510 = arith.constant 0 : index
        %get3A_1511 = tpu.vector_load %arg9[%get3A_1508, %get3A_1509, %get3A_1510] {strides = array<i32>} : memref<128x9x32xbf16, #tpu.memory_space<vmem>>, vector<32xbf16>,
        %mul3A_1512 = arith.mulf %get3A_1506, %get3A_1511 : vector<32xbf16>
        %add3A_1513 = arith.addf %mul3A_1479, %mul3A_1512 : vector<32xbf16>
        %get3A_1514 = arith.constant 4 : i32
        %get3A_1515 = arith.index_cast %squeeze3A_1466 : i32 to index
        %get3A_1516 = arith.index_cast %get3A_1514 : i32 to index
        %get3A_1517 = arith.constant 0 : index
        %get3A_1518 = tpu.vector_load %arg8[%get3A_1515, %get3A_1516, %get3A_1517] {strides = array<i32>} : memref<512x9x32xbf16, #tpu.memory_space<vmem>>, vector<32xbf16>,
        %get3A_1519 = arith.constant 4 : i32
        %get3A_1520 = arith.index_cast %squeeze3A_1468 : i32 to index
        %get3A_1521 = arith.index_cast %get3A_1519 : i32 to index
        %get3A_1522 = arith.constant 0 : index
        %get3A_1523 = tpu.vector_load %arg9[%get3A_1520, %get3A_1521, %get3A_1522] {strides = array<i32>} : memref<128x9x32xbf16, #tpu.memory_space<vmem>>, vector<32xbf16>,
        %mul3A_1524 = arith.mulf %get3A_1518, %get3A_1523 : vector<32xbf16>
        %add3A_1525 = arith.addf %mul3A_1490, %mul3A_1524 : vector<32xbf16>
        %get3A_1526 = arith.constant 5 : i32
        %get3A_1527 = arith.index_cast %squeeze3A_1466 : i32 to index
        %get3A_1528 = arith.index_cast %get3A_1526 : i32 to index
        %get3A_1529 = arith.constant 0 : index
        %get3A_1530 = tpu.vector_load %arg8[%get3A_1527, %get3A_1528, %get3A_1529] {strides = array<i32>} : memref<512x9x32xbf16, #tpu.memory_space<vmem>>, vector<32xbf16>,
        %get3A_1531 = arith.constant 5 : i32
        %get3A_1532 = arith.index_cast %squeeze3A_1468 : i32 to index
        %get3A_1533 = arith.index_cast %get3A_1531 : i32 to index
        %get3A_1534 = arith.constant 0 : index
        %get3A_1535 = tpu.vector_load %arg9[%get3A_1532, %get3A_1533, %get3A_1534] {strides = array<i32>} : memref<128x9x32xbf16, #tpu.memory_space<vmem>>, vector<32xbf16>,
        %mul3A_1536 = arith.mulf %get3A_1530, %get3A_1535 : vector<32xbf16>
        %add3A_1537 = arith.addf %mul3A_1501, %mul3A_1536 : vector<32xbf16>
        %get3A_1538 = arith.constant 6 : i32
        %get3A_1539 = arith.index_cast %squeeze3A_1466 : i32 to index
        %get3A_1540 = arith.index_cast %get3A_1538 : i32 to index
        %get3A_1541 = arith.constant 0 : index
        %get3A_1542 = tpu.vector_load %arg8[%get3A_1539, %get3A_1540, %get3A_1541] {strides = array<i32>} : memref<512x9x32xbf16, #tpu.memory_space<vmem>>, vector<32xbf16>,
        %get3A_1543 = arith.constant 6 : i32
        %get3A_1544 = arith.index_cast %squeeze3A_1468 : i32 to index
        %get3A_1545 = arith.index_cast %get3A_1543 : i32 to index
        %get3A_1546 = arith.constant 0 : index
        %get3A_1547 = tpu.vector_load %arg9[%get3A_1544, %get3A_1545, %get3A_1546] {strides = array<i32>} : memref<128x9x32xbf16, #tpu.memory_space<vmem>>, vector<32xbf16>,
        %mul3A_1548 = arith.mulf %get3A_1542, %get3A_1547 : vector<32xbf16>
        %add3A_1549 = arith.addf %add3A_1513, %mul3A_1548 : vector<32xbf16>
        %get3A_1550 = arith.constant 7 : i32
        %get3A_1551 = arith.index_cast %squeeze3A_1466 : i32 to index
        %get3A_1552 = arith.index_cast %get3A_1550 : i32 to index
        %get3A_1553 = arith.constant 0 : index
        %get3A_1554 = tpu.vector_load %arg8[%get3A_1551, %get3A_1552, %get3A_1553] {strides = array<i32>} : memref<512x9x32xbf16, #tpu.memory_space<vmem>>, vector<32xbf16>,
        %get3A_1555 = arith.constant 7 : i32
        %get3A_1556 = arith.index_cast %squeeze3A_1468 : i32 to index
        %get3A_1557 = arith.index_cast %get3A_1555 : i32 to index
        %get3A_1558 = arith.constant 0 : index
        %get3A_1559 = tpu.vector_load %arg9[%get3A_1556, %get3A_1557, %get3A_1558] {strides = array<i32>} : memref<128x9x32xbf16, #tpu.memory_space<vmem>>, vector<32xbf16>,
        %mul3A_1560 = arith.mulf %get3A_1554, %get3A_1559 : vector<32xbf16>
        %add3A_1561 = arith.addf %add3A_1525, %mul3A_1560 : vector<32xbf16>
        %get3A_1562 = arith.constant 8 : i32
        %get3A_1563 = arith.index_cast %squeeze3A_1466 : i32 to index
        %get3A_1564 = arith.index_cast %get3A_1562 : i32 to index
        %get3A_1565 = arith.constant 0 : index
        %get3A_1566 = tpu.vector_load %arg8[%get3A_1563, %get3A_1564, %get3A_1565] {strides = array<i32>} : memref<512x9x32xbf16, #tpu.memory_space<vmem>>, vector<32xbf16>,
        %get3A_1567 = arith.constant 8 : i32
        %get3A_1568 = arith.index_cast %squeeze3A_1468 : i32 to index
        %get3A_1569 = arith.index_cast %get3A_1567 : i32 to index
        %get3A_1570 = arith.constant 0 : index
        %get3A_1571 = tpu.vector_load %arg9[%get3A_1568, %get3A_1569, %get3A_1570] {strides = array<i32>} : memref<128x9x32xbf16, #tpu.memory_space<vmem>>, vector<32xbf16>,
        %mul3A_1572 = arith.mulf %get3A_1566, %get3A_1571 : vector<32xbf16>
        %add3A_1573 = arith.addf %add3A_1537, %mul3A_1572 : vector<32xbf16>
        %add3A_1574 = arith.addf %add3A_1549, %add3A_1561 : vector<32xbf16>
        %add3A_1575 = arith.addf %add3A_1574, %add3A_1573 : vector<32xbf16>
        %unpack3A_1576 = tpu.unpack_subelements %add3A_1575, 0 {pack_format = #tpu.pack_format<interleaved>} : vector<32xbf16> -> vector<16xf32>
        %unpack3A_1577 = tpu.unpack_subelements %add3A_1575, 1 {pack_format = #tpu.pack_format<interleaved>} : vector<32xbf16> -> vector<16xf32>
        %mul3A_1578 = arith.mulf %unpack3A_1576, %get3A_1 : vector<16xf32>
        %mul3A_1579 = arith.mulf %unpack3A_1577, %get3A_1 : vector<16xf32>
        %add3A_1580 = arith.constant 12 : i32
        %add3A_1581 = vector.broadcast %add3A_1580 : i32 to vector<16xi32>
        %add3A_1582 = arith.addi %broadcast_in_dim3A, %add3A_1581 : vector<16xi32>
        tpu.vector_store_idx %arg14[%iota3A, %add3A_1582], %mul3A_1578 : memref<32x256xf32, #tpu.memory_space<vmem>>[vector<16xi32>, vector<16xi32>], vector<16xf32>,
        tpu.vector_store_idx %arg14[%add3A_4, %add3A_1582], %mul3A_1579 : memref<32x256xf32, #tpu.memory_space<vmem>>[vector<16xi32>, vector<16xi32>], vector<16xf32>,
        %slice3A_1583 = vector.extract_strided_slice %get3A_46 {offsets = [13], sizes = [1], strides = [1]} : vector<16xi32> to vector<1xi32>
        %squeeze3A_1584 = vector.extract %slice3A_1583[0] : i32 from vector<1xi32>
        %slice3A_1585 = vector.extract_strided_slice %get3A_51 {offsets = [13], sizes = [1], strides = [1]} : vector<16xi32> to vector<1xi32>
        %squeeze3A_1586 = vector.extract %slice3A_1585[0] : i32 from vector<1xi32>
        %get3A_1587 = arith.constant 0 : i32
        %get3A_1588 = arith.index_cast %squeeze3A_1584 : i32 to index
        %get3A_1589 = arith.index_cast %get3A_1587 : i32 to index
        %get3A_1590 = arith.constant 0 : index
        %get3A_1591 = tpu.vector_load %arg8[%get3A_1588, %get3A_1589, %get3A_1590] {strides = array<i32>} : memref<512x9x32xbf16, #tpu.memory_space<vmem>>, vector<32xbf16>,
        %get3A_1592 = arith.constant 0 : i32
        %get3A_1593 = arith.index_cast %squeeze3A_1586 : i32 to index
        %get3A_1594 = arith.index_cast %get3A_1592 : i32 to index
        %get3A_1595 = arith.constant 0 : index
        %get3A_1596 = tpu.vector_load %arg9[%get3A_1593, %get3A_1594, %get3A_1595] {strides = array<i32>} : memref<128x9x32xbf16, #tpu.memory_space<vmem>>, vector<32xbf16>,
        %mul3A_1597 = arith.mulf %get3A_1591, %get3A_1596 : vector<32xbf16>
        %get3A_1598 = arith.constant 1 : i32
        %get3A_1599 = arith.index_cast %squeeze3A_1584 : i32 to index
        %get3A_1600 = arith.index_cast %get3A_1598 : i32 to index
        %get3A_1601 = arith.constant 0 : index
        %get3A_1602 = tpu.vector_load %arg8[%get3A_1599, %get3A_1600, %get3A_1601] {strides = array<i32>} : memref<512x9x32xbf16, #tpu.memory_space<vmem>>, vector<32xbf16>,
        %get3A_1603 = arith.constant 1 : i32
        %get3A_1604 = arith.index_cast %squeeze3A_1586 : i32 to index
        %get3A_1605 = arith.index_cast %get3A_1603 : i32 to index
        %get3A_1606 = arith.constant 0 : index
        %get3A_1607 = tpu.vector_load %arg9[%get3A_1604, %get3A_1605, %get3A_1606] {strides = array<i32>} : memref<128x9x32xbf16, #tpu.memory_space<vmem>>, vector<32xbf16>,
        %mul3A_1608 = arith.mulf %get3A_1602, %get3A_1607 : vector<32xbf16>
        %get3A_1609 = arith.constant 2 : i32
        %get3A_1610 = arith.index_cast %squeeze3A_1584 : i32 to index
        %get3A_1611 = arith.index_cast %get3A_1609 : i32 to index
        %get3A_1612 = arith.constant 0 : index
        %get3A_1613 = tpu.vector_load %arg8[%get3A_1610, %get3A_1611, %get3A_1612] {strides = array<i32>} : memref<512x9x32xbf16, #tpu.memory_space<vmem>>, vector<32xbf16>,
        %get3A_1614 = arith.constant 2 : i32
        %get3A_1615 = arith.index_cast %squeeze3A_1586 : i32 to index
        %get3A_1616 = arith.index_cast %get3A_1614 : i32 to index
        %get3A_1617 = arith.constant 0 : index
        %get3A_1618 = tpu.vector_load %arg9[%get3A_1615, %get3A_1616, %get3A_1617] {strides = array<i32>} : memref<128x9x32xbf16, #tpu.memory_space<vmem>>, vector<32xbf16>,
        %mul3A_1619 = arith.mulf %get3A_1613, %get3A_1618 : vector<32xbf16>
        %get3A_1620 = arith.constant 3 : i32
        %get3A_1621 = arith.index_cast %squeeze3A_1584 : i32 to index
        %get3A_1622 = arith.index_cast %get3A_1620 : i32 to index
        %get3A_1623 = arith.constant 0 : index
        %get3A_1624 = tpu.vector_load %arg8[%get3A_1621, %get3A_1622, %get3A_1623] {strides = array<i32>} : memref<512x9x32xbf16, #tpu.memory_space<vmem>>, vector<32xbf16>,
        %get3A_1625 = arith.constant 3 : i32
        %get3A_1626 = arith.index_cast %squeeze3A_1586 : i32 to index
        %get3A_1627 = arith.index_cast %get3A_1625 : i32 to index
        %get3A_1628 = arith.constant 0 : index
        %get3A_1629 = tpu.vector_load %arg9[%get3A_1626, %get3A_1627, %get3A_1628] {strides = array<i32>} : memref<128x9x32xbf16, #tpu.memory_space<vmem>>, vector<32xbf16>,
        %mul3A_1630 = arith.mulf %get3A_1624, %get3A_1629 : vector<32xbf16>
        %add3A_1631 = arith.addf %mul3A_1597, %mul3A_1630 : vector<32xbf16>
        %get3A_1632 = arith.constant 4 : i32
        %get3A_1633 = arith.index_cast %squeeze3A_1584 : i32 to index
        %get3A_1634 = arith.index_cast %get3A_1632 : i32 to index
        %get3A_1635 = arith.constant 0 : index
        %get3A_1636 = tpu.vector_load %arg8[%get3A_1633, %get3A_1634, %get3A_1635] {strides = array<i32>} : memref<512x9x32xbf16, #tpu.memory_space<vmem>>, vector<32xbf16>,
        %get3A_1637 = arith.constant 4 : i32
        %get3A_1638 = arith.index_cast %squeeze3A_1586 : i32 to index
        %get3A_1639 = arith.index_cast %get3A_1637 : i32 to index
        %get3A_1640 = arith.constant 0 : index
        %get3A_1641 = tpu.vector_load %arg9[%get3A_1638, %get3A_1639, %get3A_1640] {strides = array<i32>} : memref<128x9x32xbf16, #tpu.memory_space<vmem>>, vector<32xbf16>,
        %mul3A_1642 = arith.mulf %get3A_1636, %get3A_1641 : vector<32xbf16>
        %add3A_1643 = arith.addf %mul3A_1608, %mul3A_1642 : vector<32xbf16>
        %get3A_1644 = arith.constant 5 : i32
        %get3A_1645 = arith.index_cast %squeeze3A_1584 : i32 to index
        %get3A_1646 = arith.index_cast %get3A_1644 : i32 to index
        %get3A_1647 = arith.constant 0 : index
        %get3A_1648 = tpu.vector_load %arg8[%get3A_1645, %get3A_1646, %get3A_1647] {strides = array<i32>} : memref<512x9x32xbf16, #tpu.memory_space<vmem>>, vector<32xbf16>,
        %get3A_1649 = arith.constant 5 : i32
        %get3A_1650 = arith.index_cast %squeeze3A_1586 : i32 to index
        %get3A_1651 = arith.index_cast %get3A_1649 : i32 to index
        %get3A_1652 = arith.constant 0 : index
        %get3A_1653 = tpu.vector_load %arg9[%get3A_1650, %get3A_1651, %get3A_1652] {strides = array<i32>} : memref<128x9x32xbf16, #tpu.memory_space<vmem>>, vector<32xbf16>,
        %mul3A_1654 = arith.mulf %get3A_1648, %get3A_1653 : vector<32xbf16>
        %add3A_1655 = arith.addf %mul3A_1619, %mul3A_1654 : vector<32xbf16>
        %get3A_1656 = arith.constant 6 : i32
        %get3A_1657 = arith.index_cast %squeeze3A_1584 : i32 to index
        %get3A_1658 = arith.index_cast %get3A_1656 : i32 to index
        %get3A_1659 = arith.constant 0 : index
        %get3A_1660 = tpu.vector_load %arg8[%get3A_1657, %get3A_1658, %get3A_1659] {strides = array<i32>} : memref<512x9x32xbf16, #tpu.memory_space<vmem>>, vector<32xbf16>,
        %get3A_1661 = arith.constant 6 : i32
        %get3A_1662 = arith.index_cast %squeeze3A_1586 : i32 to index
        %get3A_1663 = arith.index_cast %get3A_1661 : i32 to index
        %get3A_1664 = arith.constant 0 : index
        %get3A_1665 = tpu.vector_load %arg9[%get3A_1662, %get3A_1663, %get3A_1664] {strides = array<i32>} : memref<128x9x32xbf16, #tpu.memory_space<vmem>>, vector<32xbf16>,
        %mul3A_1666 = arith.mulf %get3A_1660, %get3A_1665 : vector<32xbf16>
        %add3A_1667 = arith.addf %add3A_1631, %mul3A_1666 : vector<32xbf16>
        %get3A_1668 = arith.constant 7 : i32
        %get3A_1669 = arith.index_cast %squeeze3A_1584 : i32 to index
        %get3A_1670 = arith.index_cast %get3A_1668 : i32 to index
        %get3A_1671 = arith.constant 0 : index
        %get3A_1672 = tpu.vector_load %arg8[%get3A_1669, %get3A_1670, %get3A_1671] {strides = array<i32>} : memref<512x9x32xbf16, #tpu.memory_space<vmem>>, vector<32xbf16>,
        %get3A_1673 = arith.constant 7 : i32
        %get3A_1674 = arith.index_cast %squeeze3A_1586 : i32 to index
        %get3A_1675 = arith.index_cast %get3A_1673 : i32 to index
        %get3A_1676 = arith.constant 0 : index
        %get3A_1677 = tpu.vector_load %arg9[%get3A_1674, %get3A_1675, %get3A_1676] {strides = array<i32>} : memref<128x9x32xbf16, #tpu.memory_space<vmem>>, vector<32xbf16>,
        %mul3A_1678 = arith.mulf %get3A_1672, %get3A_1677 : vector<32xbf16>
        %add3A_1679 = arith.addf %add3A_1643, %mul3A_1678 : vector<32xbf16>
        %get3A_1680 = arith.constant 8 : i32
        %get3A_1681 = arith.index_cast %squeeze3A_1584 : i32 to index
        %get3A_1682 = arith.index_cast %get3A_1680 : i32 to index
        %get3A_1683 = arith.constant 0 : index
        %get3A_1684 = tpu.vector_load %arg8[%get3A_1681, %get3A_1682, %get3A_1683] {strides = array<i32>} : memref<512x9x32xbf16, #tpu.memory_space<vmem>>, vector<32xbf16>,
        %get3A_1685 = arith.constant 8 : i32
        %get3A_1686 = arith.index_cast %squeeze3A_1586 : i32 to index
        %get3A_1687 = arith.index_cast %get3A_1685 : i32 to index
        %get3A_1688 = arith.constant 0 : index
        %get3A_1689 = tpu.vector_load %arg9[%get3A_1686, %get3A_1687, %get3A_1688] {strides = array<i32>} : memref<128x9x32xbf16, #tpu.memory_space<vmem>>, vector<32xbf16>,
        %mul3A_1690 = arith.mulf %get3A_1684, %get3A_1689 : vector<32xbf16>
        %add3A_1691 = arith.addf %add3A_1655, %mul3A_1690 : vector<32xbf16>
        %add3A_1692 = arith.addf %add3A_1667, %add3A_1679 : vector<32xbf16>
        %add3A_1693 = arith.addf %add3A_1692, %add3A_1691 : vector<32xbf16>
        %unpack3A_1694 = tpu.unpack_subelements %add3A_1693, 0 {pack_format = #tpu.pack_format<interleaved>} : vector<32xbf16> -> vector<16xf32>
        %unpack3A_1695 = tpu.unpack_subelements %add3A_1693, 1 {pack_format = #tpu.pack_format<interleaved>} : vector<32xbf16> -> vector<16xf32>
        %mul3A_1696 = arith.mulf %unpack3A_1694, %get3A_1 : vector<16xf32>
        %mul3A_1697 = arith.mulf %unpack3A_1695, %get3A_1 : vector<16xf32>
        %add3A_1698 = arith.constant 13 : i32
        %add3A_1699 = vector.broadcast %add3A_1698 : i32 to vector<16xi32>
        %add3A_1700 = arith.addi %broadcast_in_dim3A, %add3A_1699 : vector<16xi32>
        tpu.vector_store_idx %arg14[%iota3A, %add3A_1700], %mul3A_1696 : memref<32x256xf32, #tpu.memory_space<vmem>>[vector<16xi32>, vector<16xi32>], vector<16xf32>,
        tpu.vector_store_idx %arg14[%add3A_4, %add3A_1700], %mul3A_1697 : memref<32x256xf32, #tpu.memory_space<vmem>>[vector<16xi32>, vector<16xi32>], vector<16xf32>,
        %slice3A_1701 = vector.extract_strided_slice %get3A_46 {offsets = [14], sizes = [1], strides = [1]} : vector<16xi32> to vector<1xi32>
        %squeeze3A_1702 = vector.extract %slice3A_1701[0] : i32 from vector<1xi32>
        %slice3A_1703 = vector.extract_strided_slice %get3A_51 {offsets = [14], sizes = [1], strides = [1]} : vector<16xi32> to vector<1xi32>
        %squeeze3A_1704 = vector.extract %slice3A_1703[0] : i32 from vector<1xi32>
        %get3A_1705 = arith.constant 0 : i32
        %get3A_1706 = arith.index_cast %squeeze3A_1702 : i32 to index
        %get3A_1707 = arith.index_cast %get3A_1705 : i32 to index
        %get3A_1708 = arith.constant 0 : index
        %get3A_1709 = tpu.vector_load %arg8[%get3A_1706, %get3A_1707, %get3A_1708] {strides = array<i32>} : memref<512x9x32xbf16, #tpu.memory_space<vmem>>, vector<32xbf16>,
        %get3A_1710 = arith.constant 0 : i32
        %get3A_1711 = arith.index_cast %squeeze3A_1704 : i32 to index
        %get3A_1712 = arith.index_cast %get3A_1710 : i32 to index
        %get3A_1713 = arith.constant 0 : index
        %get3A_1714 = tpu.vector_load %arg9[%get3A_1711, %get3A_1712, %get3A_1713] {strides = array<i32>} : memref<128x9x32xbf16, #tpu.memory_space<vmem>>, vector<32xbf16>,
        %mul3A_1715 = arith.mulf %get3A_1709, %get3A_1714 : vector<32xbf16>
        %get3A_1716 = arith.constant 1 : i32
        %get3A_1717 = arith.index_cast %squeeze3A_1702 : i32 to index
        %get3A_1718 = arith.index_cast %get3A_1716 : i32 to index
        %get3A_1719 = arith.constant 0 : index
        %get3A_1720 = tpu.vector_load %arg8[%get3A_1717, %get3A_1718, %get3A_1719] {strides = array<i32>} : memref<512x9x32xbf16, #tpu.memory_space<vmem>>, vector<32xbf16>,
        %get3A_1721 = arith.constant 1 : i32
        %get3A_1722 = arith.index_cast %squeeze3A_1704 : i32 to index
        %get3A_1723 = arith.index_cast %get3A_1721 : i32 to index
        %get3A_1724 = arith.constant 0 : index
        %get3A_1725 = tpu.vector_load %arg9[%get3A_1722, %get3A_1723, %get3A_1724] {strides = array<i32>} : memref<128x9x32xbf16, #tpu.memory_space<vmem>>, vector<32xbf16>,
        %mul3A_1726 = arith.mulf %get3A_1720, %get3A_1725 : vector<32xbf16>
        %get3A_1727 = arith.constant 2 : i32
        %get3A_1728 = arith.index_cast %squeeze3A_1702 : i32 to index
        %get3A_1729 = arith.index_cast %get3A_1727 : i32 to index
        %get3A_1730 = arith.constant 0 : index
        %get3A_1731 = tpu.vector_load %arg8[%get3A_1728, %get3A_1729, %get3A_1730] {strides = array<i32>} : memref<512x9x32xbf16, #tpu.memory_space<vmem>>, vector<32xbf16>,
        %get3A_1732 = arith.constant 2 : i32
        %get3A_1733 = arith.index_cast %squeeze3A_1704 : i32 to index
        %get3A_1734 = arith.index_cast %get3A_1732 : i32 to index
        %get3A_1735 = arith.constant 0 : index
        %get3A_1736 = tpu.vector_load %arg9[%get3A_1733, %get3A_1734, %get3A_1735] {strides = array<i32>} : memref<128x9x32xbf16, #tpu.memory_space<vmem>>, vector<32xbf16>,
        %mul3A_1737 = arith.mulf %get3A_1731, %get3A_1736 : vector<32xbf16>
        %get3A_1738 = arith.constant 3 : i32
        %get3A_1739 = arith.index_cast %squeeze3A_1702 : i32 to index
        %get3A_1740 = arith.index_cast %get3A_1738 : i32 to index
        %get3A_1741 = arith.constant 0 : index
        %get3A_1742 = tpu.vector_load %arg8[%get3A_1739, %get3A_1740, %get3A_1741] {strides = array<i32>} : memref<512x9x32xbf16, #tpu.memory_space<vmem>>, vector<32xbf16>,
        %get3A_1743 = arith.constant 3 : i32
        %get3A_1744 = arith.index_cast %squeeze3A_1704 : i32 to index
        %get3A_1745 = arith.index_cast %get3A_1743 : i32 to index
        %get3A_1746 = arith.constant 0 : index
        %get3A_1747 = tpu.vector_load %arg9[%get3A_1744, %get3A_1745, %get3A_1746] {strides = array<i32>} : memref<128x9x32xbf16, #tpu.memory_space<vmem>>, vector<32xbf16>,
        %mul3A_1748 = arith.mulf %get3A_1742, %get3A_1747 : vector<32xbf16>
        %add3A_1749 = arith.addf %mul3A_1715, %mul3A_1748 : vector<32xbf16>
        %get3A_1750 = arith.constant 4 : i32
        %get3A_1751 = arith.index_cast %squeeze3A_1702 : i32 to index
        %get3A_1752 = arith.index_cast %get3A_1750 : i32 to index
        %get3A_1753 = arith.constant 0 : index
        %get3A_1754 = tpu.vector_load %arg8[%get3A_1751, %get3A_1752, %get3A_1753] {strides = array<i32>} : memref<512x9x32xbf16, #tpu.memory_space<vmem>>, vector<32xbf16>,
        %get3A_1755 = arith.constant 4 : i32
        %get3A_1756 = arith.index_cast %squeeze3A_1704 : i32 to index
        %get3A_1757 = arith.index_cast %get3A_1755 : i32 to index
        %get3A_1758 = arith.constant 0 : index
        %get3A_1759 = tpu.vector_load %arg9[%get3A_1756, %get3A_1757, %get3A_1758] {strides = array<i32>} : memref<128x9x32xbf16, #tpu.memory_space<vmem>>, vector<32xbf16>,
        %mul3A_1760 = arith.mulf %get3A_1754, %get3A_1759 : vector<32xbf16>
        %add3A_1761 = arith.addf %mul3A_1726, %mul3A_1760 : vector<32xbf16>
        %get3A_1762 = arith.constant 5 : i32
        %get3A_1763 = arith.index_cast %squeeze3A_1702 : i32 to index
        %get3A_1764 = arith.index_cast %get3A_1762 : i32 to index
        %get3A_1765 = arith.constant 0 : index
        %get3A_1766 = tpu.vector_load %arg8[%get3A_1763, %get3A_1764, %get3A_1765] {strides = array<i32>} : memref<512x9x32xbf16, #tpu.memory_space<vmem>>, vector<32xbf16>,
        %get3A_1767 = arith.constant 5 : i32
        %get3A_1768 = arith.index_cast %squeeze3A_1704 : i32 to index
        %get3A_1769 = arith.index_cast %get3A_1767 : i32 to index
        %get3A_1770 = arith.constant 0 : index
        %get3A_1771 = tpu.vector_load %arg9[%get3A_1768, %get3A_1769, %get3A_1770] {strides = array<i32>} : memref<128x9x32xbf16, #tpu.memory_space<vmem>>, vector<32xbf16>,
        %mul3A_1772 = arith.mulf %get3A_1766, %get3A_1771 : vector<32xbf16>
        %add3A_1773 = arith.addf %mul3A_1737, %mul3A_1772 : vector<32xbf16>
        %get3A_1774 = arith.constant 6 : i32
        %get3A_1775 = arith.index_cast %squeeze3A_1702 : i32 to index
        %get3A_1776 = arith.index_cast %get3A_1774 : i32 to index
        %get3A_1777 = arith.constant 0 : index
        %get3A_1778 = tpu.vector_load %arg8[%get3A_1775, %get3A_1776, %get3A_1777] {strides = array<i32>} : memref<512x9x32xbf16, #tpu.memory_space<vmem>>, vector<32xbf16>,
        %get3A_1779 = arith.constant 6 : i32
        %get3A_1780 = arith.index_cast %squeeze3A_1704 : i32 to index
        %get3A_1781 = arith.index_cast %get3A_1779 : i32 to index
        %get3A_1782 = arith.constant 0 : index
        %get3A_1783 = tpu.vector_load %arg9[%get3A_1780, %get3A_1781, %get3A_1782] {strides = array<i32>} : memref<128x9x32xbf16, #tpu.memory_space<vmem>>, vector<32xbf16>,
        %mul3A_1784 = arith.mulf %get3A_1778, %get3A_1783 : vector<32xbf16>
        %add3A_1785 = arith.addf %add3A_1749, %mul3A_1784 : vector<32xbf16>
        %get3A_1786 = arith.constant 7 : i32
        %get3A_1787 = arith.index_cast %squeeze3A_1702 : i32 to index
        %get3A_1788 = arith.index_cast %get3A_1786 : i32 to index
        %get3A_1789 = arith.constant 0 : index
        %get3A_1790 = tpu.vector_load %arg8[%get3A_1787, %get3A_1788, %get3A_1789] {strides = array<i32>} : memref<512x9x32xbf16, #tpu.memory_space<vmem>>, vector<32xbf16>,
        %get3A_1791 = arith.constant 7 : i32
        %get3A_1792 = arith.index_cast %squeeze3A_1704 : i32 to index
        %get3A_1793 = arith.index_cast %get3A_1791 : i32 to index
        %get3A_1794 = arith.constant 0 : index
        %get3A_1795 = tpu.vector_load %arg9[%get3A_1792, %get3A_1793, %get3A_1794] {strides = array<i32>} : memref<128x9x32xbf16, #tpu.memory_space<vmem>>, vector<32xbf16>,
        %mul3A_1796 = arith.mulf %get3A_1790, %get3A_1795 : vector<32xbf16>
        %add3A_1797 = arith.addf %add3A_1761, %mul3A_1796 : vector<32xbf16>
        %get3A_1798 = arith.constant 8 : i32
        %get3A_1799 = arith.index_cast %squeeze3A_1702 : i32 to index
        %get3A_1800 = arith.index_cast %get3A_1798 : i32 to index
        %get3A_1801 = arith.constant 0 : index
        %get3A_1802 = tpu.vector_load %arg8[%get3A_1799, %get3A_1800, %get3A_1801] {strides = array<i32>} : memref<512x9x32xbf16, #tpu.memory_space<vmem>>, vector<32xbf16>,
        %get3A_1803 = arith.constant 8 : i32
        %get3A_1804 = arith.index_cast %squeeze3A_1704 : i32 to index
        %get3A_1805 = arith.index_cast %get3A_1803 : i32 to index
        %get3A_1806 = arith.constant 0 : index
        %get3A_1807 = tpu.vector_load %arg9[%get3A_1804, %get3A_1805, %get3A_1806] {strides = array<i32>} : memref<128x9x32xbf16, #tpu.memory_space<vmem>>, vector<32xbf16>,
        %mul3A_1808 = arith.mulf %get3A_1802, %get3A_1807 : vector<32xbf16>
        %add3A_1809 = arith.addf %add3A_1773, %mul3A_1808 : vector<32xbf16>
        %add3A_1810 = arith.addf %add3A_1785, %add3A_1797 : vector<32xbf16>
        %add3A_1811 = arith.addf %add3A_1810, %add3A_1809 : vector<32xbf16>
        %unpack3A_1812 = tpu.unpack_subelements %add3A_1811, 0 {pack_format = #tpu.pack_format<interleaved>} : vector<32xbf16> -> vector<16xf32>
        %unpack3A_1813 = tpu.unpack_subelements %add3A_1811, 1 {pack_format = #tpu.pack_format<interleaved>} : vector<32xbf16> -> vector<16xf32>
        %mul3A_1814 = arith.mulf %unpack3A_1812, %get3A_1 : vector<16xf32>
        %mul3A_1815 = arith.mulf %unpack3A_1813, %get3A_1 : vector<16xf32>
        %add3A_1816 = arith.constant 14 : i32
        %add3A_1817 = vector.broadcast %add3A_1816 : i32 to vector<16xi32>
        %add3A_1818 = arith.addi %broadcast_in_dim3A, %add3A_1817 : vector<16xi32>
        tpu.vector_store_idx %arg14[%iota3A, %add3A_1818], %mul3A_1814 : memref<32x256xf32, #tpu.memory_space<vmem>>[vector<16xi32>, vector<16xi32>], vector<16xf32>,
        tpu.vector_store_idx %arg14[%add3A_4, %add3A_1818], %mul3A_1815 : memref<32x256xf32, #tpu.memory_space<vmem>>[vector<16xi32>, vector<16xi32>], vector<16xf32>,
        %slice3A_1819 = vector.extract_strided_slice %get3A_46 {offsets = [15], sizes = [1], strides = [1]} : vector<16xi32> to vector<1xi32>
        %squeeze3A_1820 = vector.extract %slice3A_1819[0] : i32 from vector<1xi32>
        %slice3A_1821 = vector.extract_strided_slice %get3A_51 {offsets = [15], sizes = [1], strides = [1]} : vector<16xi32> to vector<1xi32>
        %squeeze3A_1822 = vector.extract %slice3A_1821[0] : i32 from vector<1xi32>
        %get3A_1823 = arith.constant 0 : i32
        %get3A_1824 = arith.index_cast %squeeze3A_1820 : i32 to index
        %get3A_1825 = arith.index_cast %get3A_1823 : i32 to index
        %get3A_1826 = arith.constant 0 : index
        %get3A_1827 = tpu.vector_load %arg8[%get3A_1824, %get3A_1825, %get3A_1826] {strides = array<i32>} : memref<512x9x32xbf16, #tpu.memory_space<vmem>>, vector<32xbf16>,
        %get3A_1828 = arith.constant 0 : i32
        %get3A_1829 = arith.index_cast %squeeze3A_1822 : i32 to index
        %get3A_1830 = arith.index_cast %get3A_1828 : i32 to index
        %get3A_1831 = arith.constant 0 : index
        %get3A_1832 = tpu.vector_load %arg9[%get3A_1829, %get3A_1830, %get3A_1831] {strides = array<i32>} : memref<128x9x32xbf16, #tpu.memory_space<vmem>>, vector<32xbf16>,
        %mul3A_1833 = arith.mulf %get3A_1827, %get3A_1832 : vector<32xbf16>
        %get3A_1834 = arith.constant 1 : i32
        %get3A_1835 = arith.index_cast %squeeze3A_1820 : i32 to index
        %get3A_1836 = arith.index_cast %get3A_1834 : i32 to index
        %get3A_1837 = arith.constant 0 : index
        %get3A_1838 = tpu.vector_load %arg8[%get3A_1835, %get3A_1836, %get3A_1837] {strides = array<i32>} : memref<512x9x32xbf16, #tpu.memory_space<vmem>>, vector<32xbf16>,
        %get3A_1839 = arith.constant 1 : i32
        %get3A_1840 = arith.index_cast %squeeze3A_1822 : i32 to index
        %get3A_1841 = arith.index_cast %get3A_1839 : i32 to index
        %get3A_1842 = arith.constant 0 : index
        %get3A_1843 = tpu.vector_load %arg9[%get3A_1840, %get3A_1841, %get3A_1842] {strides = array<i32>} : memref<128x9x32xbf16, #tpu.memory_space<vmem>>, vector<32xbf16>,
        %mul3A_1844 = arith.mulf %get3A_1838, %get3A_1843 : vector<32xbf16>
        %get3A_1845 = arith.constant 2 : i32
        %get3A_1846 = arith.index_cast %squeeze3A_1820 : i32 to index
        %get3A_1847 = arith.index_cast %get3A_1845 : i32 to index
        %get3A_1848 = arith.constant 0 : index
        %get3A_1849 = tpu.vector_load %arg8[%get3A_1846, %get3A_1847, %get3A_1848] {strides = array<i32>} : memref<512x9x32xbf16, #tpu.memory_space<vmem>>, vector<32xbf16>,
        %get3A_1850 = arith.constant 2 : i32
        %get3A_1851 = arith.index_cast %squeeze3A_1822 : i32 to index
        %get3A_1852 = arith.index_cast %get3A_1850 : i32 to index
        %get3A_1853 = arith.constant 0 : index
        %get3A_1854 = tpu.vector_load %arg9[%get3A_1851, %get3A_1852, %get3A_1853] {strides = array<i32>} : memref<128x9x32xbf16, #tpu.memory_space<vmem>>, vector<32xbf16>,
        %mul3A_1855 = arith.mulf %get3A_1849, %get3A_1854 : vector<32xbf16>
        %get3A_1856 = arith.constant 3 : i32
        %get3A_1857 = arith.index_cast %squeeze3A_1820 : i32 to index
        %get3A_1858 = arith.index_cast %get3A_1856 : i32 to index
        %get3A_1859 = arith.constant 0 : index
        %get3A_1860 = tpu.vector_load %arg8[%get3A_1857, %get3A_1858, %get3A_1859] {strides = array<i32>} : memref<512x9x32xbf16, #tpu.memory_space<vmem>>, vector<32xbf16>,
        %get3A_1861 = arith.constant 3 : i32
        %get3A_1862 = arith.index_cast %squeeze3A_1822 : i32 to index
        %get3A_1863 = arith.index_cast %get3A_1861 : i32 to index
        %get3A_1864 = arith.constant 0 : index
        %get3A_1865 = tpu.vector_load %arg9[%get3A_1862, %get3A_1863, %get3A_1864] {strides = array<i32>} : memref<128x9x32xbf16, #tpu.memory_space<vmem>>, vector<32xbf16>,
        %mul3A_1866 = arith.mulf %get3A_1860, %get3A_1865 : vector<32xbf16>
        %add3A_1867 = arith.addf %mul3A_1833, %mul3A_1866 : vector<32xbf16>
        %get3A_1868 = arith.constant 4 : i32
        %get3A_1869 = arith.index_cast %squeeze3A_1820 : i32 to index
        %get3A_1870 = arith.index_cast %get3A_1868 : i32 to index
        %get3A_1871 = arith.constant 0 : index
        %get3A_1872 = tpu.vector_load %arg8[%get3A_1869, %get3A_1870, %get3A_1871] {strides = array<i32>} : memref<512x9x32xbf16, #tpu.memory_space<vmem>>, vector<32xbf16>,
        %get3A_1873 = arith.constant 4 : i32
        %get3A_1874 = arith.index_cast %squeeze3A_1822 : i32 to index
        %get3A_1875 = arith.index_cast %get3A_1873 : i32 to index
        %get3A_1876 = arith.constant 0 : index
        %get3A_1877 = tpu.vector_load %arg9[%get3A_1874, %get3A_1875, %get3A_1876] {strides = array<i32>} : memref<128x9x32xbf16, #tpu.memory_space<vmem>>, vector<32xbf16>,
        %mul3A_1878 = arith.mulf %get3A_1872, %get3A_1877 : vector<32xbf16>
        %add3A_1879 = arith.addf %mul3A_1844, %mul3A_1878 : vector<32xbf16>
        %get3A_1880 = arith.constant 5 : i32
        %get3A_1881 = arith.index_cast %squeeze3A_1820 : i32 to index
        %get3A_1882 = arith.index_cast %get3A_1880 : i32 to index
        %get3A_1883 = arith.constant 0 : index
        %get3A_1884 = tpu.vector_load %arg8[%get3A_1881, %get3A_1882, %get3A_1883] {strides = array<i32>} : memref<512x9x32xbf16, #tpu.memory_space<vmem>>, vector<32xbf16>,
        %get3A_1885 = arith.constant 5 : i32
        %get3A_1886 = arith.index_cast %squeeze3A_1822 : i32 to index
        %get3A_1887 = arith.index_cast %get3A_1885 : i32 to index
        %get3A_1888 = arith.constant 0 : index
        %get3A_1889 = tpu.vector_load %arg9[%get3A_1886, %get3A_1887, %get3A_1888] {strides = array<i32>} : memref<128x9x32xbf16, #tpu.memory_space<vmem>>, vector<32xbf16>,
        %mul3A_1890 = arith.mulf %get3A_1884, %get3A_1889 : vector<32xbf16>
        %add3A_1891 = arith.addf %mul3A_1855, %mul3A_1890 : vector<32xbf16>
        %get3A_1892 = arith.constant 6 : i32
        %get3A_1893 = arith.index_cast %squeeze3A_1820 : i32 to index
        %get3A_1894 = arith.index_cast %get3A_1892 : i32 to index
        %get3A_1895 = arith.constant 0 : index
        %get3A_1896 = tpu.vector_load %arg8[%get3A_1893, %get3A_1894, %get3A_1895] {strides = array<i32>} : memref<512x9x32xbf16, #tpu.memory_space<vmem>>, vector<32xbf16>,
        %get3A_1897 = arith.constant 6 : i32
        %get3A_1898 = arith.index_cast %squeeze3A_1822 : i32 to index
        %get3A_1899 = arith.index_cast %get3A_1897 : i32 to index
        %get3A_1900 = arith.constant 0 : index
        %get3A_1901 = tpu.vector_load %arg9[%get3A_1898, %get3A_1899, %get3A_1900] {strides = array<i32>} : memref<128x9x32xbf16, #tpu.memory_space<vmem>>, vector<32xbf16>,
        %mul3A_1902 = arith.mulf %get3A_1896, %get3A_1901 : vector<32xbf16>
        %add3A_1903 = arith.addf %add3A_1867, %mul3A_1902 : vector<32xbf16>
        %get3A_1904 = arith.constant 7 : i32
        %get3A_1905 = arith.index_cast %squeeze3A_1820 : i32 to index
        %get3A_1906 = arith.index_cast %get3A_1904 : i32 to index
        %get3A_1907 = arith.constant 0 : index
        %get3A_1908 = tpu.vector_load %arg8[%get3A_1905, %get3A_1906, %get3A_1907] {strides = array<i32>} : memref<512x9x32xbf16, #tpu.memory_space<vmem>>, vector<32xbf16>,
        %get3A_1909 = arith.constant 7 : i32
        %get3A_1910 = arith.index_cast %squeeze3A_1822 : i32 to index
        %get3A_1911 = arith.index_cast %get3A_1909 : i32 to index
        %get3A_1912 = arith.constant 0 : index
        %get3A_1913 = tpu.vector_load %arg9[%get3A_1910, %get3A_1911, %get3A_1912] {strides = array<i32>} : memref<128x9x32xbf16, #tpu.memory_space<vmem>>, vector<32xbf16>,
        %mul3A_1914 = arith.mulf %get3A_1908, %get3A_1913 : vector<32xbf16>
        %add3A_1915 = arith.addf %add3A_1879, %mul3A_1914 : vector<32xbf16>
        %get3A_1916 = arith.constant 8 : i32
        %get3A_1917 = arith.index_cast %squeeze3A_1820 : i32 to index
        %get3A_1918 = arith.index_cast %get3A_1916 : i32 to index
        %get3A_1919 = arith.constant 0 : index
        %get3A_1920 = tpu.vector_load %arg8[%get3A_1917, %get3A_1918, %get3A_1919] {strides = array<i32>} : memref<512x9x32xbf16, #tpu.memory_space<vmem>>, vector<32xbf16>,
        %get3A_1921 = arith.constant 8 : i32
        %get3A_1922 = arith.index_cast %squeeze3A_1822 : i32 to index
        %get3A_1923 = arith.index_cast %get3A_1921 : i32 to index
        %get3A_1924 = arith.constant 0 : index
        %get3A_1925 = tpu.vector_load %arg9[%get3A_1922, %get3A_1923, %get3A_1924] {strides = array<i32>} : memref<128x9x32xbf16, #tpu.memory_space<vmem>>, vector<32xbf16>,
        %mul3A_1926 = arith.mulf %get3A_1920, %get3A_1925 : vector<32xbf16>
        %add3A_1927 = arith.addf %add3A_1891, %mul3A_1926 : vector<32xbf16>
        %add3A_1928 = arith.addf %add3A_1903, %add3A_1915 : vector<32xbf16>
        %add3A_1929 = arith.addf %add3A_1928, %add3A_1927 : vector<32xbf16>
        %unpack3A_1930 = tpu.unpack_subelements %add3A_1929, 0 {pack_format = #tpu.pack_format<interleaved>} : vector<32xbf16> -> vector<16xf32>
        %unpack3A_1931 = tpu.unpack_subelements %add3A_1929, 1 {pack_format = #tpu.pack_format<interleaved>} : vector<32xbf16> -> vector<16xf32>
        %mul3A_1932 = arith.mulf %unpack3A_1930, %get3A_1 : vector<16xf32>
        %mul3A_1933 = arith.mulf %unpack3A_1931, %get3A_1 : vector<16xf32>
        %add3A_1934 = arith.constant 15 : i32
        %add3A_1935 = vector.broadcast %add3A_1934 : i32 to vector<16xi32>
        %add3A_1936 = arith.addi %broadcast_in_dim3A, %add3A_1935 : vector<16xi32>
        tpu.vector_store_idx %arg14[%iota3A, %add3A_1936], %mul3A_1932 : memref<32x256xf32, #tpu.memory_space<vmem>>[vector<16xi32>, vector<16xi32>], vector<16xf32>,
        tpu.vector_store_idx %arg14[%add3A_4, %add3A_1936], %mul3A_1933 : memref<32x256xf32, #tpu.memory_space<vmem>>[vector<16xi32>, vector<16xi32>], vector<16xf32>,
      }
      %scan3A_32 = arith.constant 16 : i32
      %mul3A_33 = arith.constant 32 : i32
      %mul3A_34 = arith.muli %add3A_8, %mul3A_33 : i32
      %mul3A_35 = arith.constant 256 : i32
      %mul3A_36 = arith.muli %add3A_27, %mul3A_35 : i32
      "tpu.region"() ({
        %run_scoped3A = tpu.sem_alloc : memref<!tpu.dma_semaphore, #tpu.memory_space<semaphore_mem>>
        %dma_start3A = tpu.memref_slice %arg7[%mul3A_34, %mul3A_36] : memref<1024x4096xf32, #tpu.memory_space<hbm>> -> memref<32x256xf32, #tpu.memory_space<hbm>>
        %dma_start3A_37 = tpu.memref_slice %arg7[%mul3A_34, %mul3A_36] : memref<1024x4096xf32, #tpu.memory_space<hbm>> -> memref<32x256xf32, #tpu.memory_space<hbm>>
        tpu.enqueue_dma source(%arg14 : memref<32x256xf32, #tpu.memory_space<vmem>>) target(%dma_start3A_37 : memref<32x256xf32, #tpu.memory_space<hbm>>) target_semaphore(%run_scoped3A : memref<!tpu.dma_semaphore, #tpu.memory_space<semaphore_mem>>)
        %dma_wait3A = tpu.memref_slice %arg7[%mul3A_34, %mul3A_36] : memref<1024x4096xf32, #tpu.memory_space<hbm>> -> memref<32x256xf32, #tpu.memory_space<hbm>>
        %dma_wait3A_38 = tpu.memref_slice %arg7[%mul3A_34, %mul3A_36] : memref<1024x4096xf32, #tpu.memory_space<hbm>> -> memref<32x256xf32, #tpu.memory_space<hbm>>
        tpu.wait_dma2 semaphore(%run_scoped3A : memref<!tpu.dma_semaphore, #tpu.memory_space<semaphore_mem>>) src(%arg14 : memref<32x256xf32, #tpu.memory_space<vmem>>) dst(%dma_wait3A_38 : memref<32x256xf32, #tpu.memory_space<hbm>>)
        tpu.yield
      }) : () -> ()
    }
    %scan3A_22 = arith.constant 16 : i32
    return
  }
}

</mosaic_0001>

<sc_bundles>
// kernel: kernel.3.cloned.1.call-start
scs
__scs_entry_jumppad:
0x0: {  	(pc) =	sbr.rel $0x88, $3  }
0x1: {  	(tag) =	ssettag $0x0;
	lr =	simm.s32 $0x1  }
0x2: {  	[smem:$0x3F9C] =	sst lr;
	_ =	strace $0xD0000000  }
0x3: {  	_ = 	snop  }
0x4: {  	_ = 	snop  }
0x5: {  	_ = 	snop  }
0x6: {  	_ = 	snop  }
0x7: {  	_ = 	snop  }
__scs_overlays_trampoline_lowered:
0x8: {  	[smem:$0x3FAB] =	sst s0  }
0x9: {  	[smem:$0x3FAC] =	sst s1  }
0xa: {  	[smem:$0x3FAD] =	sst s2  }
0xb: {  	[smem:$0x3FAE] =	sst s3  }
0xc: {  	[smem:$0x3FAF] =	sst s4  }
0xd: {  	[smem:$0x3FB0] =	sst s5  }
0xe: {  	[smem:$0x3FB1] =	sst s6  }
0xf: {  	[smem:$0x3FB2] =	sst s7  }
0x10: {  	[smem:$0x3FB3] =	sst s8  }
0x11: {  	[smem:$0x3FB4] =	sst s9;
	s0 =	simm.s32 @!p0 $0x0  }
0x12: {  	s1 =	sld [smem:$0x3F9A];
	s0 =	simm.s32 @p0 $0x1  }
0x13: {  	[smem:$0x3FB5] =	sst s0;
	s0 =	simm.s32 @!p1 $0x0  }
0x14: {  	s2 =	sld [smem:$0x3F99];
	s0 =	simm.s32 @p1 $0x1  }
0x15: {  	[smem:$0x3FB6] =	sst s0;
	s0 =	simm.s32 @!p2 $0x0  }
0x16: {  	s3 =	sld [smem:$0x3FDB];
	s0 =	simm.s32 @p2 $0x1  }
0x17: {  	s4 =	simm.s32 $0x1BF5;
	[smem:$0x3FB8] =	sst s0  }
0x18: {  	s0 =	sld [smem:$0x3F9B];
	_ =	swait.ge [sflag:s4], $0x0  }
0x19: {  	s7 =	sld [smem:$0x3F9C]  }
0x1a: {  	s8 =	sadd.s32 $0xFFFFE003, lr  }
0x1b: {  	s9 =	sadd.s32 $0xFFFFFEF7, lr;
	s5 =	simm.s32 $0xFFFFFFFF;
	p2 =	slt.u32 s8, $0xFFFFF086  }
0x1c: {  	p1 =	slt.u32 s9, $0xF7A;
	s5 =	simm.s32 @!p2 $0x0  }
0x1d: {  	s5 =	simm.s32 @p1 $0x1;
	p0 =	seq.s32 s7, s2  }
0x1e: {  	s7 =	smul.u32 @!p0 $0xF7A, s2;
	p2 =	seq.s32 @!p0 s5, $0x0  }
0x1f: {  	s9 =	smul.u32 $0xF7A, s1;
	s8 =	simm.s32 @!p0 $0x1BF5;
	p2 =	por !p2, p0  }
0x20: {  	[sflag:s8] =	ssyncset.s32 @!p0 $0xFFFFF086;
	s6 =	sadd.s32 @!p0 s3, s7;
	s7 =	simm.s32 @!p0 $0x108  }
0x21: {  	s3 =	sadd.s32 s3, s9;
	s6 =	sadd.s32 @!p0 $0x88, s6;
	s7 =	simm.s32 @p2 $0x1082  }
0x22: {  	[simem:s7], [sflag:s8] =	dma.local @!p0 [hbm:s6], $0xF7A  }
0x23: {  	s9 =	sor.u32 $0xD0000000, s2;
	s6 =	simm.s32 $0x108;
	_ =	swait.ge @!p0 [sflag:s8], $0x0  }
0x24: {  	s3 =	sadd.s32 $0x88, s3;
	s6 =	simm.s32 @!p1 $0x1082;
	[sflag:s4] =	ssyncset.s32 $0xFFFFF086  }
0x25: {  	[simem:s6], [sflag:s4] =	dma.local [hbm:s3], $0xF7A  }
0x26: {  	[smem:$0x3F9C] =	sst s1;
	(tag) =	ssettag s2;
	_ =	strace s9  }
0x27: {  	s1 =	sld [smem:$0x3FAC]  }
0x28: {  	s2 =	sld [smem:$0x3FAD]  }
0x29: {  	s4 =	sld [smem:$0x3FAF]  }
0x2a: {  	p0 =	seq.s32 s5, $0x0;
	s5 =	sld [smem:$0x3FB0]  }
0x2b: {  	s6 =	sld [smem:$0x3FB1]  }
0x2c: {  	s7 =	sld [smem:$0x3FB2]  }
0x2d: {  	s3 =	simm.s32 $0x108;
	s8 =	sld [smem:$0x3FB3]  }
0x2e: {  	s3 =	simm.s32 @!p0 $0x1082;
	s9 =	sld [smem:$0x3FB4]  }
0x2f: {  	lr =	sadd.s32 s0, s3;
	s0 =	sld [smem:$0x3FAB]  }
0x30: {  	s3 =	sld [smem:$0x3FAE]  }
0x31: {  	[smem:$0x3FB7] =	sst s10  }
0x32: {  	s10 =	sld [smem:$0x3FB5];
	_ =	sdelay $0x3  }
0x33: {  	p0 =	seq.s32 s10, $0x1;
	s10 =	sld [smem:$0x3FB7];
	_ =	sdelay $0x3  }
0x34: {  	[smem:$0x3FB7] =	sst s10  }
0x35: {  	s10 =	sld [smem:$0x3FB6];
	_ =	sdelay $0x3  }
0x36: {  	p1 =	seq.s32 s10, $0x1;
	s10 =	sld [smem:$0x3FB7];
	_ =	sdelay $0x3  }
0x37: {  	[smem:$0x3FB7] =	sst s10  }
0x38: {  	s10 =	sld [smem:$0x3FB8]  }
0x39: {  	_ = 	snop;
	(pc) =	sbr.ind lr, $3  }
0x3a: {  	_ = 	snop  }
0x3b: {  	_ = 	snop  }
0x3c: {  	p2 =	seq.s32 s10, $0x1;
	s10 =	sld [smem:$0x3FB7]  }
0x3d: {  	_ =	shalt  }
0x3e: {  	_ =	shalt  }
0x3f: {  	_ =	shalt  }
0x40: {  	_ =	shalt  }
0x41: {  	_ =	shalt  }
0x42: {  	_ =	shalt  }
0x43: {  	_ =	shalt  }
0x44: {  	_ =	shalt  }
0x45: {  	_ =	shalt  }
0x46: {  	_ =	shalt  }
0x47: {  	_ =	shalt  }
0x48: {  	_ =	shalt  }
0x49: {  	_ =	shalt  }
0x4a: {  	_ =	shalt  }
0x4b: {  	_ =	shalt  }
0x4c: {  	_ =	shalt  }
0x4d: {  	_ =	shalt  }
0x4e: {  	_ =	shalt  }
0x4f: {  	_ =	shalt  }
0x50: {  	_ =	shalt  }
0x51: {  	_ =	shalt  }
0x52: {  	_ =	shalt  }
0x53: {  	_ =	shalt  }
0x54: {  	_ =	shalt  }
0x55: {  	_ =	shalt  }
0x56: {  	_ =	shalt  }
0x57: {  	_ =	shalt  }
0x58: {  	_ =	shalt  }
0x59: {  	_ =	shalt  }
0x5a: {  	_ =	shalt  }
0x5b: {  	_ =	shalt  }
0x5c: {  	_ =	shalt  }
0x5d: {  	_ =	shalt  }
0x5e: {  	_ =	shalt  }
0x5f: {  	_ =	shalt  }
0x60: {  	_ =	shalt  }
0x61: {  	_ =	shalt  }
0x62: {  	_ =	shalt  }
0x63: {  	_ =	shalt  }
0x64: {  	_ =	shalt  }
0x65: {  	_ =	shalt  }
0x66: {  	_ =	shalt  }
0x67: {  	_ =	shalt  }
0x68: {  	_ =	shalt  }
0x69: {  	_ =	shalt  }
0x6a: {  	_ =	shalt  }
0x6b: {  	_ =	shalt  }
0x6c: {  	_ =	shalt  }
0x6d: {  	_ =	shalt  }
0x6e: {  	_ =	shalt  }
0x6f: {  	_ =	shalt  }
0x70: {  	_ =	shalt  }
0x71: {  	_ =	shalt  }
0x72: {  	_ =	shalt  }
0x73: {  	_ =	shalt  }
0x74: {  	_ =	shalt  }
0x75: {  	_ =	shalt  }
0x76: {  	_ =	shalt  }
0x77: {  	_ =	shalt  }
0x78: {  	_ =	shalt  }
0x79: {  	_ =	shalt  }
0x7a: {  	_ =	shalt  }
0x7b: {  	_ =	shalt  }
0x7c: {  	_ =	shalt  }
0x7d: {  	_ =	shalt  }
0x7e: {  	_ =	shalt  }
0x7f: {  	_ =	shalt  }
0x80: {  	_ =	shalt  }
0x81: {  	_ =	shalt  }
0x82: {  	_ =	shalt  }
0x83: {  	_ =	shalt  }
0x84: {  	_ =	shalt  }
0x85: {  	_ =	shalt  }
0x86: {  	_ =	shalt  }
0x87: {  	_ =	shalt  }
.Lfunc_end0:
.L_simem_size_0:
called_computation_lowered:
.L_overlay_start_0:
0x88: {  	s2 =	sld [smem:$0x3FD9]  }
0x89: {  	s3 =	sld [smem:$0x3FFE];
	_ =	sdelay $0x1  }
0x8a: {  	s1 =	srdreg.scid  }
0x8b: {  	s0 =	sand.u32 $0x1, s1  }
0x8c: {  	s17 =	sshll.u32 s0, $0xA;
	s2 =	sadd.s32 s3, s2  }
0x8d: {  	s2 =	sadd.s32 s2, s17  }
0x8e: {  	[smem:$0x3FC3] =	sst s2  }
0x8f: {  	_ = 	snop  }
0x90: {  	s2 =	sld [smem:$0x3FC7]  }
0x91: {  	s18 =	sld [smem:$0x3FC6]  }
0x92: {  	s4 =	sld [smem:$0x3FD0];
	(tm) =	ssettm $0x1  }
0x93: {  	s5 =	sld [smem:$0x3FFB];
	_ =	sdelay $0x3  }
0x94: {  	_ =	strace s5  }
0x95: {  	s5 =	sld [smem:$0x3FFC];
	_ =	sdelay $0x3  }
0x96: {  	_ =	strace s5  }
0x97: {  	s5 =	sld [smem:$0x3FFD];
	_ =	sdelay $0x3  }
0x98: {  	_ =	strace s5  }
0x99: {  	_ =	strace $0x8FFFFFFF  }
0x9a: {  	s19 =	sld [smem:$0x3FDB];
	_ =	sdelay $0x1  }
0x9b: {  	s6 =	simm.s32 $_scs_section_size  }
0x9c: {  	s7 =	simm.s32 $_size__tile_overlayer_lowered;
	s8 =	simm.s32 $_tile_overlayer_lowered  }
0x9d: {  	s22 =	simm.s32 $0x1BFF;
	s21 =	sshll.u32 s8, $0x1;
	s5 =	sadd.s32 s6, s19  }
0x9e: {  	s9 =	simm.s32 $0x0;
	s20 =	sshll.u32 s7, $0x1;
	s7 =	sadd.s32 s21, s5  }
0x9f: {  	[timem:s9], [sflag:s22] =	dma.local [hbm:s7], s20  }
0xa0: {  	_ =	swait.ge [sflag:s22], s20  }
0xa1: {  	s6 =	ssub.s32 $0x0, s20;
	[sflag:s22] =	ssyncset.done $0x0  }
0xa2: {  	[sflag:s22] =	ssyncadd.s32 s6;
	_ =	sdelay $0x1  }
0xa3: {  	s23 =	simm.s32 $0x1B8B  }
0xa4: {  	_ =	swait.ge [sflag:s23], $0x1  }
0xa5: {  	[sflag:s23] =	ssyncset.done $0x0  }
0xa6: {  	s25 =	simm.s32 $0x1B8E;
	s24 =	sld [smem:$0x3FFE];
	[sflag:s23] =	ssyncadd.s32 $0xFFFFFFFF  }
0xa7: {  	s26 =	simm.s32 $execute0_lowered;
	[smem:$0x3FD2] =	sst s25  }
0xa8: {  	s7 =	sshll.u32 s26, $0x1;
	_ =	strace $0x80000046;
	[dreg:$0x1] =	wrdreg $0xFFFFFFFF  }
0xa9: {  	s28 =	simm.s32 $_size_execute0_lowered;
	s5 =	sadd.s32 s5, s7;
	[dreg:$0x0] =	wrdreg $0x0  }
0xaa: {  	s7 =	sshll.u32 s28, $0x1;
	[dreg:$0x2] =	wrdreg s5  }
0xab: {  	[dreg:$0x3] =	wrdreg s7  }
0xac: {  	[dreg:$0x4] =	wrdreg $0xC0  }
0xad: {  	_ =	task [dreg:s9], $0x5FFFF  }
0xae: {  	[dreg:$0x1] =	wrdreg $0xFFFFFFFF  }
0xaf: {  	[dreg:$0x0] =	wrdreg $0x60  }
0xb0: {  	[dreg:$0x2] =	wrdreg s24  }
0xb1: {  	[dreg:$0x3] =	wrdreg s4  }
0xb2: {  	[dreg:$0x4] =	wrdreg s2  }
0xb3: {  	[dreg:$0x5] =	wrdreg s18  }
0xb4: {  	[dreg:$0x6] =	wrdreg $0x9  }
0xb5: {  	_ =	task.clear_ibuf [dreg:s9], $0x7FFFF;
	_ =	strace $0x90000046  }
0xb6: {  	s29 =	simm.s32 $0x9;
	_ =	strace $0x80000048  }
0xb7: {  	_ =	swait.ge [sflag:s29], $0x1  }
0xb8: {  	[sflag:s29] =	ssyncadd.s32 $0xFFFFFFFF  }
0xb9: {  	_ =	strace $0x90000048  }
0xba: {  	_ =	sfence  }
0xbb: {  	s30 =	sld [smem:$0x0];
	_ =	sdelay $0x2  }
0xbc: {  	s31 =	sshll.u32 s1, $0xD;
	s1 =	sshrl.u32 s1, $0x2  }
0xbd: {  	s3 =	sand.u32 $0x4000, s31;
	s1 =	sadd.s32 s1, s30  }
0xbe: {  	s0 =	sor.u32 s3, s0;
	s1 =	sshll.u32 s1, $0x11  }
0xbf: {  	s0 =	sor.u32 s1, s0  }
0xc0: {  	s0 =	sadd.s32 $0x8F2B, s0  }
0xc1: {  	[sflag:s0] =	ssyncadd.remote.s32 $0x1  }
0xc2: {  	_ =	sfence.sel $0xFFFF  }
0xc3: {  	[dreg:$0x0] =	wrdreg $0xFFFFFFFF;
	(pc) =	sbr.abs _section_cstart, $3  }
0xc4: {  	[dreg:$0x1] =	wrdreg $0xFFFFFFFF  }
0xc5: {  	_ =	task.clear_ibuf [dreg:s9], $0x2FFFF;
	_ =	strace $0x9FFFFFFF  }
0xc6: {  	(tm) =	ssettm $0x7FFFFFFF  }
0xc7: {  	_ =	shalt  }
tec
execute0_lowered:
.L_overlay_start_1:
0x0: {  	(tag) =	ssettag $0x1  }
0x1: {  	v2 =	vlaneseq.u32  }
0x2: {  	s1 =	rddreg [dreg:$0x0];
	v0 =	vmul.u32 $0x200, v2;
	v1 =	vmul.u32 $0x80, v2;
	v2 =	vmul.u32 $0x100, v2  }
0x3: {  	s0 =	rddreg [dreg:$0x1]  }
0x4: {  	s5 =	simm.s32 $0x0;
	s4 =	srdreg.scid;
	s2 =	stileid.u32;
	v3 =	vor.u32 $0x2000, v0;
	v4 =	vor.u32 $0x800, v1;
	v5 =	vor.u32 $0x1000, v2  }
0x5: {  	s12 =	simm.s32 $0x1B800;
	s13 =	simm.s32 $0x1;
	s14 =	simm.s32 $0x1C800;
	v6 =	vor.u32 $0x1, v2;
	v7 =	vor.u32 $0x1001, v2;
	v8 =	vor.u32 $0x2, v2  }
0x6: {  	s15 =	simm.s32 $0x1F800;
	s16 =	simm.s32 $0x200;
	s17 =	simm.s32 $0x1200;
	v9 =	vor.u32 $0x1002, v2;
	v10 =	vor.u32 $0x3, v2;
	v11 =	vor.u32 $0x1003, v2  }
0x7: {  	s18 =	simm.s32 $0x16800;
	s19 =	simm.s32 $0x80;
	s20 =	simm.s32 $0x480;
	v12 =	vor.u32 $0x4, v2;
	v13 =	vor.u32 $0x1004, v2;
	v14 =	vor.u32 $0x5, v2  }
0x8: {  	s21 =	simm.s32 $0x1A800;
	s22 =	simm.s32 $0x1D800;
	s23 =	simm.s32 $0x100;
	v15 =	vor.u32 $0x1005, v2;
	v16 =	vor.u32 $0x6, v2;
	v17 =	vor.u32 $0x1006, v2  }
0x9: {  	s24 =	simm.s32 $0x1000;
	s25 =	simm.s32 $0x0;
	[smem:$0x7FF] =	sst s5;
	v18 =	vor.u32 $0x7, v2;
	v19 =	vor.u32 $0x1007, v2;
	v20 =	vor.u32 $0x8, v2  }
0xa: {  	s4 =	sand.u32 $0x1, s4;
	s7 =	sshll.u32 s2, $0x1;
	s6 =	sadd.s32 $0x100C00, s1;
	v21 =	vor.u32 $0x1008, v2;
	v22 =	vor.u32 $0x9, v2;
	v23 =	vor.u32 $0x1009, v2  }
0xb: {  	_ =	strace $0x80000047;
	s9 =	sor.u32 s4, s7;
	s4 =	ssub.s32 $0x2, s4;
	v24 =	vor.u32 $0xA, v2;
	v25 =	vor.u32 $0x100A, v2;
	v26 =	vor.u32 $0xB, v2  }
0xc: {  	s7 =	sadd.s32 $0xC00, s1;
	s8 =	sshll.u32 s9, $0xE;
	s10 =	sshrl.u32 s4, $0x1;
	v27 =	vor.u32 $0x100B, v2;
	v28 =	vor.u32 $0xC, v2;
	v29 =	vor.u32 $0x100C, v2  }
0xd: {  	v30 =	vor.u32 $0xD, v2;
	v31 =	vor.u32 $0x100D, v2;
	v32 =	vor.u32 $0xE, v2;
	s1 =	sadd.s32 s8, s1;
	s8 =	smul.u32 $0x24000, s9;
	s4 =	ssub.s32 s4, s10  }
0xe: {  	v33 =	vor.u32 $0x100E, v2;
	v34 =	vor.u32 $0xF, v2;
	v35 =	vor.u32 $0x100F, v2;
	s9 =	smul.u32 $0x9000, s9;
	s10 =	sadd.s32 $0xE00, s1;
	s11 =	smax.u32 s4, $0x1  }
.LBB2_1:
0xf: {  	s1 =	rddreg [dreg:$0x2]  }
0x10: {  	[tilespmem:s12], [sflag:$0x1] =	stream.linear.gather [hbm4b:s1+s5], $0x1000, $0x38;
	[tilespmem:$0x1F810] =	vst v63  }
0x11: {  	_ =	swait.ge [sflag:s13], $0x1000  }
0x12: {  	[sflag:s13] =	ssyncset.done $0x0  }
0x13: {  	[sflag:s13] =	ssyncadd.s32 $0xFFFFF000  }
0x14: {  	s31 =	rddreg [dreg:$0x3]  }
0x15: {  	[tilespmem:s14], [sflag:$0x1] =	stream.linear.gather [hbm4b:s31+s5], $0x1000, $0x38;
	[tilespmem:$0x1F810] =	vst v63  }
0x16: {  	_ =	swait.ge [sflag:s13], $0x1000  }
0x17: {  	[sflag:s13] =	ssyncset.done $0x0  }
0x18: {  	[sflag:s13] =	ssyncadd.s32 $0xFFFFF000  }
0x19: {  	[tilespmem:s15], [sflag:$0x1] =	stream.linear.gather [hbm4b:s7+s5], $0x10, $0x38;
	[tilespmem:$0x1F810] =	vst v63  }
0x1a: {  	_ =	swait.ge [sflag:s13], $0x10  }
0x1b: {  	[sflag:s13] =	ssyncset.done $0x0  }
0x1c: {  	[sflag:s13] =	ssyncadd.s32 $0xFFFFFFF0  }
0x1d: {  	s26 =	simm.s32 $0x0;
	s1 =	simm.s32 $0x120;
	v36 =	vld [tilespmem:$0x1F800]  }
.LBB2_2:
0x1e: {  	s4 =	simm.s32 $0x0  }
0x1f: {  	v37 =	vmov s4  }
0x20: {  	s2 =	sshll.u32 s26, $0x9;
	v37 =	vand.u32 $0x1FC, v37  }
0x21: {  	s4 =	sadd.s32 s8, s2;
	v37 =	vbroadcast v37, $0x0  }
0x22: {  	s4 =	sshrl.u32 s4, $0x3  }
0x23: {  	s4 =	sadd.s32 s6, s4;
	v38 =	vor.u32 v0, v37  }
0x24: {  	[tilespmem:s18], [sflag:$0x1] =	stream.strided.gather [hbm4b:s4+s16], $0x4000, s17, s16, $0x38;
	v37 =	vor.u32 v3, v37;
	[tilespmem:$0x1F810] =	vst v63  }
0x25: {  	_ =	swait.ge [sflag:s13], $0x4000  }
0x26: {  	s3 =	simm.s32 $0x1;
	[sflag:s13] =	ssyncset.done $0x0  }
0x27: {  	v39 =	vmov s3;
	[sflag:s13] =	ssyncadd.s32 $0xFFFFC000  }
0x28: {  	v39 =	vand.u32 $0x1FD, v39;
	v38 =	vld.idx.msk [tilespmem:v38+s18+$0x0], $0xffff  }
0x29: {  	v39 =	vbroadcast v39, $0x0;
	v37 =	vld.idx.msk [tilespmem:v37+s18+$0x0], $0xffff;
	_ =	sdelay $0x1  }
0x2a: {  	v40 =	vor.u32 v0, v39  }
0x2b: {  	v39 =	vor.u32 v3, v39;
	_ =	sdelay $0x1  }
0x2c: {  	s2 =	simm.s32 $0x2;
	v37 =	vpack.i.f32.bf16 v37, v38  }
0x2d: {  	v57 =	vmov s2;
	[tilespmem:s1+$0xFFFFFEE0] =	vst v37  }
0x2e: {  	v37 =	vand.u32 $0x1FE, v57;
	v58 =	vld.idx.msk [tilespmem:v40+s18+$0x0], $0xffff  }
0x2f: {  	v39 =	vld.idx.msk [tilespmem:v39+s18+$0x0], $0xffff;
	v37 =	vbroadcast v37, $0x0;
	_ =	sdelay $0x1  }
0x30: {  	v59 =	vor.u32 v0, v37  }
0x31: {  	v37 =	vor.u32 v3, v37;
	_ =	sdelay $0x1  }
0x32: {  	s3 =	simm.s32 $0x3;
	v38 =	vpack.i.f32.bf16 v39, v58  }
0x33: {  	v60 =	vmov s3;
	[tilespmem:s1+$0xFFFFFF70] =	vst v38  }
0x34: {  	v38 =	vand.u32 $0x1FF, v60;
	v61 =	vld.idx.msk [tilespmem:v59+s18+$0x0], $0xffff  }
0x35: {  	v37 =	vld.idx.msk [tilespmem:v37+s18+$0x0], $0xffff;
	v38 =	vbroadcast v38, $0x0;
	_ =	sdelay $0x1  }
0x36: {  	v62 =	vor.u32 v0, v38  }
0x37: {  	v38 =	vor.u32 v3, v38;
	_ =	sdelay $0x1  }
0x38: {  	s28 =	simm.s32 $0x4;
	v37 =	vpack.i.f32.bf16 v37, v61  }
0x39: {  	v63 =	vmov s28;
	[tilespmem:s1+$0x0] =	vst v37  }
0x3a: {  	v39 =	vand.u32 $0x1FC, v63;
	v37 =	vld.idx.msk [tilespmem:v62+s18+$0x0], $0xffff  }
0x3b: {  	s31 =	simm.s32 $0x8;
	s29 =	smov.u32 s1;
	s30 =	smov.u32 s1;
	v39 =	vbroadcast v39, $0x0;
	v38 =	vld.idx.msk [tilespmem:v38+s18+$0x0], $0xffff  }
.LBB2_3:
0x3c: {  	p0 =	slt.u32 s31, $0x1FC  }
0x3d: {  	s29 =	sadd.s32 $0x240, s29;
	s4 =	smov.u32 s31;
	s31 =	sadd.s32 $0x4, s31;
	v40 =	vor.u32 v0, v39;
	v39 =	vor.u32 v3, v39  }
0x3e: {  	_ =	sdelay $0x1  }
0x3f: {  	v37 =	vpack.i.f32.bf16 v38, v37  }
0x40: {  	s2 =	sadd.s32 $0x1, s28;
	[tilespmem:s30+$0x90] =	vst v37;
	s30 =	smov.u32 s29  }
0x41: {  	v38 =	vmov s2;
	v37 =	vld.idx.msk [tilespmem:v40+s18+$0x0], $0xffff  }
0x42: {  	v38 =	vand.u32 $0x1FD, v38;
	v39 =	vld.idx.msk [tilespmem:v39+s18+$0x0], $0xffff  }
0x43: {  	v38 =	vbroadcast v38, $0x0;
	_ =	sdelay $0x1  }
0x44: {  	v40 =	vor.u32 v0, v38;
	v38 =	vor.u32 v3, v38;
	_ =	sdelay $0x2  }
0x45: {  	v37 =	vpack.i.f32.bf16 v39, v37  }
0x46: {  	s2 =	sadd.s32 $0x2, s28;
	[tilespmem:s29+$0xFFFFFEE0] =	vst v37  }
0x47: {  	v39 =	vmov s2;
	v37 =	vld.idx.msk [tilespmem:v40+s18+$0x0], $0xffff  }
0x48: {  	v39 =	vand.u32 $0x1FE, v39;
	v38 =	vld.idx.msk [tilespmem:v38+s18+$0x0], $0xffff  }
0x49: {  	v39 =	vbroadcast v39, $0x0;
	_ =	sdelay $0x1  }
0x4a: {  	v40 =	vor.u32 v0, v39;
	v39 =	vor.u32 v3, v39;
	_ =	sdelay $0x2  }
0x4b: {  	v37 =	vpack.i.f32.bf16 v38, v37  }
0x4c: {  	s2 =	sadd.s32 $0x3, s28;
	s28 =	smov.u32 s4;
	[tilespmem:s29+$0xFFFFFF70] =	vst v37  }
0x4d: {  	v38 =	vmov s2;
	v37 =	vld.idx.msk [tilespmem:v40+s18+$0x0], $0xffff  }
0x4e: {  	v38 =	vand.u32 $0x1FF, v38;
	v39 =	vld.idx.msk [tilespmem:v39+s18+$0x0], $0xffff  }
0x4f: {  	v38 =	vbroadcast v38, $0x0;
	_ =	sdelay $0x1  }
0x50: {  	v40 =	vor.u32 v0, v38;
	v38 =	vor.u32 v3, v38;
	_ =	sdelay $0x2  }
.Ltmp0:
0x51: {  	v37 =	vpack.i.f32.bf16 v39, v37;
	(pc) =	sbr.rel @p0 .LBB2_3-.Ltmp0, $4  }
0x52: {  	[tilespmem:s29+$0x0] =	vst v37  }
0x53: {  	v39 =	vmov s28;
	v37 =	vld.idx.msk [tilespmem:v40+s18+$0x0], $0xffff  }
0x54: {  	v39 =	vand.u32 $0x1FC, v39;
	v38 =	vld.idx.msk [tilespmem:v38+s18+$0x0], $0xffff  }
0x55: {  	v39 =	vbroadcast v39, $0x0  }
0x56: {  	_ = 	snop  }
0x57: {  	v40 =	vor.u32 v0, v39  }
0x58: {  	v54 =	vor.u32 v3, v39;
	_ =	sdelay $0x1  }
0x59: {  	s2 =	sadd.s32 $0x1, s28;
	v37 =	vpack.i.f32.bf16 v38, v37  }
0x5a: {  	v55 =	vmov s2;
	[tilespmem:s30+$0x90] =	vst v37  }
0x5b: {  	v37 =	vand.u32 $0x1FD, v55;
	v56 =	vld.idx.msk [tilespmem:v40+s18+$0x0], $0xffff  }
0x5c: {  	v37 =	vbroadcast v37, $0x0;
	v39 =	vld.idx.msk [tilespmem:v54+s18+$0x0], $0xffff;
	_ =	sdelay $0x1  }
0x5d: {  	v57 =	vor.u32 v0, v37  }
0x5e: {  	v37 =	vor.u32 v3, v37;
	_ =	sdelay $0x1  }
0x5f: {  	s4 =	sadd.s32 $0x2, s28;
	s30 =	sadd.s32 $0x240, s29;
	v38 =	vpack.i.f32.bf16 v39, v56  }
0x60: {  	v58 =	vmov s4;
	[tilespmem:s30+$0xFFFFFEE0] =	vst v38  }
0x61: {  	v38 =	vand.u32 $0x1FE, v58;
	v59 =	vld.idx.msk [tilespmem:v57+s18+$0x0], $0xffff  }
0x62: {  	v37 =	vld.idx.msk [tilespmem:v37+s18+$0x0], $0xffff;
	v38 =	vbroadcast v38, $0x0;
	_ =	sdelay $0x1  }
0x63: {  	v60 =	vor.u32 v0, v38  }
0x64: {  	v38 =	vor.u32 v3, v38;
	_ =	sdelay $0x1  }
0x65: {  	s31 =	sadd.s32 $0x3, s28;
	v37 =	vpack.i.f32.bf16 v37, v59  }
0x66: {  	v61 =	vmov s31;
	[tilespmem:s30+$0xFFFFFF70] =	vst v37  }
0x67: {  	v37 =	vand.u32 $0x1FF, v61;
	v62 =	vld.idx.msk [tilespmem:v60+s18+$0x0], $0xffff  }
0x68: {  	v38 =	vld.idx.msk [tilespmem:v38+s18+$0x0], $0xffff;
	v37 =	vbroadcast v37, $0x0;
	_ =	sdelay $0x1  }
0x69: {  	v63 =	vor.u32 v0, v37  }
0x6a: {  	v37 =	vor.u32 v3, v37;
	_ =	sdelay $0x1  }
0x6b: {  	v38 =	vpack.i.f32.bf16 v38, v62  }
0x6c: {  	[tilespmem:s30+$0x0] =	vst v38  }
0x6d: {  	v38 =	vld.idx.msk [tilespmem:v63+s18+$0x0], $0xffff  }
0x6e: {  	s26 =	sadd.s32 $0x1, s26;
	v37 =	vld.idx.msk [tilespmem:v37+s18+$0x0], $0xffff  }
0x6f: {  	p0 =	sne.s32 s26, $0x9  }
.Ltmp1:
0x70: {  	_ = 	snop;
	(pc) =	sbr.rel @p0 .LBB2_2-.Ltmp1, $3  }
0x71: {  	_ =	sdelay $0x1  }
0x72: {  	v37 =	vpack.i.f32.bf16 v37, v38  }
0x73: {  	s1 =	sadd.s32 $0x10, s1;
	[tilespmem:s30+$0x90] =	vst v37  }
0x74: {  	s1 =	simm.s32 $0x0;
	s26 =	simm.s32 $0x12120;
	s28 =	simm.s32 $0x0  }
.LBB2_6:
0x75: {  	v37 =	vmov s1  }
0x76: {  	s2 =	sshll.u32 s28, $0x7;
	v37 =	vand.u32 $0x7C, v37  }
0x77: {  	s2 =	sadd.s32 s9, s2;
	v37 =	vbroadcast v37, $0x0  }
0x78: {  	s2 =	sshrl.u32 s2, $0x3  }
0x79: {  	s2 =	sadd.s32 s0, s2;
	v38 =	vor.u32 v1, v37  }
0x7a: {  	[tilespmem:s21], [sflag:$0x1] =	stream.strided.gather [hbm4b:s2+s19], $0x1000, s20, s19, $0x38;
	v37 =	vor.u32 v4, v37;
	[tilespmem:$0x1F810] =	vst v63  }
0x7b: {  	_ =	swait.ge [sflag:s13], $0x1000  }
0x7c: {  	s4 =	simm.s32 $0x1;
	[sflag:s13] =	ssyncset.done $0x0  }
0x7d: {  	v39 =	vmov s4;
	[sflag:s13] =	ssyncadd.s32 $0xFFFFF000  }
0x7e: {  	v39 =	vand.u32 $0x7D, v39;
	v38 =	vld.idx.msk [tilespmem:v38+s21+$0x0], $0xffff  }
0x7f: {  	v39 =	vbroadcast v39, $0x0;
	v37 =	vld.idx.msk [tilespmem:v37+s21+$0x0], $0xffff;
	_ =	sdelay $0x1  }
0x80: {  	v40 =	vor.u32 v1, v39  }
0x81: {  	v39 =	vor.u32 v4, v39;
	_ =	sdelay $0x1  }
0x82: {  	s3 =	simm.s32 $0x2;
	v37 =	vpack.i.f32.bf16 v37, v38  }
0x83: {  	v57 =	vmov s3;
	[tilespmem:s26+$0xFFFFFEE0] =	vst v37  }
0x84: {  	v37 =	vand.u32 $0x7E, v57;
	v58 =	vld.idx.msk [tilespmem:v40+s21+$0x0], $0xffff  }
0x85: {  	v39 =	vld.idx.msk [tilespmem:v39+s21+$0x0], $0xffff;
	v37 =	vbroadcast v37, $0x0;
	_ =	sdelay $0x1  }
0x86: {  	v59 =	vor.u32 v1, v37  }
0x87: {  	v37 =	vor.u32 v4, v37;
	_ =	sdelay $0x1  }
0x88: {  	s4 =	simm.s32 $0x3;
	v38 =	vpack.i.f32.bf16 v39, v58  }
0x89: {  	v60 =	vmov s4;
	[tilespmem:s26+$0xFFFFFF70] =	vst v38  }
0x8a: {  	v38 =	vand.u32 $0x7F, v60;
	v61 =	vld.idx.msk [tilespmem:v59+s21+$0x0], $0xffff  }
0x8b: {  	v37 =	vld.idx.msk [tilespmem:v37+s21+$0x0], $0xffff;
	v38 =	vbroadcast v38, $0x0;
	_ =	sdelay $0x1  }
0x8c: {  	v62 =	vor.u32 v1, v38  }
0x8d: {  	v38 =	vor.u32 v4, v38;
	_ =	sdelay $0x1  }
0x8e: {  	s29 =	simm.s32 $0x4;
	v37 =	vpack.i.f32.bf16 v37, v61  }
0x8f: {  	v63 =	vmov s29;
	[tilespmem:s26+$0x0] =	vst v37  }
0x90: {  	v39 =	vand.u32 $0x7C, v63;
	v37 =	vld.idx.msk [tilespmem:v62+s21+$0x0], $0xffff  }
0x91: {  	s30 =	smov.u32 s26;
	s31 =	smov.u32 s26;
	s4 =	simm.s32 $0x8;
	v39 =	vbroadcast v39, $0x0;
	v38 =	vld.idx.msk [tilespmem:v38+s21+$0x0], $0xffff  }
.LBB2_7:
0x92: {  	p0 =	slt.u32 s4, $0x7C  }
0x93: {  	s30 =	sadd.s32 $0x240, s30;
	s2 =	smov.u32 s4;
	s4 =	sadd.s32 $0x4, s4;
	v40 =	vor.u32 v1, v39;
	v39 =	vor.u32 v4, v39  }
0x94: {  	_ =	sdelay $0x1  }
0x95: {  	v37 =	vpack.i.f32.bf16 v38, v37  }
0x96: {  	s3 =	sadd.s32 $0x1, s29;
	[tilespmem:s31+$0x90] =	vst v37;
	s31 =	smov.u32 s30  }
0x97: {  	v38 =	vmov s3;
	v37 =	vld.idx.msk [tilespmem:v40+s21+$0x0], $0xffff  }
0x98: {  	v38 =	vand.u32 $0x7D, v38;
	v39 =	vld.idx.msk [tilespmem:v39+s21+$0x0], $0xffff  }
0x99: {  	v38 =	vbroadcast v38, $0x0;
	_ =	sdelay $0x1  }
0x9a: {  	v40 =	vor.u32 v1, v38;
	v38 =	vor.u32 v4, v38;
	_ =	sdelay $0x2  }
0x9b: {  	v37 =	vpack.i.f32.bf16 v39, v37  }
0x9c: {  	s3 =	sadd.s32 $0x2, s29;
	[tilespmem:s30+$0xFFFFFEE0] =	vst v37  }
0x9d: {  	v39 =	vmov s3;
	v37 =	vld.idx.msk [tilespmem:v40+s21+$0x0], $0xffff  }
0x9e: {  	v39 =	vand.u32 $0x7E, v39;
	v38 =	vld.idx.msk [tilespmem:v38+s21+$0x0], $0xffff  }
0x9f: {  	v39 =	vbroadcast v39, $0x0;
	_ =	sdelay $0x1  }
0xa0: {  	v40 =	vor.u32 v1, v39;
	v39 =	vor.u32 v4, v39;
	_ =	sdelay $0x2  }
0xa1: {  	v37 =	vpack.i.f32.bf16 v38, v37  }
0xa2: {  	s3 =	sadd.s32 $0x3, s29;
	s29 =	smov.u32 s2;
	[tilespmem:s30+$0xFFFFFF70] =	vst v37  }
0xa3: {  	v38 =	vmov s3;
	v37 =	vld.idx.msk [tilespmem:v40+s21+$0x0], $0xffff  }
0xa4: {  	v38 =	vand.u32 $0x7F, v38;
	v39 =	vld.idx.msk [tilespmem:v39+s21+$0x0], $0xffff  }
0xa5: {  	v38 =	vbroadcast v38, $0x0;
	_ =	sdelay $0x1  }
0xa6: {  	v40 =	vor.u32 v1, v38;
	v38 =	vor.u32 v4, v38;
	_ =	sdelay $0x2  }
.Ltmp2:
0xa7: {  	v37 =	vpack.i.f32.bf16 v39, v37;
	(pc) =	sbr.rel @p0 .LBB2_7-.Ltmp2, $4  }
0xa8: {  	[tilespmem:s30+$0x0] =	vst v37  }
0xa9: {  	v39 =	vmov s29;
	v37 =	vld.idx.msk [tilespmem:v40+s21+$0x0], $0xffff  }
0xaa: {  	v39 =	vand.u32 $0x7C, v39;
	v38 =	vld.idx.msk [tilespmem:v38+s21+$0x0], $0xffff  }
0xab: {  	v39 =	vbroadcast v39, $0x0  }
0xac: {  	_ = 	snop  }
0xad: {  	v40 =	vor.u32 v1, v39  }
0xae: {  	v54 =	vor.u32 v4, v39;
	_ =	sdelay $0x1  }
0xaf: {  	s2 =	sadd.s32 $0x1, s29;
	v37 =	vpack.i.f32.bf16 v38, v37  }
0xb0: {  	v55 =	vmov s2;
	[tilespmem:s31+$0x90] =	vst v37  }
0xb1: {  	v37 =	vand.u32 $0x7D, v55;
	v56 =	vld.idx.msk [tilespmem:v40+s21+$0x0], $0xffff  }
0xb2: {  	v37 =	vbroadcast v37, $0x0;
	v39 =	vld.idx.msk [tilespmem:v54+s21+$0x0], $0xffff;
	_ =	sdelay $0x1  }
0xb3: {  	v57 =	vor.u32 v1, v37  }
0xb4: {  	v37 =	vor.u32 v4, v37;
	_ =	sdelay $0x1  }
0xb5: {  	s30 =	sadd.s32 $0x240, s30;
	s3 =	sadd.s32 $0x2, s29;
	v38 =	vpack.i.f32.bf16 v39, v56  }
0xb6: {  	v58 =	vmov s3;
	[tilespmem:s30+$0xFFFFFEE0] =	vst v38  }
0xb7: {  	v38 =	vand.u32 $0x7E, v58;
	v59 =	vld.idx.msk [tilespmem:v57+s21+$0x0], $0xffff  }
0xb8: {  	v37 =	vld.idx.msk [tilespmem:v37+s21+$0x0], $0xffff;
	v38 =	vbroadcast v38, $0x0;
	_ =	sdelay $0x1  }
0xb9: {  	v60 =	vor.u32 v1, v38  }
0xba: {  	v38 =	vor.u32 v4, v38;
	_ =	sdelay $0x1  }
0xbb: {  	s31 =	sadd.s32 $0x3, s29;
	v37 =	vpack.i.f32.bf16 v37, v59  }
0xbc: {  	v61 =	vmov s31;
	[tilespmem:s30+$0xFFFFFF70] =	vst v37  }
0xbd: {  	v37 =	vand.u32 $0x7F, v61;
	v62 =	vld.idx.msk [tilespmem:v60+s21+$0x0], $0xffff  }
0xbe: {  	v38 =	vld.idx.msk [tilespmem:v38+s21+$0x0], $0xffff;
	v37 =	vbroadcast v37, $0x0;
	_ =	sdelay $0x1  }
0xbf: {  	v63 =	vor.u32 v1, v37  }
0xc0: {  	v37 =	vor.u32 v4, v37;
	_ =	sdelay $0x1  }
0xc1: {  	v38 =	vpack.i.f32.bf16 v38, v62  }
0xc2: {  	[tilespmem:s30+$0x0] =	vst v38  }
0xc3: {  	v38 =	vld.idx.msk [tilespmem:v63+s21+$0x0], $0xffff  }
0xc4: {  	s28 =	sadd.s32 $0x1, s28;
	v37 =	vld.idx.msk [tilespmem:v37+s21+$0x0], $0xffff  }
0xc5: {  	p0 =	sne.s32 s28, $0x9  }
.Ltmp3:
0xc6: {  	_ = 	snop;
	(pc) =	sbr.rel @p0 .LBB2_6-.Ltmp3, $3  }
0xc7: {  	_ =	sdelay $0x1  }
0xc8: {  	v37 =	vpack.i.f32.bf16 v37, v38  }
0xc9: {  	s26 =	sadd.s32 $0x10, s26;
	[tilespmem:s30+$0x90] =	vst v37  }
0xca: {  	s26 =	simm.s32 $0x0;
	s28 =	simm.s32 $0x1B800;
	s29 =	simm.s32 $0x1C800  }
.LBB2_10:
0xcb: {  	s30 =	smov.u32 s29;
	s31 =	smov.u32 s28;
	s1 =	simm.s32 $0x0  }
.LBB2_11:
0xcc: {  	v37 =	vld [tilespmem:s31+$0x0];
	_ =	sdelay $0x1  }
0xcd: {  	v38 =	vld [tilespmem:s30+$0x0];
	_ =	sdelay $0x2  }
0xce: {  	v37 =	vmul.u32 $0x240, v37;
	_ =	sdelay $0x1  }
0xcf: {  	v39 =	vmul.u32 $0x240, v38;
	v38 =	vshra.s32 v37, $0x2  }
0xd0: {  	(v2sf) =	vpush v38, $0x0;
	_ =	sdelay $0x6  }
0xd1: {  	v37 =	vshra.s32 v39, $0x2  }
0xd2: {  	(v2sf) =	vpush v37, $0x0;
	_ =	sdelay $0x6  }
0xd3: {  	s2 =	spop (v2sf)  }
0xd4: {  	v61 =	vld [tilespmem:s2+$0x0]  }
0xd5: {  	v41 =	vld [tilespmem:s2+$0x10]  }
0xd6: {  	v43 =	vld [tilespmem:s2+$0x20]  }
0xd7: {  	v45 =	vld [tilespmem:s2+$0x30]  }
0xd8: {  	v47 =	vld [tilespmem:s2+$0x40]  }
0xd9: {  	v49 =	vld [tilespmem:s2+$0x50]  }
0xda: {  	v51 =	vld [tilespmem:s2+$0x60]  }
0xdb: {  	s3 =	spop (v2sf);
	v53 =	vld [tilespmem:s2+$0x70]  }
0xdc: {  	v40 =	vld [tilespmem:s3+$0x12000]  }
0xdd: {  	v42 =	vld [tilespmem:s3+$0x12010]  }
0xde: {  	v44 =	vld [tilespmem:s3+$0x12020]  }
0xdf: {  	v46 =	vld [tilespmem:s3+$0x12030]  }
0xe0: {  	v48 =	vld [tilespmem:s3+$0x12040]  }
0xe1: {  	v50 =	vld [tilespmem:s3+$0x12050]  }
0xe2: {  	v52 =	vld [tilespmem:s3+$0x12060]  }
0xe3: {  	v54 =	vld [tilespmem:s3+$0x12070]  }
0xe4: {  	v55 =	vld [tilespmem:s2+$0x80];
	v39 =	vmul.bf16 v40, v61  }
0xe5: {  	(v2sf) =	vpush v38, $0x1;
	v63 =	vld [tilespmem:s3+$0x12080];
	v62 =	vmul.bf16 v46, v45;
	v41 =	vmul.bf16 v42, v41  }
0xe6: {  	(v2sf) =	vpush v37, $0x1;
	v48 =	vmul.bf16 v48, v47;
	v43 =	vmul.bf16 v44, v43  }
0xe7: {  	v50 =	vmul.bf16 v50, v49;
	v56 =	vmul.bf16 v52, v51  }
0xe8: {  	v57 =	vmul.bf16 v54, v53;
	v39 =	vadd.bf16 v62, v39;
	v41 =	vadd.bf16 v48, v41  }
0xe9: {  	v40 =	vadd.bf16 v50, v43  }
0xea: {  	v58 =	vmul.bf16 v63, v55;
	v39 =	vadd.bf16 v56, v39;
	v41 =	vadd.bf16 v57, v41;
	_ =	sdelay $0x1  }
0xeb: {  	v40 =	vadd.bf16 v58, v40;
	v39 =	vadd.bf16 v41, v39;
	_ =	sdelay $0x1  }
0xec: {  	v59 =	vor.u32 s1, v2;
	v39 =	vadd.bf16 v40, v39  }
0xed: {  	v60 =	vor.u32 s1, v5  }
0xee: {  	v61 =	vunpack.i.l.bf16.f32 v39  }
0xef: {  	v39 =	vunpack.i.u.bf16.f32 v39;
	v42 =	vmul.f32 v61, v36  }
0xf0: {  	v39 =	vmul.f32 v39, v36  }
0xf1: {  	[tilespmem:v59+s22+$0x0] =	vst.idx.msk $0xffff, v42  }
0xf2: {  	s3 =	spop (v2sf);
	[tilespmem:v60+s22+$0x0] =	vst.idx.msk $0xffff, v39  }
0xf3: {  	s4 =	spop (v2sf);
	v39 =	vld [tilespmem:s3+$0x0]  }
0xf4: {  	v40 =	vld [tilespmem:s4+$0x12000]  }
0xf5: {  	v41 =	vld [tilespmem:s3+$0x10]  }
0xf6: {  	v42 =	vld [tilespmem:s4+$0x12010]  }
0xf7: {  	v43 =	vld [tilespmem:s3+$0x20]  }
0xf8: {  	v44 =	vld [tilespmem:s4+$0x12020]  }
0xf9: {  	v62 =	vld [tilespmem:s3+$0x30]  }
0xfa: {  	v63 =	vld [tilespmem:s4+$0x12030]  }
0xfb: {  	v47 =	vld [tilespmem:s3+$0x40]  }
0xfc: {  	v48 =	vld [tilespmem:s4+$0x12040]  }
0xfd: {  	v49 =	vld [tilespmem:s3+$0x50]  }
0xfe: {  	v50 =	vld [tilespmem:s4+$0x12050]  }
0xff: {  	v57 =	vld [tilespmem:s3+$0x60]  }
0x100: {  	v58 =	vld [tilespmem:s4+$0x12060]  }
0x101: {  	v59 =	vld [tilespmem:s3+$0x70]  }
0x102: {  	v60 =	vld [tilespmem:s4+$0x12070]  }
0x103: {  	v61 =	vld [tilespmem:s3+$0x80];
	v39 =	vmul.bf16 v40, v39  }
0x104: {  	(v2sf) =	vpush v38, $0x2;
	v62 =	vmul.bf16 v63, v62;
	v63 =	vld [tilespmem:s4+$0x12080];
	v41 =	vmul.bf16 v42, v41  }
0x105: {  	(v2sf) =	vpush v37, $0x2;
	v48 =	vmul.bf16 v48, v47;
	v43 =	vmul.bf16 v44, v43  }
0x106: {  	v50 =	vmul.bf16 v50, v49;
	v56 =	vmul.bf16 v58, v57  }
0x107: {  	v57 =	vmul.bf16 v60, v59;
	v39 =	vadd.bf16 v62, v39;
	v41 =	vadd.bf16 v48, v41  }
0x108: {  	v40 =	vadd.bf16 v50, v43  }
0x109: {  	v39 =	vadd.bf16 v56, v39;
	v41 =	vadd.bf16 v57, v41;
	v58 =	vmul.bf16 v63, v61;
	_ =	sdelay $0x1  }
0x10a: {  	v39 =	vadd.bf16 v41, v39;
	v40 =	vadd.bf16 v58, v40;
	_ =	sdelay $0x1  }
0x10b: {  	v59 =	vor.u32 s1, v6;
	v39 =	vadd.bf16 v40, v39  }
0x10c: {  	v60 =	vor.u32 s1, v7  }
0x10d: {  	v61 =	vunpack.i.l.bf16.f32 v39  }
0x10e: {  	v39 =	vunpack.i.u.bf16.f32 v39;
	v42 =	vmul.f32 v61, v36  }
0x10f: {  	v39 =	vmul.f32 v39, v36  }
0x110: {  	[tilespmem:v59+s22+$0x0] =	vst.idx.msk $0xffff, v42  }
0x111: {  	s3 =	spop (v2sf);
	[tilespmem:v60+s22+$0x0] =	vst.idx.msk $0xffff, v39  }
0x112: {  	s4 =	spop (v2sf);
	v39 =	vld [tilespmem:s3+$0x0]  }
0x113: {  	v40 =	vld [tilespmem:s4+$0x12000]  }
0x114: {  	v41 =	vld [tilespmem:s3+$0x10]  }
0x115: {  	v42 =	vld [tilespmem:s4+$0x12010]  }
0x116: {  	v43 =	vld [tilespmem:s3+$0x20]  }
0x117: {  	v44 =	vld [tilespmem:s4+$0x12020]  }
0x118: {  	v62 =	vld [tilespmem:s3+$0x30]  }
0x119: {  	v63 =	vld [tilespmem:s4+$0x12030]  }
0x11a: {  	v47 =	vld [tilespmem:s3+$0x40]  }
0x11b: {  	v48 =	vld [tilespmem:s4+$0x12040]  }
0x11c: {  	v49 =	vld [tilespmem:s3+$0x50]  }
0x11d: {  	v50 =	vld [tilespmem:s4+$0x12050]  }
0x11e: {  	v57 =	vld [tilespmem:s3+$0x60]  }
0x11f: {  	v58 =	vld [tilespmem:s4+$0x12060]  }
0x120: {  	v59 =	vld [tilespmem:s3+$0x70]  }
0x121: {  	v60 =	vld [tilespmem:s4+$0x12070]  }
0x122: {  	v61 =	vld [tilespmem:s3+$0x80];
	v39 =	vmul.bf16 v40, v39  }
0x123: {  	(v2sf) =	vpush v38, $0x3;
	v62 =	vmul.bf16 v63, v62;
	v63 =	vld [tilespmem:s4+$0x12080];
	v41 =	vmul.bf16 v42, v41  }
0x124: {  	(v2sf) =	vpush v37, $0x3;
	v48 =	vmul.bf16 v48, v47;
	v43 =	vmul.bf16 v44, v43  }
0x125: {  	v50 =	vmul.bf16 v50, v49;
	v56 =	vmul.bf16 v58, v57  }
0x126: {  	v57 =	vmul.bf16 v60, v59;
	v39 =	vadd.bf16 v62, v39;
	v41 =	vadd.bf16 v48, v41  }
0x127: {  	v40 =	vadd.bf16 v50, v43  }
0x128: {  	v39 =	vadd.bf16 v56, v39;
	v41 =	vadd.bf16 v57, v41;
	v58 =	vmul.bf16 v63, v61;
	_ =	sdelay $0x1  }
0x129: {  	v39 =	vadd.bf16 v41, v39;
	v40 =	vadd.bf16 v58, v40;
	_ =	sdelay $0x1  }
0x12a: {  	v59 =	vor.u32 s1, v8;
	v39 =	vadd.bf16 v40, v39  }
0x12b: {  	v60 =	vor.u32 s1, v9  }
0x12c: {  	v61 =	vunpack.i.l.bf16.f32 v39  }
0x12d: {  	v39 =	vunpack.i.u.bf16.f32 v39;
	v42 =	vmul.f32 v61, v36  }
0x12e: {  	v39 =	vmul.f32 v39, v36  }
0x12f: {  	[tilespmem:v59+s22+$0x0] =	vst.idx.msk $0xffff, v42  }
0x130: {  	s3 =	spop (v2sf);
	[tilespmem:v60+s22+$0x0] =	vst.idx.msk $0xffff, v39  }
0x131: {  	s4 =	spop (v2sf);
	v39 =	vld [tilespmem:s3+$0x0]  }
0x132: {  	v40 =	vld [tilespmem:s4+$0x12000]  }
0x133: {  	v41 =	vld [tilespmem:s3+$0x10]  }
0x134: {  	v42 =	vld [tilespmem:s4+$0x12010]  }
0x135: {  	v43 =	vld [tilespmem:s3+$0x20]  }
0x136: {  	v44 =	vld [tilespmem:s4+$0x12020]  }
0x137: {  	v62 =	vld [tilespmem:s3+$0x30]  }
0x138: {  	v63 =	vld [tilespmem:s4+$0x12030]  }
0x139: {  	v47 =	vld [tilespmem:s3+$0x40]  }
0x13a: {  	v48 =	vld [tilespmem:s4+$0x12040]  }
0x13b: {  	v49 =	vld [tilespmem:s3+$0x50]  }
0x13c: {  	v50 =	vld [tilespmem:s4+$0x12050]  }
0x13d: {  	v57 =	vld [tilespmem:s3+$0x60]  }
0x13e: {  	v58 =	vld [tilespmem:s4+$0x12060]  }
0x13f: {  	v59 =	vld [tilespmem:s3+$0x70]  }
0x140: {  	v60 =	vld [tilespmem:s4+$0x12070]  }
0x141: {  	v61 =	vld [tilespmem:s3+$0x80];
	v39 =	vmul.bf16 v40, v39  }
0x142: {  	(v2sf) =	vpush v38, $0x4;
	v62 =	vmul.bf16 v63, v62;
	v63 =	vld [tilespmem:s4+$0x12080];
	v41 =	vmul.bf16 v42, v41  }
0x143: {  	(v2sf) =	vpush v37, $0x4;
	v48 =	vmul.bf16 v48, v47;
	v43 =	vmul.bf16 v44, v43  }
0x144: {  	v50 =	vmul.bf16 v50, v49;
	v56 =	vmul.bf16 v58, v57  }
0x145: {  	v57 =	vmul.bf16 v60, v59;
	v39 =	vadd.bf16 v62, v39;
	v41 =	vadd.bf16 v48, v41  }
0x146: {  	v40 =	vadd.bf16 v50, v43  }
0x147: {  	v39 =	vadd.bf16 v56, v39;
	v41 =	vadd.bf16 v57, v41;
	v58 =	vmul.bf16 v63, v61;
	_ =	sdelay $0x1  }
0x148: {  	v39 =	vadd.bf16 v41, v39;
	v40 =	vadd.bf16 v58, v40;
	_ =	sdelay $0x1  }
0x149: {  	v59 =	vor.u32 s1, v10;
	v39 =	vadd.bf16 v40, v39  }
0x14a: {  	v60 =	vor.u32 s1, v11  }
0x14b: {  	v61 =	vunpack.i.l.bf16.f32 v39  }
0x14c: {  	v39 =	vunpack.i.u.bf16.f32 v39;
	v42 =	vmul.f32 v61, v36  }
0x14d: {  	v39 =	vmul.f32 v39, v36  }
0x14e: {  	[tilespmem:v59+s22+$0x0] =	vst.idx.msk $0xffff, v42  }
0x14f: {  	s3 =	spop (v2sf);
	[tilespmem:v60+s22+$0x0] =	vst.idx.msk $0xffff, v39  }
0x150: {  	s4 =	spop (v2sf);
	v39 =	vld [tilespmem:s3+$0x0]  }
0x151: {  	v40 =	vld [tilespmem:s4+$0x12000]  }
0x152: {  	v41 =	vld [tilespmem:s3+$0x10]  }
0x153: {  	v42 =	vld [tilespmem:s4+$0x12010]  }
0x154: {  	v43 =	vld [tilespmem:s3+$0x20]  }
0x155: {  	v44 =	vld [tilespmem:s4+$0x12020]  }
0x156: {  	v62 =	vld [tilespmem:s3+$0x30]  }
0x157: {  	v63 =	vld [tilespmem:s4+$0x12030]  }
0x158: {  	v47 =	vld [tilespmem:s3+$0x40]  }
0x159: {  	v48 =	vld [tilespmem:s4+$0x12040]  }
0x15a: {  	v49 =	vld [tilespmem:s3+$0x50]  }
0x15b: {  	v50 =	vld [tilespmem:s4+$0x12050]  }
0x15c: {  	v57 =	vld [tilespmem:s3+$0x60]  }
0x15d: {  	v58 =	vld [tilespmem:s4+$0x12060]  }
0x15e: {  	v59 =	vld [tilespmem:s3+$0x70]  }
0x15f: {  	v60 =	vld [tilespmem:s4+$0x12070]  }
0x160: {  	v61 =	vld [tilespmem:s3+$0x80];
	v39 =	vmul.bf16 v40, v39  }
0x161: {  	(v2sf) =	vpush v38, $0x5;
	v62 =	vmul.bf16 v63, v62;
	v63 =	vld [tilespmem:s4+$0x12080];
	v41 =	vmul.bf16 v42, v41  }
0x162: {  	(v2sf) =	vpush v37, $0x5;
	v48 =	vmul.bf16 v48, v47;
	v43 =	vmul.bf16 v44, v43  }
0x163: {  	v50 =	vmul.bf16 v50, v49;
	v56 =	vmul.bf16 v58, v57  }
0x164: {  	v57 =	vmul.bf16 v60, v59;
	v39 =	vadd.bf16 v62, v39;
	v41 =	vadd.bf16 v48, v41  }
0x165: {  	v40 =	vadd.bf16 v50, v43  }
0x166: {  	v39 =	vadd.bf16 v56, v39;
	v41 =	vadd.bf16 v57, v41;
	v58 =	vmul.bf16 v63, v61;
	_ =	sdelay $0x1  }
0x167: {  	v39 =	vadd.bf16 v41, v39;
	v40 =	vadd.bf16 v58, v40;
	_ =	sdelay $0x1  }
0x168: {  	v59 =	vor.u32 s1, v12;
	v39 =	vadd.bf16 v40, v39  }
0x169: {  	v60 =	vor.u32 s1, v13  }
0x16a: {  	v61 =	vunpack.i.l.bf16.f32 v39  }
0x16b: {  	v39 =	vunpack.i.u.bf16.f32 v39;
	v42 =	vmul.f32 v61, v36  }
0x16c: {  	v39 =	vmul.f32 v39, v36  }
0x16d: {  	[tilespmem:v59+s22+$0x0] =	vst.idx.msk $0xffff, v42  }
0x16e: {  	s3 =	spop (v2sf);
	[tilespmem:v60+s22+$0x0] =	vst.idx.msk $0xffff, v39  }
0x16f: {  	s4 =	spop (v2sf);
	v39 =	vld [tilespmem:s3+$0x0]  }
0x170: {  	v40 =	vld [tilespmem:s4+$0x12000]  }
0x171: {  	v41 =	vld [tilespmem:s3+$0x10]  }
0x172: {  	v42 =	vld [tilespmem:s4+$0x12010]  }
0x173: {  	v43 =	vld [tilespmem:s3+$0x20]  }
0x174: {  	v44 =	vld [tilespmem:s4+$0x12020]  }
0x175: {  	v62 =	vld [tilespmem:s3+$0x30]  }
0x176: {  	v63 =	vld [tilespmem:s4+$0x12030]  }
0x177: {  	v47 =	vld [tilespmem:s3+$0x40]  }
0x178: {  	v48 =	vld [tilespmem:s4+$0x12040]  }
0x179: {  	v49 =	vld [tilespmem:s3+$0x50]  }
0x17a: {  	v50 =	vld [tilespmem:s4+$0x12050]  }
0x17b: {  	v57 =	vld [tilespmem:s3+$0x60]  }
0x17c: {  	v58 =	vld [tilespmem:s4+$0x12060]  }
0x17d: {  	v59 =	vld [tilespmem:s3+$0x70]  }
0x17e: {  	v60 =	vld [tilespmem:s4+$0x12070]  }
0x17f: {  	v61 =	vld [tilespmem:s3+$0x80];
	v39 =	vmul.bf16 v40, v39  }
0x180: {  	(v2sf) =	vpush v38, $0x6;
	v62 =	vmul.bf16 v63, v62;
	v63 =	vld [tilespmem:s4+$0x12080];
	v41 =	vmul.bf16 v42, v41  }
0x181: {  	(v2sf) =	vpush v37, $0x6;
	v48 =	vmul.bf16 v48, v47;
	v43 =	vmul.bf16 v44, v43  }
0x182: {  	v50 =	vmul.bf16 v50, v49;
	v56 =	vmul.bf16 v58, v57  }
0x183: {  	v57 =	vmul.bf16 v60, v59;
	v39 =	vadd.bf16 v62, v39;
	v41 =	vadd.bf16 v48, v41  }
0x184: {  	v40 =	vadd.bf16 v50, v43  }
0x185: {  	v39 =	vadd.bf16 v56, v39;
	v41 =	vadd.bf16 v57, v41;
	v58 =	vmul.bf16 v63, v61;
	_ =	sdelay $0x1  }
0x186: {  	v39 =	vadd.bf16 v41, v39;
	v40 =	vadd.bf16 v58, v40;
	_ =	sdelay $0x1  }
0x187: {  	v59 =	vor.u32 s1, v14;
	v39 =	vadd.bf16 v40, v39  }
0x188: {  	v60 =	vor.u32 s1, v15  }
0x189: {  	v61 =	vunpack.i.l.bf16.f32 v39  }
0x18a: {  	v39 =	vunpack.i.u.bf16.f32 v39;
	v42 =	vmul.f32 v61, v36  }
0x18b: {  	v39 =	vmul.f32 v39, v36  }
0x18c: {  	[tilespmem:v59+s22+$0x0] =	vst.idx.msk $0xffff, v42  }
0x18d: {  	s3 =	spop (v2sf);
	[tilespmem:v60+s22+$0x0] =	vst.idx.msk $0xffff, v39  }
0x18e: {  	s4 =	spop (v2sf);
	v39 =	vld [tilespmem:s3+$0x0]  }
0x18f: {  	v40 =	vld [tilespmem:s4+$0x12000]  }
0x190: {  	v41 =	vld [tilespmem:s3+$0x10]  }
0x191: {  	v42 =	vld [tilespmem:s4+$0x12010]  }
0x192: {  	v43 =	vld [tilespmem:s3+$0x20]  }
0x193: {  	v44 =	vld [tilespmem:s4+$0x12020]  }
0x194: {  	v62 =	vld [tilespmem:s3+$0x30]  }
0x195: {  	v63 =	vld [tilespmem:s4+$0x12030]  }
0x196: {  	v47 =	vld [tilespmem:s3+$0x40]  }
0x197: {  	v48 =	vld [tilespmem:s4+$0x12040]  }
0x198: {  	v49 =	vld [tilespmem:s3+$0x50]  }
0x199: {  	v50 =	vld [tilespmem:s4+$0x12050]  }
0x19a: {  	v57 =	vld [tilespmem:s3+$0x60]  }
0x19b: {  	v58 =	vld [tilespmem:s4+$0x12060]  }
0x19c: {  	v59 =	vld [tilespmem:s3+$0x70]  }
0x19d: {  	v60 =	vld [tilespmem:s4+$0x12070]  }
0x19e: {  	v61 =	vld [tilespmem:s3+$0x80];
	v39 =	vmul.bf16 v40, v39  }
0x19f: {  	(v2sf) =	vpush v38, $0x7;
	v62 =	vmul.bf16 v63, v62;
	v63 =	vld [tilespmem:s4+$0x12080];
	v41 =	vmul.bf16 v42, v41  }
0x1a0: {  	(v2sf) =	vpush v37, $0x7;
	v48 =	vmul.bf16 v48, v47;
	v43 =	vmul.bf16 v44, v43  }
0x1a1: {  	v50 =	vmul.bf16 v50, v49;
	v56 =	vmul.bf16 v58, v57  }
0x1a2: {  	v57 =	vmul.bf16 v60, v59;
	v39 =	vadd.bf16 v62, v39;
	v41 =	vadd.bf16 v48, v41  }
0x1a3: {  	v40 =	vadd.bf16 v50, v43  }
0x1a4: {  	v39 =	vadd.bf16 v56, v39;
	v41 =	vadd.bf16 v57, v41;
	v58 =	vmul.bf16 v63, v61;
	_ =	sdelay $0x1  }
0x1a5: {  	v39 =	vadd.bf16 v41, v39;
	v40 =	vadd.bf16 v58, v40;
	_ =	sdelay $0x1  }
0x1a6: {  	v59 =	vor.u32 s1, v16;
	v39 =	vadd.bf16 v40, v39  }
0x1a7: {  	v60 =	vor.u32 s1, v17  }
0x1a8: {  	v61 =	vunpack.i.l.bf16.f32 v39  }
0x1a9: {  	v39 =	vunpack.i.u.bf16.f32 v39;
	v42 =	vmul.f32 v61, v36  }
0x1aa: {  	v39 =	vmul.f32 v39, v36  }
0x1ab: {  	[tilespmem:v59+s22+$0x0] =	vst.idx.msk $0xffff, v42  }
0x1ac: {  	s3 =	spop (v2sf);
	[tilespmem:v60+s22+$0x0] =	vst.idx.msk $0xffff, v39  }
0x1ad: {  	s4 =	spop (v2sf);
	v39 =	vld [tilespmem:s3+$0x0]  }
0x1ae: {  	v40 =	vld [tilespmem:s4+$0x12000]  }
0x1af: {  	v41 =	vld [tilespmem:s3+$0x10]  }
0x1b0: {  	v42 =	vld [tilespmem:s4+$0x12010]  }
0x1b1: {  	v43 =	vld [tilespmem:s3+$0x20]  }
0x1b2: {  	v44 =	vld [tilespmem:s4+$0x12020]  }
0x1b3: {  	v62 =	vld [tilespmem:s3+$0x30]  }
0x1b4: {  	v63 =	vld [tilespmem:s4+$0x12030]  }
0x1b5: {  	v47 =	vld [tilespmem:s3+$0x40]  }
0x1b6: {  	v48 =	vld [tilespmem:s4+$0x12040]  }
0x1b7: {  	v49 =	vld [tilespmem:s3+$0x50]  }
0x1b8: {  	v50 =	vld [tilespmem:s4+$0x12050]  }
0x1b9: {  	v57 =	vld [tilespmem:s3+$0x60]  }
0x1ba: {  	v58 =	vld [tilespmem:s4+$0x12060]  }
0x1bb: {  	v59 =	vld [tilespmem:s3+$0x70]  }
0x1bc: {  	v60 =	vld [tilespmem:s4+$0x12070]  }
0x1bd: {  	v61 =	vld [tilespmem:s3+$0x80];
	v39 =	vmul.bf16 v40, v39  }
0x1be: {  	(v2sf) =	vpush v38, $0x8;
	v62 =	vmul.bf16 v63, v62;
	v63 =	vld [tilespmem:s4+$0x12080];
	v41 =	vmul.bf16 v42, v41  }
0x1bf: {  	(v2sf) =	vpush v37, $0x8;
	v48 =	vmul.bf16 v48, v47;
	v43 =	vmul.bf16 v44, v43  }
0x1c0: {  	v50 =	vmul.bf16 v50, v49;
	v56 =	vmul.bf16 v58, v57  }
0x1c1: {  	v57 =	vmul.bf16 v60, v59;
	v39 =	vadd.bf16 v62, v39;
	v41 =	vadd.bf16 v48, v41  }
0x1c2: {  	v40 =	vadd.bf16 v50, v43  }
0x1c3: {  	v39 =	vadd.bf16 v56, v39;
	v41 =	vadd.bf16 v57, v41;
	v58 =	vmul.bf16 v63, v61;
	_ =	sdelay $0x1  }
0x1c4: {  	v39 =	vadd.bf16 v41, v39;
	v40 =	vadd.bf16 v58, v40;
	_ =	sdelay $0x1  }
0x1c5: {  	v59 =	vor.u32 s1, v18;
	v39 =	vadd.bf16 v40, v39  }
0x1c6: {  	v60 =	vor.u32 s1, v19  }
0x1c7: {  	v61 =	vunpack.i.l.bf16.f32 v39  }
0x1c8: {  	v39 =	vunpack.i.u.bf16.f32 v39;
	v42 =	vmul.f32 v61, v36  }
0x1c9: {  	v39 =	vmul.f32 v39, v36  }
0x1ca: {  	[tilespmem:v59+s22+$0x0] =	vst.idx.msk $0xffff, v42  }
0x1cb: {  	s3 =	spop (v2sf);
	[tilespmem:v60+s22+$0x0] =	vst.idx.msk $0xffff, v39  }
0x1cc: {  	s4 =	spop (v2sf);
	v39 =	vld [tilespmem:s3+$0x0]  }
0x1cd: {  	v40 =	vld [tilespmem:s4+$0x12000]  }
0x1ce: {  	v41 =	vld [tilespmem:s3+$0x10]  }
0x1cf: {  	v42 =	vld [tilespmem:s4+$0x12010]  }
0x1d0: {  	v43 =	vld [tilespmem:s3+$0x20]  }
0x1d1: {  	v44 =	vld [tilespmem:s4+$0x12020]  }
0x1d2: {  	v62 =	vld [tilespmem:s3+$0x30]  }
0x1d3: {  	v63 =	vld [tilespmem:s4+$0x12030]  }
0x1d4: {  	v47 =	vld [tilespmem:s3+$0x40]  }
0x1d5: {  	v48 =	vld [tilespmem:s4+$0x12040]  }
0x1d6: {  	v49 =	vld [tilespmem:s3+$0x50]  }
0x1d7: {  	v50 =	vld [tilespmem:s4+$0x12050]  }
0x1d8: {  	v57 =	vld [tilespmem:s3+$0x60]  }
0x1d9: {  	v58 =	vld [tilespmem:s4+$0x12060]  }
0x1da: {  	v59 =	vld [tilespmem:s3+$0x70]  }
0x1db: {  	v60 =	vld [tilespmem:s4+$0x12070]  }
0x1dc: {  	v61 =	vld [tilespmem:s3+$0x80];
	v39 =	vmul.bf16 v40, v39  }
0x1dd: {  	(v2sf) =	vpush v38, $0x9;
	v62 =	vmul.bf16 v63, v62;
	v63 =	vld [tilespmem:s4+$0x12080];
	v41 =	vmul.bf16 v42, v41  }
0x1de: {  	(v2sf) =	vpush v37, $0x9;
	v48 =	vmul.bf16 v48, v47;
	v43 =	vmul.bf16 v44, v43  }
0x1df: {  	v50 =	vmul.bf16 v50, v49;
	v56 =	vmul.bf16 v58, v57  }
0x1e0: {  	v57 =	vmul.bf16 v60, v59;
	v39 =	vadd.bf16 v62, v39;
	v41 =	vadd.bf16 v48, v41  }
0x1e1: {  	v40 =	vadd.bf16 v50, v43  }
0x1e2: {  	v39 =	vadd.bf16 v56, v39;
	v41 =	vadd.bf16 v57, v41;
	v58 =	vmul.bf16 v63, v61;
	_ =	sdelay $0x1  }
0x1e3: {  	v39 =	vadd.bf16 v41, v39;
	v40 =	vadd.bf16 v58, v40;
	_ =	sdelay $0x1  }
0x1e4: {  	v59 =	vor.u32 s1, v20;
	v39 =	vadd.bf16 v40, v39  }
0x1e5: {  	v60 =	vor.u32 s1, v21  }
0x1e6: {  	v61 =	vunpack.i.l.bf16.f32 v39  }
0x1e7: {  	v39 =	vunpack.i.u.bf16.f32 v39;
	v42 =	vmul.f32 v61, v36  }
0x1e8: {  	v39 =	vmul.f32 v39, v36  }
0x1e9: {  	[tilespmem:v59+s22+$0x0] =	vst.idx.msk $0xffff, v42  }
0x1ea: {  	s3 =	spop (v2sf);
	[tilespmem:v60+s22+$0x0] =	vst.idx.msk $0xffff, v39  }
0x1eb: {  	s4 =	spop (v2sf);
	v39 =	vld [tilespmem:s3+$0x0]  }
0x1ec: {  	v40 =	vld [tilespmem:s4+$0x12000]  }
0x1ed: {  	v41 =	vld [tilespmem:s3+$0x10]  }
0x1ee: {  	v42 =	vld [tilespmem:s4+$0x12010]  }
0x1ef: {  	v43 =	vld [tilespmem:s3+$0x20]  }
0x1f0: {  	v44 =	vld [tilespmem:s4+$0x12020]  }
0x1f1: {  	v62 =	vld [tilespmem:s3+$0x30]  }
0x1f2: {  	v63 =	vld [tilespmem:s4+$0x12030]  }
0x1f3: {  	v47 =	vld [tilespmem:s3+$0x40]  }
0x1f4: {  	v48 =	vld [tilespmem:s4+$0x12040]  }
0x1f5: {  	v49 =	vld [tilespmem:s3+$0x50]  }
0x1f6: {  	v50 =	vld [tilespmem:s4+$0x12050]  }
0x1f7: {  	v57 =	vld [tilespmem:s3+$0x60]  }
0x1f8: {  	v58 =	vld [tilespmem:s4+$0x12060]  }
0x1f9: {  	v59 =	vld [tilespmem:s3+$0x70]  }
0x1fa: {  	v60 =	vld [tilespmem:s4+$0x12070]  }
0x1fb: {  	v61 =	vld [tilespmem:s3+$0x80];
	v39 =	vmul.bf16 v40, v39  }
0x1fc: {  	(v2sf) =	vpush v38, $0xA;
	v62 =	vmul.bf16 v63, v62;
	v63 =	vld [tilespmem:s4+$0x12080];
	v41 =	vmul.bf16 v42, v41  }
0x1fd: {  	(v2sf) =	vpush v37, $0xA;
	v48 =	vmul.bf16 v48, v47;
	v43 =	vmul.bf16 v44, v43  }
0x1fe: {  	v50 =	vmul.bf16 v50, v49;
	v56 =	vmul.bf16 v58, v57  }
0x1ff: {  	v57 =	vmul.bf16 v60, v59;
	v39 =	vadd.bf16 v62, v39;
	v41 =	vadd.bf16 v48, v41  }
0x200: {  	v40 =	vadd.bf16 v50, v43  }
0x201: {  	v39 =	vadd.bf16 v56, v39;
	v41 =	vadd.bf16 v57, v41;
	v58 =	vmul.bf16 v63, v61;
	_ =	sdelay $0x1  }
0x202: {  	v39 =	vadd.bf16 v41, v39;
	v40 =	vadd.bf16 v58, v40;
	_ =	sdelay $0x1  }
0x203: {  	v59 =	vor.u32 s1, v22;
	v39 =	vadd.bf16 v40, v39  }
0x204: {  	v60 =	vor.u32 s1, v23  }
0x205: {  	v61 =	vunpack.i.l.bf16.f32 v39  }
0x206: {  	v39 =	vunpack.i.u.bf16.f32 v39;
	v42 =	vmul.f32 v61, v36  }
0x207: {  	v39 =	vmul.f32 v39, v36  }
0x208: {  	[tilespmem:v59+s22+$0x0] =	vst.idx.msk $0xffff, v42  }
0x209: {  	s3 =	spop (v2sf);
	[tilespmem:v60+s22+$0x0] =	vst.idx.msk $0xffff, v39  }
0x20a: {  	s4 =	spop (v2sf);
	v39 =	vld [tilespmem:s3+$0x0]  }
0x20b: {  	v40 =	vld [tilespmem:s4+$0x12000]  }
0x20c: {  	v41 =	vld [tilespmem:s3+$0x10]  }
0x20d: {  	v42 =	vld [tilespmem:s4+$0x12010]  }
0x20e: {  	v43 =	vld [tilespmem:s3+$0x20]  }
0x20f: {  	v44 =	vld [tilespmem:s4+$0x12020]  }
0x210: {  	v62 =	vld [tilespmem:s3+$0x30]  }
0x211: {  	v63 =	vld [tilespmem:s4+$0x12030]  }
0x212: {  	v47 =	vld [tilespmem:s3+$0x40]  }
0x213: {  	v48 =	vld [tilespmem:s4+$0x12040]  }
0x214: {  	v49 =	vld [tilespmem:s3+$0x50]  }
0x215: {  	v50 =	vld [tilespmem:s4+$0x12050]  }
0x216: {  	v57 =	vld [tilespmem:s3+$0x60]  }
0x217: {  	v58 =	vld [tilespmem:s4+$0x12060]  }
0x218: {  	v59 =	vld [tilespmem:s3+$0x70]  }
0x219: {  	v60 =	vld [tilespmem:s4+$0x12070]  }
0x21a: {  	v61 =	vld [tilespmem:s3+$0x80];
	v39 =	vmul.bf16 v40, v39  }
0x21b: {  	(v2sf) =	vpush v38, $0xB;
	v62 =	vmul.bf16 v63, v62;
	v63 =	vld [tilespmem:s4+$0x12080];
	v41 =	vmul.bf16 v42, v41  }
0x21c: {  	(v2sf) =	vpush v37, $0xB;
	v48 =	vmul.bf16 v48, v47;
	v43 =	vmul.bf16 v44, v43  }
0x21d: {  	v50 =	vmul.bf16 v50, v49;
	v56 =	vmul.bf16 v58, v57  }
0x21e: {  	v57 =	vmul.bf16 v60, v59;
	v39 =	vadd.bf16 v62, v39;
	v41 =	vadd.bf16 v48, v41  }
0x21f: {  	v40 =	vadd.bf16 v50, v43  }
0x220: {  	v39 =	vadd.bf16 v56, v39;
	v41 =	vadd.bf16 v57, v41;
	v58 =	vmul.bf16 v63, v61;
	_ =	sdelay $0x1  }
0x221: {  	v39 =	vadd.bf16 v41, v39;
	v40 =	vadd.bf16 v58, v40;
	_ =	sdelay $0x1  }
0x222: {  	v59 =	vor.u32 s1, v24;
	v39 =	vadd.bf16 v40, v39  }
0x223: {  	v60 =	vor.u32 s1, v25  }
0x224: {  	v61 =	vunpack.i.l.bf16.f32 v39  }
0x225: {  	v39 =	vunpack.i.u.bf16.f32 v39;
	v42 =	vmul.f32 v61, v36  }
0x226: {  	v39 =	vmul.f32 v39, v36  }
0x227: {  	[tilespmem:v59+s22+$0x0] =	vst.idx.msk $0xffff, v42  }
0x228: {  	s3 =	spop (v2sf);
	[tilespmem:v60+s22+$0x0] =	vst.idx.msk $0xffff, v39  }
0x229: {  	s4 =	spop (v2sf);
	v39 =	vld [tilespmem:s3+$0x0]  }
0x22a: {  	v40 =	vld [tilespmem:s4+$0x12000]  }
0x22b: {  	v41 =	vld [tilespmem:s3+$0x10]  }
0x22c: {  	v42 =	vld [tilespmem:s4+$0x12010]  }
0x22d: {  	v43 =	vld [tilespmem:s3+$0x20]  }
0x22e: {  	v44 =	vld [tilespmem:s4+$0x12020]  }
0x22f: {  	v62 =	vld [tilespmem:s3+$0x30]  }
0x230: {  	v63 =	vld [tilespmem:s4+$0x12030]  }
0x231: {  	v47 =	vld [tilespmem:s3+$0x40]  }
0x232: {  	v48 =	vld [tilespmem:s4+$0x12040]  }
0x233: {  	v49 =	vld [tilespmem:s3+$0x50]  }
0x234: {  	v50 =	vld [tilespmem:s4+$0x12050]  }
0x235: {  	v57 =	vld [tilespmem:s3+$0x60]  }
0x236: {  	v58 =	vld [tilespmem:s4+$0x12060]  }
0x237: {  	v59 =	vld [tilespmem:s3+$0x70]  }
0x238: {  	v60 =	vld [tilespmem:s4+$0x12070]  }
0x239: {  	v61 =	vld [tilespmem:s3+$0x80];
	v39 =	vmul.bf16 v40, v39  }
0x23a: {  	(v2sf) =	vpush v38, $0xC;
	v62 =	vmul.bf16 v63, v62;
	v63 =	vld [tilespmem:s4+$0x12080];
	v41 =	vmul.bf16 v42, v41  }
0x23b: {  	(v2sf) =	vpush v37, $0xC;
	v48 =	vmul.bf16 v48, v47;
	v43 =	vmul.bf16 v44, v43  }
0x23c: {  	v50 =	vmul.bf16 v50, v49;
	v56 =	vmul.bf16 v58, v57  }
0x23d: {  	v57 =	vmul.bf16 v60, v59;
	v39 =	vadd.bf16 v62, v39;
	v41 =	vadd.bf16 v48, v41  }
0x23e: {  	v40 =	vadd.bf16 v50, v43  }
0x23f: {  	v39 =	vadd.bf16 v56, v39;
	v41 =	vadd.bf16 v57, v41;
	v58 =	vmul.bf16 v63, v61;
	_ =	sdelay $0x1  }
0x240: {  	v39 =	vadd.bf16 v41, v39;
	v40 =	vadd.bf16 v58, v40;
	_ =	sdelay $0x1  }
0x241: {  	v59 =	vor.u32 s1, v26;
	v39 =	vadd.bf16 v40, v39  }
0x242: {  	v60 =	vor.u32 s1, v27  }
0x243: {  	v61 =	vunpack.i.l.bf16.f32 v39  }
0x244: {  	v39 =	vunpack.i.u.bf16.f32 v39;
	v42 =	vmul.f32 v61, v36  }
0x245: {  	v39 =	vmul.f32 v39, v36  }
0x246: {  	[tilespmem:v59+s22+$0x0] =	vst.idx.msk $0xffff, v42  }
0x247: {  	s3 =	spop (v2sf);
	[tilespmem:v60+s22+$0x0] =	vst.idx.msk $0xffff, v39  }
0x248: {  	s4 =	spop (v2sf);
	v39 =	vld [tilespmem:s3+$0x0]  }
0x249: {  	v40 =	vld [tilespmem:s4+$0x12000]  }
0x24a: {  	v41 =	vld [tilespmem:s3+$0x10]  }
0x24b: {  	v42 =	vld [tilespmem:s4+$0x12010]  }
0x24c: {  	v43 =	vld [tilespmem:s3+$0x20]  }
0x24d: {  	v44 =	vld [tilespmem:s4+$0x12020]  }
0x24e: {  	v62 =	vld [tilespmem:s3+$0x30]  }
0x24f: {  	v63 =	vld [tilespmem:s4+$0x12030]  }
0x250: {  	v47 =	vld [tilespmem:s3+$0x40]  }
0x251: {  	v48 =	vld [tilespmem:s4+$0x12040]  }
0x252: {  	v49 =	vld [tilespmem:s3+$0x50]  }
0x253: {  	v50 =	vld [tilespmem:s4+$0x12050]  }
0x254: {  	v57 =	vld [tilespmem:s3+$0x60]  }
0x255: {  	v58 =	vld [tilespmem:s4+$0x12060]  }
0x256: {  	v59 =	vld [tilespmem:s3+$0x70]  }
0x257: {  	v60 =	vld [tilespmem:s4+$0x12070]  }
0x258: {  	v61 =	vld [tilespmem:s3+$0x80];
	v39 =	vmul.bf16 v40, v39  }
0x259: {  	(v2sf) =	vpush v38, $0xD;
	v62 =	vmul.bf16 v63, v62;
	v63 =	vld [tilespmem:s4+$0x12080];
	v41 =	vmul.bf16 v42, v41  }
0x25a: {  	(v2sf) =	vpush v37, $0xD;
	v48 =	vmul.bf16 v48, v47;
	v43 =	vmul.bf16 v44, v43  }
0x25b: {  	v50 =	vmul.bf16 v50, v49;
	v56 =	vmul.bf16 v58, v57  }
0x25c: {  	v57 =	vmul.bf16 v60, v59;
	v39 =	vadd.bf16 v62, v39;
	v41 =	vadd.bf16 v48, v41  }
0x25d: {  	v40 =	vadd.bf16 v50, v43  }
0x25e: {  	v39 =	vadd.bf16 v56, v39;
	v41 =	vadd.bf16 v57, v41;
	v58 =	vmul.bf16 v63, v61;
	_ =	sdelay $0x1  }
0x25f: {  	v39 =	vadd.bf16 v41, v39;
	v40 =	vadd.bf16 v58, v40;
	_ =	sdelay $0x1  }
0x260: {  	v59 =	vor.u32 s1, v28;
	v39 =	vadd.bf16 v40, v39  }
0x261: {  	v60 =	vor.u32 s1, v29  }
0x262: {  	v61 =	vunpack.i.l.bf16.f32 v39  }
0x263: {  	v39 =	vunpack.i.u.bf16.f32 v39;
	v42 =	vmul.f32 v61, v36  }
0x264: {  	v39 =	vmul.f32 v39, v36  }
0x265: {  	[tilespmem:v59+s22+$0x0] =	vst.idx.msk $0xffff, v42  }
0x266: {  	s3 =	spop (v2sf);
	[tilespmem:v60+s22+$0x0] =	vst.idx.msk $0xffff, v39  }
0x267: {  	s4 =	spop (v2sf);
	v39 =	vld [tilespmem:s3+$0x0]  }
0x268: {  	v40 =	vld [tilespmem:s4+$0x12000]  }
0x269: {  	v41 =	vld [tilespmem:s3+$0x10]  }
0x26a: {  	v42 =	vld [tilespmem:s4+$0x12010]  }
0x26b: {  	v43 =	vld [tilespmem:s3+$0x20]  }
0x26c: {  	v44 =	vld [tilespmem:s4+$0x12020]  }
0x26d: {  	v62 =	vld [tilespmem:s3+$0x30]  }
0x26e: {  	v63 =	vld [tilespmem:s4+$0x12030]  }
0x26f: {  	v47 =	vld [tilespmem:s3+$0x40]  }
0x270: {  	v48 =	vld [tilespmem:s4+$0x12040]  }
0x271: {  	v49 =	vld [tilespmem:s3+$0x50]  }
0x272: {  	v50 =	vld [tilespmem:s4+$0x12050]  }
0x273: {  	v57 =	vld [tilespmem:s3+$0x60]  }
0x274: {  	v58 =	vld [tilespmem:s4+$0x12060]  }
0x275: {  	v59 =	vld [tilespmem:s3+$0x70]  }
0x276: {  	v60 =	vld [tilespmem:s4+$0x12070]  }
0x277: {  	v61 =	vld [tilespmem:s3+$0x80];
	v39 =	vmul.bf16 v40, v39  }
0x278: {  	(v2sf) =	vpush v38, $0xE;
	v62 =	vmul.bf16 v63, v62;
	v63 =	vld [tilespmem:s4+$0x12080];
	v41 =	vmul.bf16 v42, v41  }
0x279: {  	(v2sf) =	vpush v37, $0xE;
	v48 =	vmul.bf16 v48, v47;
	v43 =	vmul.bf16 v44, v43  }
0x27a: {  	v56 =	vmul.bf16 v50, v49;
	v57 =	vmul.bf16 v58, v57  }
0x27b: {  	v58 =	vmul.bf16 v60, v59;
	v39 =	vadd.bf16 v62, v39;
	v41 =	vadd.bf16 v48, v41  }
0x27c: {  	v40 =	vadd.bf16 v56, v43  }
0x27d: {  	v39 =	vadd.bf16 v57, v39;
	v41 =	vadd.bf16 v58, v41;
	v59 =	vmul.bf16 v63, v61;
	_ =	sdelay $0x1  }
0x27e: {  	v39 =	vadd.bf16 v41, v39;
	v40 =	vadd.bf16 v59, v40;
	_ =	sdelay $0x1  }
0x27f: {  	v60 =	vor.u32 s1, v30;
	v39 =	vadd.bf16 v40, v39  }
0x280: {  	v61 =	vor.u32 s1, v31  }
0x281: {  	v62 =	vunpack.i.l.bf16.f32 v39  }
0x282: {  	v39 =	vunpack.i.u.bf16.f32 v39;
	v42 =	vmul.f32 v62, v36  }
0x283: {  	v39 =	vmul.f32 v39, v36  }
0x284: {  	[tilespmem:v60+s22+$0x0] =	vst.idx.msk $0xffff, v42  }
0x285: {  	s3 =	spop (v2sf);
	[tilespmem:v61+s22+$0x0] =	vst.idx.msk $0xffff, v39  }
0x286: {  	s4 =	spop (v2sf);
	v39 =	vld [tilespmem:s3+$0x0]  }
0x287: {  	v40 =	vld [tilespmem:s4+$0x12000]  }
0x288: {  	v41 =	vld [tilespmem:s3+$0x10]  }
0x289: {  	v42 =	vld [tilespmem:s4+$0x12010]  }
0x28a: {  	v43 =	vld [tilespmem:s3+$0x20]  }
0x28b: {  	v44 =	vld [tilespmem:s4+$0x12020]  }
0x28c: {  	v45 =	vld [tilespmem:s3+$0x30]  }
0x28d: {  	v63 =	vld [tilespmem:s4+$0x12030]  }
0x28e: {  	v47 =	vld [tilespmem:s3+$0x40]  }
0x28f: {  	v48 =	vld [tilespmem:s4+$0x12040]  }
0x290: {  	v49 =	vld [tilespmem:s3+$0x50]  }
0x291: {  	v57 =	vld [tilespmem:s4+$0x12050]  }
0x292: {  	v58 =	vld [tilespmem:s3+$0x60]  }
0x293: {  	v59 =	vld [tilespmem:s4+$0x12060]  }
0x294: {  	v60 =	vld [tilespmem:s3+$0x70]  }
0x295: {  	v61 =	vld [tilespmem:s4+$0x12070]  }
0x296: {  	v62 =	vld [tilespmem:s3+$0x80];
	v39 =	vmul.bf16 v40, v39  }
0x297: {  	(v2sf) =	vpush v38, $0xF;
	v63 =	vmul.bf16 v63, v45;
	v45 =	vld [tilespmem:s4+$0x12080];
	v41 =	vmul.bf16 v42, v41  }
0x298: {  	(v2sf) =	vpush v37, $0xF;
	v46 =	vmul.bf16 v48, v47;
	v47 =	vmul.bf16 v44, v43  }
0x299: {  	v48 =	vmul.bf16 v57, v49;
	v49 =	vmul.bf16 v59, v58  }
0x29a: {  	v50 =	vmul.bf16 v61, v60;
	v39 =	vadd.bf16 v63, v39;
	v41 =	vadd.bf16 v46, v41  }
0x29b: {  	v37 =	vadd.bf16 v48, v47  }
0x29c: {  	v39 =	vadd.bf16 v49, v39;
	v51 =	vadd.bf16 v50, v41;
	v38 =	vmul.bf16 v45, v62;
	_ =	sdelay $0x1  }
0x29d: {  	v52 =	vadd.bf16 v51, v39;
	v37 =	vadd.bf16 v38, v37;
	_ =	sdelay $0x1  }
0x29e: {  	v53 =	vor.u32 s1, v32;
	v37 =	vadd.bf16 v37, v52  }
0x29f: {  	v54 =	vor.u32 s1, v33  }
0x2a0: {  	v55 =	vunpack.i.l.bf16.f32 v37  }
0x2a1: {  	v37 =	vunpack.i.u.bf16.f32 v37;
	v40 =	vmul.f32 v55, v36  }
0x2a2: {  	v37 =	vmul.f32 v37, v36  }
0x2a3: {  	[tilespmem:v53+s22+$0x0] =	vst.idx.msk $0xffff, v40  }
0x2a4: {  	s3 =	spop (v2sf);
	[tilespmem:v54+s22+$0x0] =	vst.idx.msk $0xffff, v37  }
0x2a5: {  	s4 =	spop (v2sf);
	v37 =	vld [tilespmem:s3+$0x0]  }
0x2a6: {  	v38 =	vld [tilespmem:s4+$0x12000]  }
0x2a7: {  	v39 =	vld [tilespmem:s3+$0x10]  }
0x2a8: {  	v40 =	vld [tilespmem:s4+$0x12010]  }
0x2a9: {  	v41 =	vld [tilespmem:s3+$0x20]  }
0x2aa: {  	v42 =	vld [tilespmem:s4+$0x12020]  }
0x2ab: {  	v43 =	vld [tilespmem:s3+$0x30]  }
0x2ac: {  	v44 =	vld [tilespmem:s4+$0x12030]  }
0x2ad: {  	v45 =	vld [tilespmem:s3+$0x40]  }
0x2ae: {  	v56 =	vld [tilespmem:s4+$0x12040]  }
0x2af: {  	v57 =	vld [tilespmem:s3+$0x50]  }
0x2b0: {  	v58 =	vld [tilespmem:s4+$0x12050]  }
0x2b1: {  	v59 =	vld [tilespmem:s3+$0x60]  }
0x2b2: {  	v60 =	vld [tilespmem:s4+$0x12060]  }
0x2b3: {  	v61 =	vld [tilespmem:s3+$0x70]  }
0x2b4: {  	v62 =	vld [tilespmem:s4+$0x12070]  }
0x2b5: {  	v63 =	vld [tilespmem:s3+$0x80];
	v37 =	vmul.bf16 v38, v37  }
0x2b6: {  	v55 =	vld [tilespmem:s4+$0x12080];
	v54 =	vmul.bf16 v44, v43;
	v39 =	vmul.bf16 v40, v39  }
0x2b7: {  	v56 =	vmul.bf16 v56, v45;
	v41 =	vmul.bf16 v42, v41  }
0x2b8: {  	v57 =	vmul.bf16 v58, v57;
	v58 =	vmul.bf16 v60, v59  }
0x2b9: {  	v59 =	vmul.bf16 v62, v61;
	v37 =	vadd.bf16 v54, v37;
	v39 =	vadd.bf16 v56, v39  }
0x2ba: {  	v38 =	vadd.bf16 v57, v41  }
0x2bb: {  	v60 =	vmul.bf16 v55, v63;
	v37 =	vadd.bf16 v58, v37;
	v39 =	vadd.bf16 v59, v39;
	_ =	sdelay $0x1  }
0x2bc: {  	v38 =	vadd.bf16 v60, v38;
	v37 =	vadd.bf16 v39, v37;
	_ =	sdelay $0x1  }
0x2bd: {  	v61 =	vor.u32 s1, v34;
	v37 =	vadd.bf16 v38, v37  }
0x2be: {  	p0 =	sne.s32 s1, $0xF0;
	v62 =	vor.u32 s1, v35  }
.Ltmp4:
0x2bf: {  	v63 =	vunpack.i.l.bf16.f32 v37;
	(pc) =	sbr.rel @p0 .LBB2_11-.Ltmp4, $4  }
0x2c0: {  	v37 =	vunpack.i.u.bf16.f32 v37;
	v40 =	vmul.f32 v63, v36  }
0x2c1: {  	v37 =	vmul.f32 v37, v36  }
0x2c2: {  	[tilespmem:v61+s22+$0x0] =	vst.idx.msk $0xffff, v40  }
0x2c3: {  	s31 =	sadd.s32 $0x10, s31;
	s30 =	sadd.s32 $0x10, s30;
	s1 =	sadd.s32 $0x10, s1;
	[tilespmem:v62+s22+$0x0] =	vst.idx.msk $0xffff, v37  }
0x2c4: {  	s1 =	sshll.u32 s26, $0x5;
	s26 =	sadd.s32 $0x1, s26  }
0x2c5: {  	p0 =	sne.s32 s26, $0x10  }
.Ltmp5:
0x2c6: {  	s1 =	sadd.s32 s1, s10;
	(pc) =	sbr.rel @p0 .LBB2_10-.Ltmp5, $4  }
0x2c7: {  	[hbm4b:s1+s23] =	stream.strided.scatter [tilespmem:s22], [sflag:$0x1], $0x2000, s24, s23, $0x38;
	[tilespmem:$0x1F810] =	vst v63  }
0x2c8: {  	_ =	swait.ge [sflag:s13], $0x2000  }
0x2c9: {  	[sflag:s13] =	ssyncset.done $0x0  }
0x2ca: {  	s28 =	sadd.s32 $0x100, s28;
	s29 =	sadd.s32 $0x100, s29;
	[sflag:s13] =	ssyncadd.s32 $0xFFFFE000  }
0x2cb: {  	s25 =	sadd.s32 $0x1, s25  }
0x2cc: {  	p0 =	sne.s32 s25, s11  }
.Ltmp6:
0x2cd: {  	_ = 	snop;
	(pc) =	sbr.rel @p0 .LBB2_1-.Ltmp6, $1  }
0x2ce: {  	_ =	sdelay $0x3  }
0x2cf: {  	_ =	sfence.sel $0x180000  }
0x2d0: {  	[bflag:$0x0] =	sbarrier.arrive $0xFFFF  }
0x2d1: {  	_ =	strace $0x90000047  }
0x2d2: {  	s0 =	stileid.u32;
	[bflag:$0x2] =	sbarrier.arrive $0xFFFF  }
0x2d3: {  	p0 =	sne.s32 s0, $0x0;
	s0 =	rddreg [dreg:$0x4]  }
0x2d4: {  	s0 =	sadd.s32 @!p0 $0x100000, s0  }
0x2d5: {  	[sflag:s0] =	ssyncadd.tile.s32 @!p0 $0x1;
	_ =	shalt  }
.Lfunc_end2:
_tile_overlayer_lowered:
.L_overlay_start_2:
0x2d6: {  	(tag) =	ssettag $0x2  }
0x2d7: {  	s0 =	rddreg [dreg:$0x0];
	s2 =	stileid.u32  }
0x2d8: {  	s1 =	rddreg [dreg:$0x1];
	p0 =	sne.s32 s2, $0x0  }
0x2d9: {  	s3 =	rddreg [dreg:$0x2];
	[bflag:$0x3] =	sbarrier.arrive $0xFFFF;
	s2 =	simm.s32 @!p0 $0x1C01  }
0x2da: {  	[timem:s3], [sflag:s2] =	dma.local @!p0 [hbm:s0], s1  }
0x2db: {  	s0 =	simm.s32 @!p0 $0x1  }
0x2dc: {  	_ =	swait.ge @!p0 [sflag:s0], s1  }
0x2dd: {  	s1 =	ssub.s32 @!p0 $0x0, s1;
	[sflag:s0] =	ssyncset.done @!p0 $0x0  }
0x2de: {  	[sflag:s0] =	ssyncadd.s32 @!p0 s1  }
0x2df: {  	[bflag:$0x3] =	sbarrier.arrive $0xFFFF  }
0x2e0: {  	_ =	shalt  }

</sc_bundles>
